<compile_context>
chip_gen: v7x
topology: tpu7x:2x2x1
jax: 0.10.2.dev20260603
libtpu: 0.0.44.dev20260713+nightly
codegen_flags: <defaults>
</compile_context>

<pallas_src>
import functools
import math

import jax
import jax.numpy as jnp
from jax import lax
from jax.experimental import pallas as pl
from jax.experimental.pallas import tpu as pltpu
from jax.experimental.pallas import tpu_sc as plsc

N = 5000
NPAD = 5120
NCLS = 81
NC = 80
CAP = 112
DETS = 100
SCORE_THRESH = 0.05
NMS_THRESH = 0.5
IMG_W = 1024.0
IMG_H = 1024.0
BBOX_XFORM_CLIP = float(math.log(1000.0 / 16.0))
NEG = -1e30
L = 16
BLK = 1024



def _dense_body(lg_ref, br_ref, pr_ref,
                s_ref, x1_ref, y1_ref, x2_ref, y2_ref):
    l = lg_ref[...]
    m = jnp.max(l, axis=0, keepdims=True)
    e = jnp.exp(l - m)
    den = jnp.sum(e, axis=0, keepdims=True)
    s_ref[...] = e[1:, :] / den

    px1 = pr_ref[0:1, :]
    py1 = pr_ref[1:2, :]
    px2 = pr_ref[2:3, :]
    py2 = pr_ref[3:4, :]
    w = px2 - px1 + 1.0
    h = py2 - py1 + 1.0
    cx = px1 + 0.5 * w
    cy = py1 + 0.5 * h
    br = br_ref[...].reshape(NCLS, 4, -1)[1:]
    dx = br[:, 0, :] / 10.0
    dy = br[:, 1, :] / 10.0
    dw = jnp.minimum(br[:, 2, :] / 5.0, BBOX_XFORM_CLIP)
    dh = jnp.minimum(br[:, 3, :] / 5.0, BBOX_XFORM_CLIP)
    pcx = dx * w + cx
    pcy = dy * h + cy
    pw = jnp.exp(dw) * w
    ph = jnp.exp(dh) * h
    x1_ref[...] = jnp.clip(pcx - 0.5 * pw, 0.0, IMG_W - 1.0)
    y1_ref[...] = jnp.clip(pcy - 0.5 * ph, 0.0, IMG_H - 1.0)
    x2_ref[...] = jnp.clip(pcx + 0.5 * pw - 1.0, 0.0, IMG_W - 1.0)
    y2_ref[...] = jnp.clip(pcy + 0.5 * ph - 1.0, 0.0, IMG_H - 1.0)


def _dense(lg, brt, prop, interpret=False):
    nblk = NPAD // BLK
    cm81 = pl.BlockSpec((NCLS, BLK), lambda j: (0, j))
    cm = pl.BlockSpec((NC, BLK), lambda j: (0, j))
    return pl.pallas_call(
        _dense_body,
        grid=(nblk,),
        in_specs=[
            cm81,
            pl.BlockSpec((NCLS * 4, BLK), lambda j: (0, j)),
            pl.BlockSpec((8, BLK), lambda j: (0, j)),
        ],
        out_specs=[cm] * 5,
        out_shape=[jax.ShapeDtypeStruct((NC, NPAD), jnp.float32)] * 5,
        interpret=interpret,
    )(lg, brt, prop)



UNR = 4


def _merge_amax(pairs):
    rm, ri = pairs[0]
    for rm2, ri2 in pairs[1:]:
        upd = rm2 > rm
        rm = jnp.where(upd, rm2, rm)
        ri = jnp.where(upd, ri2, ri)
    return rm, ri


def _nms_body(s_hbm, x1_hbm, y1_hbm, x2_hbm, y2_hbm,
              ks_hbm, kx1_hbm, ky1_hbm, kx2_hbm, ky2_hbm,
              in_s, in_x1, in_y1, in_x2, in_y2,
              c_s, c_x1, c_y1, c_x2, c_y2, sbuf,
              ko_scr, ko_x1, ko_y1, ko_x2, ko_y2, sem, cnt_smem):
    lane = lax.iota(jnp.int32, L)
    rm0 = jnp.full((L,), NEG, jnp.float32)
    ri0 = jnp.zeros((L,), jnp.int32)

    def process(cidx):
        cps = [pltpu.async_copy(s_hbm.at[cidx], in_s, sem),
               pltpu.async_copy(x1_hbm.at[cidx], in_x1, sem),
               pltpu.async_copy(y1_hbm.at[cidx], in_y1, sem),
               pltpu.async_copy(x2_hbm.at[cidx], in_x2, sem),
               pltpu.async_copy(y2_hbm.at[cidx], in_y2, sem)]
        for cp in cps:
            cp.wait()

        def comp(i, cnt_v):
            sl = pl.ds(i * L, L)
            v = in_s[sl]
            m = v > SCORE_THRESH
            cs = plsc.cumsum(jnp.where(m, jnp.int32(1), jnp.int32(0)))
            idx = cnt_v + cs - 1
            plsc.store_scatter(c_s, [idx], v, mask=m)
            plsc.store_scatter(c_x1, [idx], in_x1[sl], mask=m)
            plsc.store_scatter(c_y1, [idx], in_y1[sl], mask=m)
            plsc.store_scatter(c_x2, [idx], in_x2[sl], mask=m)
            plsc.store_scatter(c_y2, [idx], in_y2[sl], mask=m)
            return cnt_v + plsc.all_reduce_population_count(m)

        cnt_v = plsc.parallel_loop(
            0, NPAD // L, unroll=UNR,
            carry=jnp.zeros((L,), jnp.int32))(comp)
        v_cnt = cnt_v[0]
        nv = (v_cnt + L - 1) // L

        pidx = v_cnt + lane
        pm = pidx < nv * L
        plsc.store_scatter(c_s, [jnp.minimum(pidx, NPAD - 1)],
                           jnp.full((L,), NEG, jnp.float32), mask=pm)

        for j in range(CAP // L):
            ko_scr[pl.ds(j * L, L)] = jnp.full((L,), NEG, jnp.float32)

        def vextract(ri, rm, ms_v):
            ffs = plsc.all_reduce_ffs(rm == ms_v)
            sbuf[pl.ds(0, L)] = ri
            return plsc.load_gather(sbuf, [ffs])

        def am(i, carry):
            rm, ri = carry
            v = c_s[pl.ds(i * L, L)]
            gi = i * L + lane
            upd = v > rm
            return jnp.where(upd, v, rm), jnp.where(upd, gi, ri)

        rm, ri = plsc.parallel_loop(0, nv, unroll=UNR,
                                    carry=(rm0, ri0))(am)
        ms_v = jnp.full((L,), jnp.max(rm))
        curv = vextract(ri, rm, ms_v)

        def w_body(kcnt, carry):
            curv_c, ms_v_c = carry
            bx1 = plsc.load_gather(c_x1, [curv_c])
            by1 = plsc.load_gather(c_y1, [curv_c])
            bx2 = plsc.load_gather(c_x2, [curv_c])
            by2 = plsc.load_gather(c_y2, [curv_c])
            bar = (bx2 - bx1 + 1.0) * (by2 - by1 + 1.0)

            kidx = jnp.full((L,), jnp.minimum(kcnt, CAP - 1))
            live = (lane == 0) & (ms_v_c > 0.0)
            plsc.store_scatter(ko_scr, [kidx], ms_v_c, mask=live)
            plsc.store_scatter(ko_x1, [kidx], bx1, mask=live)
            plsc.store_scatter(ko_y1, [kidx], by1, mask=live)
            plsc.store_scatter(ko_x2, [kidx], bx2, mask=live)
            plsc.store_scatter(ko_y2, [kidx], by2, mask=live)

            def sp(i, carry2):
                rm_i, ri_i = carry2
                sl = pl.ds(i * L, L)
                s = c_s[sl]
                x1c = c_x1[sl]
                y1c = c_y1[sl]
                x2c = c_x2[sl]
                y2c = c_y2[sl]
                ac = (x2c - x1c + 1.0) * (y2c - y1c + 1.0)
                xx1 = jnp.maximum(bx1, x1c)
                yy1 = jnp.maximum(by1, y1c)
                xx2 = jnp.minimum(bx2, x2c)
                yy2 = jnp.minimum(by2, y2c)
                inter = (jnp.maximum(0.0, xx2 - xx1 + 1.0)
                         * jnp.maximum(0.0, yy2 - yy1 + 1.0))
                gi = i * L + lane
                supp = (3.0 * inter > bar + ac) | (gi == curv_c)
                ns = jnp.where(supp, NEG, s)
                c_s[sl] = ns
                upd = ns > rm_i
                return (jnp.where(upd, ns, rm_i), jnp.where(upd, gi, ri_i))

            rm2, ri2 = plsc.parallel_loop(0, nv, unroll=UNR,
                                          carry=(rm0, ri0))(sp)
            ms_v2 = jnp.full((L,), jnp.max(rm2))
            curv2 = vextract(ri2, rm2, ms_v2)
            return curv2, ms_v2

        lax.fori_loop(0, v_cnt, w_body, (curv, ms_v))

        ocps = [pltpu.async_copy(ko_scr, ks_hbm.at[cidx], sem),
                pltpu.async_copy(ko_x1, kx1_hbm.at[cidx], sem),
                pltpu.async_copy(ko_y1, ky1_hbm.at[cidx], sem),
                pltpu.async_copy(ko_x2, kx2_hbm.at[cidx], sem),
                pltpu.async_copy(ko_y2, ky2_hbm.at[cidx], sem)]
        for cp in ocps:
            cp.wait()

    sid = lax.axis_index("s")
    base = lax.axis_index("c") * (NC // 2)

    @pl.when(sid == 0)
    def _():
        cnt_smem[0] = jnp.int32(0)

    plsc.subcore_barrier()

    def st_cond(c):
        return c < NC // 2

    def st_body(c):
        process(base + c)
        return plsc.fetch_and_add(cnt_smem, jnp.int32(1), subcore_id=0)

    lax.while_loop(st_cond, st_body,
                   plsc.fetch_and_add(cnt_smem, jnp.int32(1), subcore_id=0))


def _nms(scm, x1cm, y1cm, x2cm, y2cm):
    mesh = plsc.VectorSubcoreMesh(core_axis_name="c", subcore_axis_name="s",
                                  num_cores=2, num_subcores=16)
    f32 = jnp.float32
    out = jax.ShapeDtypeStruct((NC, CAP), f32)
    return pl.kernel(
        _nms_body,
        out_type=[out] * 5,
        mesh=mesh,
        compiler_params=pltpu.CompilerParams(needs_layout_passes=False),
        scratch_types=(
            [pltpu.VMEM((NPAD,), f32)] * 5
            + [pltpu.VMEM((NPAD,), f32)] * 5
            + [pltpu.VMEM((L,), jnp.int32)]
            + [pltpu.VMEM((CAP,), f32)] * 5
            + [pltpu.SemaphoreType.DMA]
            + [pltpu.SMEM((1,), jnp.int32)]
        ),
    )(scm, x1cm, y1cm, x2cm, y2cm)



def _merge_body(ks, kx1, ky1, kx2, ky2, scm, x1cm, y1cm, x2cm, y2cm,
                ob_hbm, os_hbm, ol_hbm,
                ks_v, kx1_v, ky1_v, kx2_v, ky2_v,
                pos_v, tmp16, sbuf, ob_v, os_v, ol_v):
    wid = lax.axis_index("s") * 2 + lax.axis_index("c")
    lane = lax.iota(jnp.int32, L)
    zero16 = jnp.zeros((L,), jnp.int32)

    @pl.when(wid == 0)
    def _():
        pltpu.sync_copy(ks, ks_v)
        pltpu.sync_copy(kx1, kx1_v)
        pltpu.sync_copy(ky1, ky1_v)
        pltpu.sync_copy(kx2, kx2_v)
        pltpu.sync_copy(ky2, ky2_v)

        def first_elem(hbm):
            pltpu.sync_copy(hbm.at[0, pl.ds(0, L)], tmp16)
            return plsc.load_gather(tmp16, [zero16])

        d_scr = first_elem(scm)
        d_x1 = first_elem(x1cm)
        d_y1 = first_elem(y1cm)
        d_x2 = first_elem(x2cm)
        d_y2 = first_elem(y2cm)

        def init_head(j, _):
            cls16 = j * L + lane
            hs = plsc.load_gather(ks_v, [cls16, zero16])
            sbuf[pl.ds(j * L, L)] = hs
            return 0

        lax.fori_loop(0, NC // L, init_head, 0)
        heads0 = tuple(sbuf[pl.ds(j * L, L)] for j in range(NC // L))

        for j in range(CAP // L):
            pos_v[pl.ds(j * L, L)] = jnp.zeros((L,), jnp.int32)

        def step(t, carry):
            (h0, h1, h2, h3, h4), last = carry
            lcls, lscr, lx1, ly1, lx2, ly2 = last
            m16 = jnp.maximum(jnp.maximum(jnp.maximum(h0, h1),
                                          jnp.maximum(h2, h3)), h4)
            msv = jnp.full((L,), jnp.max(m16))
            f0 = plsc.all_reduce_ffs(h0 == msv)
            f1 = plsc.all_reduce_ffs(h1 == msv)
            f2 = plsc.all_reduce_ffs(h2 == msv)
            f3 = plsc.all_reduce_ffs(h3 == msv)
            f4 = plsc.all_reduce_ffs(h4 == msv)
            cstar = jnp.where(
                f0 < L, f0,
                jnp.where(f1 < L, L + f1,
                          jnp.where(f2 < L, 2 * L + f2,
                                    jnp.where(f3 < L, 3 * L + f3, 4 * L + f4))))
            ex = msv <= -1e29
            csv = jnp.where(ex, 0, cstar)
            pv = plsc.load_gather(pos_v, [csv])
            bx1 = plsc.load_gather(kx1_v, [csv, pv])
            by1 = plsc.load_gather(ky1_v, [csv, pv])
            bx2 = plsc.load_gather(kx2_v, [csv, pv])
            by2 = plsc.load_gather(ky2_v, [csv, pv])
            pn = jnp.minimum(pv + 1, CAP - 1)
            nh_v = plsc.load_gather(ks_v, [csv, pn])
            plsc.store_scatter(pos_v, [csv], pn, mask=lane == 0)

            sel_lane = lane == (csv - (csv // L) * L)
            cchunk = csv // L
            h0 = jnp.where(sel_lane & (cchunk == 0), nh_v, h0)
            h1 = jnp.where(sel_lane & (cchunk == 1), nh_v, h1)
            h2 = jnp.where(sel_lane & (cchunk == 2), nh_v, h2)
            h3 = jnp.where(sel_lane & (cchunk == 3), nh_v, h3)
            h4 = jnp.where(sel_lane & (cchunk == 4), nh_v, h4)

            ncls = jnp.where(ex, lcls, csv + 1)
            nscr = jnp.where(ex, lscr, msv)
            nx1 = jnp.where(ex, lx1, bx1)
            ny1 = jnp.where(ex, ly1, by1)
            nx2 = jnp.where(ex, lx2, bx2)
            ny2 = jnp.where(ex, ly2, by2)

            tv = jnp.full((L,), t)
            plsc.store_scatter(os_v, [tv], nscr, mask=lane == 0)
            plsc.store_scatter(ol_v, [tv], ncls, mask=lane == 0)
            bval = jnp.where(lane == 0, nx1,
                             jnp.where(lane == 1, ny1,
                                       jnp.where(lane == 2, nx2, ny2)))
            plsc.store_scatter(ob_v, [t * 4 + lane], bval, mask=lane < 4)
            return ((h0, h1, h2, h3, h4),
                    (ncls, nscr, nx1, ny1, nx2, ny2))

        ones_i = jnp.full((L,), 1, jnp.int32)
        lax.fori_loop(0, DETS, step,
                      (heads0,
                       (ones_i, d_scr, d_x1, d_y1, d_x2, d_y2)))

        pltpu.sync_copy(ob_v, ob_hbm)
        pltpu.sync_copy(os_v, os_hbm)
        pltpu.sync_copy(ol_v, ol_hbm)


def _merge(ks, kx1, ky1, kx2, ky2, scm, x1cm, y1cm, x2cm, y2cm):
    mesh = plsc.VectorSubcoreMesh(core_axis_name="c", subcore_axis_name="s",
                                  num_cores=2, num_subcores=16)
    f32 = jnp.float32
    i32 = jnp.int32
    return pl.kernel(
        _merge_body,
        compiler_params=pltpu.CompilerParams(needs_layout_passes=False),
        out_type=[
            jax.ShapeDtypeStruct((CAP * 4,), f32),
            jax.ShapeDtypeStruct((CAP,), f32),
            jax.ShapeDtypeStruct((CAP,), i32),
        ],
        mesh=mesh,
        scratch_types=(
            [pltpu.VMEM((NC, CAP), f32)] * 5
            + [pltpu.VMEM((128,), i32),
               pltpu.VMEM((L,), f32),
               pltpu.VMEM((NC,), f32),
               pltpu.VMEM((CAP * 4,), f32), pltpu.VMEM((CAP,), f32),
               pltpu.VMEM((CAP,), i32)]
        ),
    )(ks, kx1, ky1, kx2, ky2, scm, x1cm, y1cm, x2cm, y2cm)



_DIAG = 0


def kernel(class_logits, box_regression, proposals):
    pad = NPAD - N
    lg = jnp.pad(class_logits, ((0, pad), (0, 0))).T
    brt = jnp.pad(box_regression.T, ((0, 0), (0, pad)))
    prop = jnp.pad(proposals.T, ((0, 4), (0, pad)))

    scm, x1cm, y1cm, x2cm, y2cm = _dense(lg, brt, prop)
    if _DIAG == 1:
        return (x1cm[0, :400].reshape(DETS, 4), scm[0, :DETS],
                y1cm[0, :DETS].astype(jnp.int32))
    ks, kx1, ky1, kx2, ky2 = _nms(scm, x1cm, y1cm, x2cm, y2cm)
    if _DIAG == 2:
        return (kx1[0, :400].reshape(DETS, 4), ks[0, :DETS],
                ky1[0, :DETS].astype(jnp.int32))
    ob, osc, olb = _merge(ks, kx1, ky1, kx2, ky2,
                          scm, x1cm, y1cm, x2cm, y2cm)
    det_boxes = ob[: DETS * 4].reshape(DETS, 4)
    return det_boxes, osc[:DETS], olb[:DETS]

# --- scband reference (transcript-rebuilt; emitter-appended) ---
"""Pipeline reference for scband-ro-iheads-12919261626793 (READ-ONLY COPY).

The authoritative reference and input builder live on the scoring server;
editing this copy changes nothing except your own understanding.
"""

import jax, jax.numpy as jnp
import numpy as np

N = 5000
NUM_CLASSES = 81
IMG_W = 1024
IMG_H = 1024
SCORE_THRESH = 0.05
NMS_THRESH = 0.5
DETS_PER_IMG = 100
WEIGHTS = (10.0, 10.0, 5.0, 5.0)
BBOX_XFORM_CLIP = float(np.log(1000.0 / 16.0))


def setup_inputs(seed: int = 0):
    key = jax.random.key(seed)
    k1, k2, k3, k4 = jax.random.split(key, 4)
    class_logits = jax.random.normal(k1, (N, NUM_CLASSES), dtype=jnp.float32)
    box_regression = jax.random.normal(k2, (N, NUM_CLASSES * 4), dtype=jnp.float32)
    xy = jax.random.uniform(k3, (N, 2), minval=0.0, maxval=900.0)
    wh = jax.random.uniform(k4, (N, 2), minval=8.0, maxval=120.0)
    proposals = jnp.concatenate([xy, xy + wh], axis=1).astype(jnp.float32)
    return {"class_logits": class_logits, "box_regression": box_regression, "proposals": proposals}


def decode(rel_codes, boxes):
    # BoxCoder.decode, maskrcnn-benchmark style (TO_REMOVE = 1)
    widths = boxes[:, 2] - boxes[:, 0] + 1.0
    heights = boxes[:, 3] - boxes[:, 1] + 1.0
    ctr_x = boxes[:, 0] + 0.5 * widths
    ctr_y = boxes[:, 1] + 0.5 * heights
    rel = rel_codes.reshape(rel_codes.shape[0], -1, 4)
    wx, wy, ww, wh = WEIGHTS
    dx = rel[..., 0] / wx
    dy = rel[..., 1] / wy
    dw = jnp.minimum(rel[..., 2] / ww, BBOX_XFORM_CLIP)
    dh = jnp.minimum(rel[..., 3] / wh, BBOX_XFORM_CLIP)
    pred_ctr_x = dx * widths[:, None] + ctr_x[:, None]
    pred_ctr_y = dy * heights[:, None] + ctr_y[:, None]
    pred_w = jnp.exp(dw) * widths[:, None]
    pred_h = jnp.exp(dh) * heights[:, None]
    x1 = pred_ctr_x - 0.5 * pred_w
    y1 = pred_ctr_y - 0.5 * pred_h
    x2 = pred_ctr_x + 0.5 * pred_w - 1.0
    y2 = pred_ctr_y + 0.5 * pred_h - 1.0
    return jnp.stack([x1, y1, x2, y2], axis=-1)  # [N, C, 4]


def clip_boxes(b):
    # clip_to_image(remove_empty=False)
    x1 = jnp.clip(b[..., 0], 0.0, IMG_W - 1.0)
    y1 = jnp.clip(b[..., 1], 0.0, IMG_H - 1.0)
    x2 = jnp.clip(b[..., 2], 0.0, IMG_W - 1.0)
    y2 = jnp.clip(b[..., 3], 0.0, IMG_H - 1.0)
    return jnp.stack([x1, y1, x2, y2], axis=-1)


def nms_mask(boxes, scores, valid):
    # greedy NMS over a fixed-length array; invalid entries carry -inf score,
    # start unkept, and therefore never suppress anything
    masked = jnp.where(valid, scores, -jnp.inf)
    order = jnp.argsort(-masked)
    b = boxes[order]
    x1, y1, x2, y2 = b[:, 0], b[:, 1], b[:, 2], b[:, 3]
    areas = (x2 - x1 + 1.0) * (y2 - y1 + 1.0)
    idx = jnp.arange(boxes.shape[0])

    def body(i, keep):
        xx1 = jnp.maximum(x1[i], x1)
        yy1 = jnp.maximum(y1[i], y1)
        xx2 = jnp.minimum(x2[i], x2)
        yy2 = jnp.minimum(y2[i], y2)
        inter = jnp.maximum(0.0, xx2 - xx1 + 1.0) * jnp.maximum(0.0, yy2 - yy1 + 1.0)
        iou = inter / (areas[i] + areas - inter)
        suppress = (iou > NMS_THRESH) & (idx > i)
        return jnp.where(keep[i], keep & ~suppress, keep)

    keep = jax.lax.fori_loop(0, boxes.shape[0], body, valid[order])
    return order, keep, masked[order]


def select_indices(probs, boxes):
    # per-class score threshold + NMS, then global top detections_per_img
    scores_all = probs[:, 1:].T  # [C-1, N]
    boxes_all = jnp.transpose(boxes[:, 1:, :], (1, 0, 2))  # [C-1, N, 4]
    valid_all = scores_all > SCORE_THRESH
    order_all, keep_all, scr_all = jax.vmap(nms_mask)(boxes_all, scores_all, valid_all)
    cls_all = jnp.broadcast_to(
        jnp.arange(1, NUM_CLASSES, dtype=jnp.int32)[:, None], order_all.shape
    )
    rows_flat = order_all.reshape(-1)
    cls_flat = cls_all.reshape(-1)
    scr_flat = jnp.where(keep_all, scr_all, -jnp.inf).reshape(-1)
    top = jnp.argsort(-scr_flat)[:DETS_PER_IMG]
    rows_t = rows_flat[top]
    cls_t = cls_flat[top]
    k = jnp.sum(keep_all).astype(jnp.int32)
    g = jnp.clip(jnp.arange(DETS_PER_IMG), 0, jnp.maximum(k - 1, 0))
    rows = jnp.where(k > 0, rows_t[g], 0)
    cls = jnp.where(k > 0, cls_t[g], 1)
    return rows, cls


def reference(class_logits, box_regression, proposals):
    probs = jax.nn.softmax(class_logits, axis=-1)
    decoded = clip_boxes(decode(box_regression, proposals))
    rows, cls = select_indices(probs, decoded)
    r = jnp.asarray(rows, dtype=jnp.int32)
    c = jnp.asarray(cls, dtype=jnp.int32)
    det_boxes = decoded[r, c]
    det_scores = probs[r, c]
    det_labels = c
    return det_boxes, det_scores, det_labels

if __name__ == "__main__":
    import jax
    _d = setup_inputs()
    print(jax.jit(kernel)(*tuple(_d.values())))

</pallas_src>

<mosaic_0001>
#map = affine_map<(d0, d1) -> (0, 0)>
module attributes {stable_mosaic.version = 14 : i64} {
  func.func @_nms_body(%arg0: i32, %arg1: i32, %arg2: memref<80x5120xf32, #tpu.memory_space<hbm>>, %arg3: memref<80x5120xf32, #tpu.memory_space<hbm>>, %arg4: memref<80x5120xf32, #tpu.memory_space<hbm>>, %arg5: memref<80x5120xf32, #tpu.memory_space<hbm>>, %arg6: memref<80x5120xf32, #tpu.memory_space<hbm>>, %arg7: memref<80x112xf32, #tpu.memory_space<hbm>>, %arg8: memref<80x112xf32, #tpu.memory_space<hbm>>, %arg9: memref<80x112xf32, #tpu.memory_space<hbm>>, %arg10: memref<80x112xf32, #tpu.memory_space<hbm>>, %arg11: memref<80x112xf32, #tpu.memory_space<hbm>>, %arg12: memref<5120xf32, #tpu.memory_space<vmem>>, %arg13: memref<5120xf32, #tpu.memory_space<vmem>>, %arg14: memref<5120xf32, #tpu.memory_space<vmem>>, %arg15: memref<5120xf32, #tpu.memory_space<vmem>>, %arg16: memref<5120xf32, #tpu.memory_space<vmem>>, %arg17: memref<5120xf32, #tpu.memory_space<vmem>>, %arg18: memref<5120xf32, #tpu.memory_space<vmem>>, %arg19: memref<5120xf32, #tpu.memory_space<vmem>>, %arg20: memref<5120xf32, #tpu.memory_space<vmem>>, %arg21: memref<5120xf32, #tpu.memory_space<vmem>>, %arg22: memref<16xi32, #tpu.memory_space<vmem>>, %arg23: memref<112xf32, #tpu.memory_space<vmem>>, %arg24: memref<112xf32, #tpu.memory_space<vmem>>, %arg25: memref<112xf32, #tpu.memory_space<vmem>>, %arg26: memref<112xf32, #tpu.memory_space<vmem>>, %arg27: memref<112xf32, #tpu.memory_space<vmem>>, %arg28: memref<!tpu.dma_semaphore, #tpu.memory_space<semaphore_mem>>, %arg29: memref<1xi32, #tpu.memory_space<smem>>) attributes {dimension_semantics = [#tpu.dimension_semantics<core_parallel>, #tpu.dimension_semantics<subcore_parallel>], iteration_bounds = array<i64: 2, 16>, scalar_prefetch = 0 : i64, scratch_operands = 18 : i64, tpu.core_type = #tpu.core_type<sc_vector_subcore>, window_params = [{transform_indices = #map}, {transform_indices = #map}, {transform_indices = #map}, {transform_indices = #map}, {transform_indices = #map}, {transform_indices = #map}, {transform_indices = #map}, {transform_indices = #map}, {transform_indices = #map}, {transform_indices = #map}]} {
    %iota3A = tpu.iota {dimensions = array<i32: 0>} : vector<16xi32>
    %broadcast_in_dim3A = arith.constant -1.000000e+30 : f32
    %broadcast_in_dim3A_0 = vector.broadcast %broadcast_in_dim3A : f32 to vector<16xf32>
    %broadcast_in_dim3A_1 = arith.constant 0 : i32
    %broadcast_in_dim3A_2 = vector.broadcast %broadcast_in_dim3A_1 : i32 to vector<16xi32>
    %mul3A = arith.constant 40 : i32
    %mul3A_3 = arith.muli %arg0, %mul3A : i32
    %eq3A = arith.constant 0 : i32
    %eq3A_4 = arith.cmpi eq, %arg1, %eq3A : i32
    %convert_element_type3A = arith.extui %eq3A_4 : i1 to i32
    %cond3A = arith.constant 0 : i32
    %cond3A_5 = arith.cmpi ne, %convert_element_type3A, %cond3A : i32
    scf.if %cond3A_5 {
      %swap3A = arith.constant 0 : i32
      %swap3A_9 = arith.constant 0 : i32
      %swap3A_10 = arith.index_cast %swap3A_9 : i32 to index
      %swap3A_11 = memref.load %arg29[%swap3A_10] : memref<1xi32, #tpu.memory_space<smem>>
      memref.store %swap3A, %arg29[%swap3A_10] : memref<1xi32, #tpu.memory_space<smem>>
    } else {
    }
    %barrier3A = arith.constant 0 : index
    tpu.barrier barrier_id(%barrier3A)
    %sc_fetch_and_add3A = arith.constant 1 : i32
    %sc_fetch_and_add3A_6 = arith.constant 0 : i32
    %sc_fetch_and_add3A_7 = arith.constant 0 : i32
    %sc_fetch_and_add3A_8 = tpu.fetch_and_add_sync %arg29[%sc_fetch_and_add3A_6], %sc_fetch_and_add3A, %sc_fetch_and_add3A_7 : memref<1xi32, #tpu.memory_space<smem>>, i32 -> i32
    %while3A = scf.while (%while3A_9 = %sc_fetch_and_add3A_8) : (i32) -> i32 {
      %lt3A = arith.constant 40 : i32
      %lt3A_10 = arith.cmpi slt, %while3A_9, %lt3A : i32
      scf.condition(%lt3A_10) %while3A_9 : i32
    } do {
    ^bb0(%while3A_9: i32):
      %add3A = arith.addi %mul3A_3, %while3A_9 : i32
      %dma_start3A = arith.constant 0 : i32
      %dma_start3A_10 = tpu.memref_slice %arg2[%add3A, %dma_start3A] : memref<80x5120xf32, #tpu.memory_space<hbm>> -> memref<1x5120xf32, #tpu.memory_space<hbm>>
      %dma_start3A_11 = tpu.memref_squeeze %dma_start3A_10 : memref<1x5120xf32, #tpu.memory_space<hbm>> -> memref<5120xf32, #tpu.memory_space<hbm>>
      %dma_start3A_12 = arith.constant 0 : i32
      %dma_start3A_13 = tpu.memref_slice %arg2[%add3A, %dma_start3A_12] : memref<80x5120xf32, #tpu.memory_space<hbm>> -> memref<1x5120xf32, #tpu.memory_space<hbm>>
      %dma_start3A_14 = tpu.memref_squeeze %dma_start3A_13 : memref<1x5120xf32, #tpu.memory_space<hbm>> -> memref<5120xf32, #tpu.memory_space<hbm>>
      tpu.enqueue_dma source(%dma_start3A_14 : memref<5120xf32, #tpu.memory_space<hbm>>) target(%arg12 : memref<5120xf32, #tpu.memory_space<vmem>>) target_semaphore(%arg28 : memref<!tpu.dma_semaphore, #tpu.memory_space<semaphore_mem>>)
      %dma_start3A_15 = arith.constant 0 : i32
      %dma_start3A_16 = tpu.memref_slice %arg3[%add3A, %dma_start3A_15] : memref<80x5120xf32, #tpu.memory_space<hbm>> -> memref<1x5120xf32, #tpu.memory_space<hbm>>
      %dma_start3A_17 = tpu.memref_squeeze %dma_start3A_16 : memref<1x5120xf32, #tpu.memory_space<hbm>> -> memref<5120xf32, #tpu.memory_space<hbm>>
      %dma_start3A_18 = arith.constant 0 : i32
      %dma_start3A_19 = tpu.memref_slice %arg3[%add3A, %dma_start3A_18] : memref<80x5120xf32, #tpu.memory_space<hbm>> -> memref<1x5120xf32, #tpu.memory_space<hbm>>
      %dma_start3A_20 = tpu.memref_squeeze %dma_start3A_19 : memref<1x5120xf32, #tpu.memory_space<hbm>> -> memref<5120xf32, #tpu.memory_space<hbm>>
      tpu.enqueue_dma source(%dma_start3A_20 : memref<5120xf32, #tpu.memory_space<hbm>>) target(%arg13 : memref<5120xf32, #tpu.memory_space<vmem>>) target_semaphore(%arg28 : memref<!tpu.dma_semaphore, #tpu.memory_space<semaphore_mem>>)
      %dma_start3A_21 = arith.constant 0 : i32
      %dma_start3A_22 = tpu.memref_slice %arg4[%add3A, %dma_start3A_21] : memref<80x5120xf32, #tpu.memory_space<hbm>> -> memref<1x5120xf32, #tpu.memory_space<hbm>>
      %dma_start3A_23 = tpu.memref_squeeze %dma_start3A_22 : memref<1x5120xf32, #tpu.memory_space<hbm>> -> memref<5120xf32, #tpu.memory_space<hbm>>
      %dma_start3A_24 = arith.constant 0 : i32
      %dma_start3A_25 = tpu.memref_slice %arg4[%add3A, %dma_start3A_24] : memref<80x5120xf32, #tpu.memory_space<hbm>> -> memref<1x5120xf32, #tpu.memory_space<hbm>>
      %dma_start3A_26 = tpu.memref_squeeze %dma_start3A_25 : memref<1x5120xf32, #tpu.memory_space<hbm>> -> memref<5120xf32, #tpu.memory_space<hbm>>
      tpu.enqueue_dma source(%dma_start3A_26 : memref<5120xf32, #tpu.memory_space<hbm>>) target(%arg14 : memref<5120xf32, #tpu.memory_space<vmem>>) target_semaphore(%arg28 : memref<!tpu.dma_semaphore, #tpu.memory_space<semaphore_mem>>)
      %dma_start3A_27 = arith.constant 0 : i32
      %dma_start3A_28 = tpu.memref_slice %arg5[%add3A, %dma_start3A_27] : memref<80x5120xf32, #tpu.memory_space<hbm>> -> memref<1x5120xf32, #tpu.memory_space<hbm>>
      %dma_start3A_29 = tpu.memref_squeeze %dma_start3A_28 : memref<1x5120xf32, #tpu.memory_space<hbm>> -> memref<5120xf32, #tpu.memory_space<hbm>>
      %dma_start3A_30 = arith.constant 0 : i32
      %dma_start3A_31 = tpu.memref_slice %arg5[%add3A, %dma_start3A_30] : memref<80x5120xf32, #tpu.memory_space<hbm>> -> memref<1x5120xf32, #tpu.memory_space<hbm>>
      %dma_start3A_32 = tpu.memref_squeeze %dma_start3A_31 : memref<1x5120xf32, #tpu.memory_space<hbm>> -> memref<5120xf32, #tpu.memory_space<hbm>>
      tpu.enqueue_dma source(%dma_start3A_32 : memref<5120xf32, #tpu.memory_space<hbm>>) target(%arg15 : memref<5120xf32, #tpu.memory_space<vmem>>) target_semaphore(%arg28 : memref<!tpu.dma_semaphore, #tpu.memory_space<semaphore_mem>>)
      %dma_start3A_33 = arith.constant 0 : i32
      %dma_start3A_34 = tpu.memref_slice %arg6[%add3A, %dma_start3A_33] : memref<80x5120xf32, #tpu.memory_space<hbm>> -> memref<1x5120xf32, #tpu.memory_space<hbm>>
      %dma_start3A_35 = tpu.memref_squeeze %dma_start3A_34 : memref<1x5120xf32, #tpu.memory_space<hbm>> -> memref<5120xf32, #tpu.memory_space<hbm>>
      %dma_start3A_36 = arith.constant 0 : i32
      %dma_start3A_37 = tpu.memref_slice %arg6[%add3A, %dma_start3A_36] : memref<80x5120xf32, #tpu.memory_space<hbm>> -> memref<1x5120xf32, #tpu.memory_space<hbm>>
      %dma_start3A_38 = tpu.memref_squeeze %dma_start3A_37 : memref<1x5120xf32, #tpu.memory_space<hbm>> -> memref<5120xf32, #tpu.memory_space<hbm>>
      tpu.enqueue_dma source(%dma_start3A_38 : memref<5120xf32, #tpu.memory_space<hbm>>) target(%arg16 : memref<5120xf32, #tpu.memory_space<vmem>>) target_semaphore(%arg28 : memref<!tpu.dma_semaphore, #tpu.memory_space<semaphore_mem>>)
      %dma_wait3A = arith.constant 0 : i32
      %dma_wait3A_39 = tpu.memref_slice %arg2[%add3A, %dma_wait3A] : memref<80x5120xf32, #tpu.memory_space<hbm>> -> memref<1x5120xf32, #tpu.memory_space<hbm>>
      %dma_wait3A_40 = tpu.memref_squeeze %dma_wait3A_39 : memref<1x5120xf32, #tpu.memory_space<hbm>> -> memref<5120xf32, #tpu.memory_space<hbm>>
      %dma_wait3A_41 = arith.constant 0 : i32
      %dma_wait3A_42 = tpu.memref_slice %arg2[%add3A, %dma_wait3A_41] : memref<80x5120xf32, #tpu.memory_space<hbm>> -> memref<1x5120xf32, #tpu.memory_space<hbm>>
      %dma_wait3A_43 = tpu.memref_squeeze %dma_wait3A_42 : memref<1x5120xf32, #tpu.memory_space<hbm>> -> memref<5120xf32, #tpu.memory_space<hbm>>
      tpu.wait_dma2 semaphore(%arg28 : memref<!tpu.dma_semaphore, #tpu.memory_space<semaphore_mem>>) src(%dma_wait3A_43 : memref<5120xf32, #tpu.memory_space<hbm>>) dst(%arg12 : memref<5120xf32, #tpu.memory_space<vmem>>)
      %dma_wait3A_44 = arith.constant 0 : i32
      %dma_wait3A_45 = tpu.memref_slice %arg3[%add3A, %dma_wait3A_44] : memref<80x5120xf32, #tpu.memory_space<hbm>> -> memref<1x5120xf32, #tpu.memory_space<hbm>>
      %dma_wait3A_46 = tpu.memref_squeeze %dma_wait3A_45 : memref<1x5120xf32, #tpu.memory_space<hbm>> -> memref<5120xf32, #tpu.memory_space<hbm>>
      %dma_wait3A_47 = arith.constant 0 : i32
      %dma_wait3A_48 = tpu.memref_slice %arg3[%add3A, %dma_wait3A_47] : memref<80x5120xf32, #tpu.memory_space<hbm>> -> memref<1x5120xf32, #tpu.memory_space<hbm>>
      %dma_wait3A_49 = tpu.memref_squeeze %dma_wait3A_48 : memref<1x5120xf32, #tpu.memory_space<hbm>> -> memref<5120xf32, #tpu.memory_space<hbm>>
      tpu.wait_dma2 semaphore(%arg28 : memref<!tpu.dma_semaphore, #tpu.memory_space<semaphore_mem>>) src(%dma_wait3A_49 : memref<5120xf32, #tpu.memory_space<hbm>>) dst(%arg13 : memref<5120xf32, #tpu.memory_space<vmem>>)
      %dma_wait3A_50 = arith.constant 0 : i32
      %dma_wait3A_51 = tpu.memref_slice %arg4[%add3A, %dma_wait3A_50] : memref<80x5120xf32, #tpu.memory_space<hbm>> -> memref<1x5120xf32, #tpu.memory_space<hbm>>
      %dma_wait3A_52 = tpu.memref_squeeze %dma_wait3A_51 : memref<1x5120xf32, #tpu.memory_space<hbm>> -> memref<5120xf32, #tpu.memory_space<hbm>>
      %dma_wait3A_53 = arith.constant 0 : i32
      %dma_wait3A_54 = tpu.memref_slice %arg4[%add3A, %dma_wait3A_53] : memref<80x5120xf32, #tpu.memory_space<hbm>> -> memref<1x5120xf32, #tpu.memory_space<hbm>>
      %dma_wait3A_55 = tpu.memref_squeeze %dma_wait3A_54 : memref<1x5120xf32, #tpu.memory_space<hbm>> -> memref<5120xf32, #tpu.memory_space<hbm>>
      tpu.wait_dma2 semaphore(%arg28 : memref<!tpu.dma_semaphore, #tpu.memory_space<semaphore_mem>>) src(%dma_wait3A_55 : memref<5120xf32, #tpu.memory_space<hbm>>) dst(%arg14 : memref<5120xf32, #tpu.memory_space<vmem>>)
      %dma_wait3A_56 = arith.constant 0 : i32
      %dma_wait3A_57 = tpu.memref_slice %arg5[%add3A, %dma_wait3A_56] : memref<80x5120xf32, #tpu.memory_space<hbm>> -> memref<1x5120xf32, #tpu.memory_space<hbm>>
      %dma_wait3A_58 = tpu.memref_squeeze %dma_wait3A_57 : memref<1x5120xf32, #tpu.memory_space<hbm>> -> memref<5120xf32, #tpu.memory_space<hbm>>
      %dma_wait3A_59 = arith.constant 0 : i32
      %dma_wait3A_60 = tpu.memref_slice %arg5[%add3A, %dma_wait3A_59] : memref<80x5120xf32, #tpu.memory_space<hbm>> -> memref<1x5120xf32, #tpu.memory_space<hbm>>
      %dma_wait3A_61 = tpu.memref_squeeze %dma_wait3A_60 : memref<1x5120xf32, #tpu.memory_space<hbm>> -> memref<5120xf32, #tpu.memory_space<hbm>>
      tpu.wait_dma2 semaphore(%arg28 : memref<!tpu.dma_semaphore, #tpu.memory_space<semaphore_mem>>) src(%dma_wait3A_61 : memref<5120xf32, #tpu.memory_space<hbm>>) dst(%arg15 : memref<5120xf32, #tpu.memory_space<vmem>>)
      %dma_wait3A_62 = arith.constant 0 : i32
      %dma_wait3A_63 = tpu.memref_slice %arg6[%add3A, %dma_wait3A_62] : memref<80x5120xf32, #tpu.memory_space<hbm>> -> memref<1x5120xf32, #tpu.memory_space<hbm>>
      %dma_wait3A_64 = tpu.memref_squeeze %dma_wait3A_63 : memref<1x5120xf32, #tpu.memory_space<hbm>> -> memref<5120xf32, #tpu.memory_space<hbm>>
      %dma_wait3A_65 = arith.constant 0 : i32
      %dma_wait3A_66 = tpu.memref_slice %arg6[%add3A, %dma_wait3A_65] : memref<80x5120xf32, #tpu.memory_space<hbm>> -> memref<1x5120xf32, #tpu.memory_space<hbm>>
      %dma_wait3A_67 = tpu.memref_squeeze %dma_wait3A_66 : memref<1x5120xf32, #tpu.memory_space<hbm>> -> memref<5120xf32, #tpu.memory_space<hbm>>
      tpu.wait_dma2 semaphore(%arg28 : memref<!tpu.dma_semaphore, #tpu.memory_space<semaphore_mem>>) src(%dma_wait3A_67 : memref<5120xf32, #tpu.memory_space<hbm>>) dst(%arg16 : memref<5120xf32, #tpu.memory_space<vmem>>)
      %broadcast_in_dim3A_68 = arith.constant 0 : i32
      %broadcast_in_dim3A_69 = vector.broadcast %broadcast_in_dim3A_68 : i32 to vector<16xi32>
      %parallel_loop3A = arith.constant 0 : i32
      %parallel_loop3A_70 = arith.constant 320 : i32
      %parallel_loop3A_71 = arith.constant 1 : i32
      %parallel_loop3A_72 = scf.for %parallel_loop3A_214 = %parallel_loop3A to %parallel_loop3A_70 step %parallel_loop3A_71 iter_args(%parallel_loop3A_215 = %broadcast_in_dim3A_69) -> (vector<16xi32>)  : i32 {
        %parallel_loop3A_216 = arith.constant 16 : i32
        %parallel_loop3A_217 = arith.muli %parallel_loop3A_214, %parallel_loop3A_216 : i32
        %parallel_loop3A_218 = arith.index_cast %parallel_loop3A_217 : i32 to index
        %parallel_loop3A_219 = tpu.vector_load %arg12[%parallel_loop3A_218] {strides = array<i32>} : memref<5120xf32, #tpu.memory_space<vmem>>, vector<16xf32>,
        %parallel_loop3A_220 = arith.constant 5.000000e-02 : f32
        %parallel_loop3A_221 = vector.broadcast %parallel_loop3A_220 : f32 to vector<16xf32>
        %parallel_loop3A_222 = arith.cmpf ogt, %parallel_loop3A_219, %parallel_loop3A_221 : vector<16xf32>
        %parallel_loop3A_223 = arith.constant 1 : i32
        %parallel_loop3A_224 = arith.constant 0 : i32
        %parallel_loop3A_225 = vector.broadcast %parallel_loop3A_223 : i32 to vector<16xi32>
        %parallel_loop3A_226 = vector.broadcast %parallel_loop3A_224 : i32 to vector<16xi32>
        %parallel_loop3A_227 = arith.select %parallel_loop3A_222, %parallel_loop3A_225, %parallel_loop3A_226 : vector<16xi1>, vector<16xi32>
        %parallel_loop3A_228 = arith.constant true
        %parallel_loop3A_229 = vector.broadcast %parallel_loop3A_228 : i1 to vector<16xi1>
        %parallel_loop3A_230 = tpu.scan <sum>, %parallel_loop3A_227 masked %parallel_loop3A_229 : vector<16xi32>, vector<16xi1> -> vector<16xi32>
        %parallel_loop3A_231 = arith.addi %parallel_loop3A_215, %parallel_loop3A_230 : vector<16xi32>
        %parallel_loop3A_232 = arith.constant 1 : i32
        %parallel_loop3A_233 = vector.broadcast %parallel_loop3A_232 : i32 to vector<16xi32>
        %parallel_loop3A_234 = arith.subi %parallel_loop3A_231, %parallel_loop3A_233 : vector<16xi32>
        tpu.vector_store_idx %arg17[%parallel_loop3A_234], %parallel_loop3A_219 masked %parallel_loop3A_222 : memref<5120xf32, #tpu.memory_space<vmem>>[vector<16xi32>], vector<16xf32>, vector<16xi1>
        %parallel_loop3A_235 = arith.index_cast %parallel_loop3A_217 : i32 to index
        %parallel_loop3A_236 = tpu.vector_load %arg13[%parallel_loop3A_235] {strides = array<i32>} : memref<5120xf32, #tpu.memory_space<vmem>>, vector<16xf32>,
        tpu.vector_store_idx %arg18[%parallel_loop3A_234], %parallel_loop3A_236 masked %parallel_loop3A_222 : memref<5120xf32, #tpu.memory_space<vmem>>[vector<16xi32>], vector<16xf32>, vector<16xi1>
        %parallel_loop3A_237 = arith.index_cast %parallel_loop3A_217 : i32 to index
        %parallel_loop3A_238 = tpu.vector_load %arg14[%parallel_loop3A_237] {strides = array<i32>} : memref<5120xf32, #tpu.memory_space<vmem>>, vector<16xf32>,
        tpu.vector_store_idx %arg19[%parallel_loop3A_234], %parallel_loop3A_238 masked %parallel_loop3A_222 : memref<5120xf32, #tpu.memory_space<vmem>>[vector<16xi32>], vector<16xf32>, vector<16xi1>
        %parallel_loop3A_239 = arith.index_cast %parallel_loop3A_217 : i32 to index
        %parallel_loop3A_240 = tpu.vector_load %arg15[%parallel_loop3A_239] {strides = array<i32>} : memref<5120xf32, #tpu.memory_space<vmem>>, vector<16xf32>,
        tpu.vector_store_idx %arg20[%parallel_loop3A_234], %parallel_loop3A_240 masked %parallel_loop3A_222 : memref<5120xf32, #tpu.memory_space<vmem>>[vector<16xi32>], vector<16xf32>, vector<16xi1>
        %parallel_loop3A_241 = arith.index_cast %parallel_loop3A_217 : i32 to index
        %parallel_loop3A_242 = tpu.vector_load %arg16[%parallel_loop3A_241] {strides = array<i32>} : memref<5120xf32, #tpu.memory_space<vmem>>, vector<16xf32>,
        tpu.vector_store_idx %arg21[%parallel_loop3A_234], %parallel_loop3A_242 masked %parallel_loop3A_222 : memref<5120xf32, #tpu.memory_space<vmem>>[vector<16xi32>], vector<16xf32>, vector<16xi1>
        %parallel_loop3A_243 = tpu.all_reduce %parallel_loop3A_222 {dim = 0 : i64, kind = #tpu.reduction_kind<sum>} : vector<16xi1> -> vector<16xi32>
        %parallel_loop3A_244 = arith.addi %parallel_loop3A_215, %parallel_loop3A_243 : vector<16xi32>
        scf.yield %parallel_loop3A_244 : vector<16xi32>
      } {sc.loop_unroll_factor = 4 : i64, sc.parallel_access}
      %slice3A = vector.extract_strided_slice %parallel_loop3A_72 {offsets = [0], sizes = [1], strides = [1]} : vector<16xi32> to vector<1xi32>
      %squeeze3A = vector.extract %slice3A[0] : i32 from vector<1xi32>
      %add3A_73 = arith.constant 16 : i32
      %add3A_74 = arith.addi %squeeze3A, %add3A_73 : i32
      %sub3A = arith.constant 1 : i32
      %sub3A_75 = arith.subi %add3A_74, %sub3A : i32
      %jit3A = arith.constant 16 : i32
      %div3A = arith.divsi %sub3A_75, %jit3A : i32
      %sign3A = arith.constant 0 : i32
      %sign3A_76 = arith.cmpi sgt, %sub3A_75, %sign3A : i32
      %sign3A_77 = arith.extui %sign3A_76 : i1 to i32
      %sign3A_78 = arith.constant 0 : i32
      %sign3A_79 = arith.cmpi slt, %sub3A_75, %sign3A_78 : i32
      %sign3A_80 = arith.extui %sign3A_79 : i1 to i32
      %sign3A_81 = arith.subi %sign3A_77, %sign3A_80 : i32
      %sign3A_82 = arith.constant 0 : i32
      %sign3A_83 = arith.cmpi sgt, %jit3A, %sign3A_82 : i32
      %sign3A_84 = arith.extui %sign3A_83 : i1 to i32
      %sign3A_85 = arith.constant 0 : i32
      %sign3A_86 = arith.cmpi slt, %jit3A, %sign3A_85 : i32
      %sign3A_87 = arith.extui %sign3A_86 : i1 to i32
      %sign3A_88 = arith.subi %sign3A_84, %sign3A_87 : i32
      %ne3A = arith.cmpi ne, %sign3A_81, %sign3A_88 : i32
      %rem3A = arith.remsi %sub3A_75, %jit3A : i32
      %ne3A_89 = arith.constant 0 : i32
      %ne3A_90 = arith.cmpi ne, %rem3A, %ne3A_89 : i32
      %and3A = arith.andi %ne3A, %ne3A_90 : i1
      %sub3A_91 = arith.constant 1 : i32
      %sub3A_92 = arith.subi %div3A, %sub3A_91 : i32
      %select_n3A = arith.select %and3A, %sub3A_92, %div3A : i32
      %add3A_93 = vector.broadcast %squeeze3A : i32 to vector<16xi32>
      %add3A_94 = arith.addi %add3A_93, %iota3A : vector<16xi32>
      %mul3A_95 = arith.constant 16 : i32
      %mul3A_96 = arith.muli %select_n3A, %mul3A_95 : i32
      %lt3A = vector.broadcast %mul3A_96 : i32 to vector<16xi32>
      %lt3A_97 = arith.cmpi slt, %add3A_94, %lt3A : vector<16xi32>
      %min3A = arith.constant 5119 : i32
      %min3A_98 = vector.broadcast %min3A : i32 to vector<16xi32>
      %min3A_99 = arith.minsi %add3A_94, %min3A_98 : vector<16xi32>
      %broadcast_in_dim3A_100 = arith.constant -1.000000e+30 : f32
      %broadcast_in_dim3A_101 = vector.broadcast %broadcast_in_dim3A_100 : f32 to vector<16xf32>
      tpu.vector_store_idx %arg17[%min3A_99], %broadcast_in_dim3A_101 masked %lt3A_97 : memref<5120xf32, #tpu.memory_space<vmem>>[vector<16xi32>], vector<16xf32>, vector<16xi1>
      %broadcast_in_dim3A_102 = arith.constant -1.000000e+30 : f32
      %broadcast_in_dim3A_103 = vector.broadcast %broadcast_in_dim3A_102 : f32 to vector<16xf32>
      %swap3A = arith.constant 0 : index
      %swap3A_104 = tpu.vector_load %arg23[%swap3A] {strides = array<i32>} : memref<112xf32, #tpu.memory_space<vmem>>, vector<16xf32>,
      tpu.vector_store %arg23[%swap3A], %broadcast_in_dim3A_103 {strides = array<i32>} : memref<112xf32, #tpu.memory_space<vmem>>, vector<16xf32>,
      %broadcast_in_dim3A_105 = arith.constant -1.000000e+30 : f32
      %broadcast_in_dim3A_106 = vector.broadcast %broadcast_in_dim3A_105 : f32 to vector<16xf32>
      %swap3A_107 = arith.constant 16 : index
      %swap3A_108 = tpu.vector_load %arg23[%swap3A_107] {strides = array<i32>} : memref<112xf32, #tpu.memory_space<vmem>>, vector<16xf32>,
      tpu.vector_store %arg23[%swap3A_107], %broadcast_in_dim3A_106 {strides = array<i32>} : memref<112xf32, #tpu.memory_space<vmem>>, vector<16xf32>,
      %broadcast_in_dim3A_109 = arith.constant -1.000000e+30 : f32
      %broadcast_in_dim3A_110 = vector.broadcast %broadcast_in_dim3A_109 : f32 to vector<16xf32>
      %swap3A_111 = arith.constant 32 : index
      %swap3A_112 = tpu.vector_load %arg23[%swap3A_111] {strides = array<i32>} : memref<112xf32, #tpu.memory_space<vmem>>, vector<16xf32>,
      tpu.vector_store %arg23[%swap3A_111], %broadcast_in_dim3A_110 {strides = array<i32>} : memref<112xf32, #tpu.memory_space<vmem>>, vector<16xf32>,
      %broadcast_in_dim3A_113 = arith.constant -1.000000e+30 : f32
      %broadcast_in_dim3A_114 = vector.broadcast %broadcast_in_dim3A_113 : f32 to vector<16xf32>
      %swap3A_115 = arith.constant 48 : index
      %swap3A_116 = tpu.vector_load %arg23[%swap3A_115] {strides = array<i32>} : memref<112xf32, #tpu.memory_space<vmem>>, vector<16xf32>,
      tpu.vector_store %arg23[%swap3A_115], %broadcast_in_dim3A_114 {strides = array<i32>} : memref<112xf32, #tpu.memory_space<vmem>>, vector<16xf32>,
      %broadcast_in_dim3A_117 = arith.constant -1.000000e+30 : f32
      %broadcast_in_dim3A_118 = vector.broadcast %broadcast_in_dim3A_117 : f32 to vector<16xf32>
      %swap3A_119 = arith.constant 64 : index
      %swap3A_120 = tpu.vector_load %arg23[%swap3A_119] {strides = array<i32>} : memref<112xf32, #tpu.memory_space<vmem>>, vector<16xf32>,
      tpu.vector_store %arg23[%swap3A_119], %broadcast_in_dim3A_118 {strides = array<i32>} : memref<112xf32, #tpu.memory_space<vmem>>, vector<16xf32>,
      %broadcast_in_dim3A_121 = arith.constant -1.000000e+30 : f32
      %broadcast_in_dim3A_122 = vector.broadcast %broadcast_in_dim3A_121 : f32 to vector<16xf32>
      %swap3A_123 = arith.constant 80 : index
      %swap3A_124 = tpu.vector_load %arg23[%swap3A_123] {strides = array<i32>} : memref<112xf32, #tpu.memory_space<vmem>>, vector<16xf32>,
      tpu.vector_store %arg23[%swap3A_123], %broadcast_in_dim3A_122 {strides = array<i32>} : memref<112xf32, #tpu.memory_space<vmem>>, vector<16xf32>,
      %broadcast_in_dim3A_125 = arith.constant -1.000000e+30 : f32
      %broadcast_in_dim3A_126 = vector.broadcast %broadcast_in_dim3A_125 : f32 to vector<16xf32>
      %swap3A_127 = arith.constant 96 : index
      %swap3A_128 = tpu.vector_load %arg23[%swap3A_127] {strides = array<i32>} : memref<112xf32, #tpu.memory_space<vmem>>, vector<16xf32>,
      tpu.vector_store %arg23[%swap3A_127], %broadcast_in_dim3A_126 {strides = array<i32>} : memref<112xf32, #tpu.memory_space<vmem>>, vector<16xf32>,
      %parallel_loop3A_129 = arith.constant 0 : i32
      %parallel_loop3A_130 = arith.constant 1 : i32
      %parallel_loop3A_131:2 = scf.for %parallel_loop3A_214 = %parallel_loop3A_129 to %select_n3A step %parallel_loop3A_130 iter_args(%parallel_loop3A_215 = %broadcast_in_dim3A_0, %parallel_loop3A_216 = %broadcast_in_dim3A_2) -> (vector<16xf32>, vector<16xi32>)  : i32 {
        %parallel_loop3A_217 = arith.constant 16 : i32
        %parallel_loop3A_218 = arith.muli %parallel_loop3A_214, %parallel_loop3A_217 : i32
        %parallel_loop3A_219 = arith.index_cast %parallel_loop3A_218 : i32 to index
        %parallel_loop3A_220 = tpu.vector_load %arg17[%parallel_loop3A_219] {strides = array<i32>} : memref<5120xf32, #tpu.memory_space<vmem>>, vector<16xf32>,
        %parallel_loop3A_221 = arith.constant 16 : i32
        %parallel_loop3A_222 = arith.muli %parallel_loop3A_214, %parallel_loop3A_221 : i32
        %parallel_loop3A_223 = vector.broadcast %parallel_loop3A_222 : i32 to vector<16xi32>
        %parallel_loop3A_224 = arith.addi %parallel_loop3A_223, %iota3A : vector<16xi32>
        %parallel_loop3A_225 = arith.cmpf ogt, %parallel_loop3A_220, %parallel_loop3A_215 : vector<16xf32>
        %parallel_loop3A_226 = arith.select %parallel_loop3A_225, %parallel_loop3A_220, %parallel_loop3A_215 : vector<16xi1>, vector<16xf32>
        %parallel_loop3A_227 = arith.select %parallel_loop3A_225, %parallel_loop3A_224, %parallel_loop3A_216 : vector<16xi1>, vector<16xi32>
        scf.yield %parallel_loop3A_226, %parallel_loop3A_227 : vector<16xf32>, vector<16xi32>
      } {sc.loop_unroll_factor = 4 : i64, sc.parallel_access}
      %reduce_max3A = arith.constant true
      %reduce_max3A_132 = vector.broadcast %reduce_max3A : i1 to vector<16xi1>
      %reduce_max3A_133 = tpu.scan <max>, %parallel_loop3A_131#0 masked %reduce_max3A_132 : vector<16xf32>, vector<16xi1> -> vector<16xf32>
      %reduce_max3A_134 = vector.extract %reduce_max3A_133[15] : f32 from vector<16xf32>
      %broadcast_in_dim3A_135 = vector.broadcast %reduce_max3A_134 : f32 to vector<16xf32>
      %eq3A_136 = arith.cmpf oeq, %parallel_loop3A_131#0, %broadcast_in_dim3A_135 : vector<16xf32>
      %all_reduce_ffs3A = tpu.all_reduce %eq3A_136 {dim = 0 : i64, kind = #tpu.reduction_kind<find_first_set>} : vector<16xi1> -> vector<16xi32>
      %swap3A_137 = arith.constant 0 : index
      %swap3A_138 = tpu.vector_load %arg22[%swap3A_137] {strides = array<i32>} : memref<16xi32, #tpu.memory_space<vmem>>, vector<16xi32>,
      tpu.vector_store %arg22[%swap3A_137], %parallel_loop3A_131#1 {strides = array<i32>} : memref<16xi32, #tpu.memory_space<vmem>>, vector<16xi32>,
      %gather3A = tpu.vector_load_idx %arg22[%all_reduce_ffs3A] : memref<16xi32, #tpu.memory_space<vmem>>[vector<16xi32>], vector<16xi32>,
      %while3A_139 = arith.constant 0 : i32
      %while3A_140 = arith.subi %squeeze3A, %while3A_139 : i32
      %while3A_141 = arith.addi %while3A_139, %while3A_140 : i32
      %while3A_142 = arith.constant 1 : i32
      %while3A_143 = arith.divsi %while3A_140, %while3A_142 : i32
      %while3A_144 = arith.muli %while3A_143, %while3A_142 : i32
      %while3A_145 = arith.addi %while3A_139, %while3A_144 : i32
      %while3A_146 = arith.constant 1 : i32
      %while3A_147:2 = scf.for %while3A_214 = %while3A_139 to %while3A_145 step %while3A_146 iter_args(%while3A_215 = %gather3A, %while3A_216 = %broadcast_in_dim3A_135) -> (vector<16xi32>, vector<16xf32>)  : i32 {
        %gather3A_217 = tpu.vector_load_idx %arg18[%while3A_215] : memref<5120xf32, #tpu.memory_space<vmem>>[vector<16xi32>], vector<16xf32>,
        %gather3A_218 = tpu.vector_load_idx %arg19[%while3A_215] : memref<5120xf32, #tpu.memory_space<vmem>>[vector<16xi32>], vector<16xf32>,
        %gather3A_219 = tpu.vector_load_idx %arg20[%while3A_215] : memref<5120xf32, #tpu.memory_space<vmem>>[vector<16xi32>], vector<16xf32>,
        %gather3A_220 = tpu.vector_load_idx %arg21[%while3A_215] : memref<5120xf32, #tpu.memory_space<vmem>>[vector<16xi32>], vector<16xf32>,
        %sub3A_221 = arith.subf %gather3A_219, %gather3A_217 : vector<16xf32>
        %add3A_222 = arith.constant 1.000000e+00 : f32
        %add3A_223 = vector.broadcast %add3A_222 : f32 to vector<16xf32>
        %add3A_224 = arith.addf %sub3A_221, %add3A_223 : vector<16xf32>
        %sub3A_225 = arith.subf %gather3A_220, %gather3A_218 : vector<16xf32>
        %add3A_226 = arith.constant 1.000000e+00 : f32
        %add3A_227 = vector.broadcast %add3A_226 : f32 to vector<16xf32>
        %add3A_228 = arith.addf %sub3A_225, %add3A_227 : vector<16xf32>
        %mul3A_229 = arith.mulf %add3A_224, %add3A_228 : vector<16xf32>
        %min3A_230 = arith.constant 111 : i32
        %min3A_231 = arith.minsi %while3A_214, %min3A_230 : i32
        %broadcast_in_dim3A_232 = vector.broadcast %min3A_231 : i32 to vector<16xi32>
        %eq3A_233 = arith.constant 0 : i32
        %eq3A_234 = vector.broadcast %eq3A_233 : i32 to vector<16xi32>
        %eq3A_235 = arith.cmpi eq, %iota3A, %eq3A_234 : vector<16xi32>
        %gt3A = arith.constant 0.000000e+00 : f32
        %gt3A_236 = vector.broadcast %gt3A : f32 to vector<16xf32>
        %gt3A_237 = arith.cmpf ogt, %while3A_216, %gt3A_236 : vector<16xf32>
        %and3A_238 = arith.andi %eq3A_235, %gt3A_237 : vector<16xi1>
        tpu.vector_store_idx %arg23[%broadcast_in_dim3A_232], %while3A_216 masked %and3A_238 : memref<112xf32, #tpu.memory_space<vmem>>[vector<16xi32>], vector<16xf32>, vector<16xi1>
        tpu.vector_store_idx %arg24[%broadcast_in_dim3A_232], %gather3A_217 masked %and3A_238 : memref<112xf32, #tpu.memory_space<vmem>>[vector<16xi32>], vector<16xf32>, vector<16xi1>
        tpu.vector_store_idx %arg25[%broadcast_in_dim3A_232], %gather3A_218 masked %and3A_238 : memref<112xf32, #tpu.memory_space<vmem>>[vector<16xi32>], vector<16xf32>, vector<16xi1>
        tpu.vector_store_idx %arg26[%broadcast_in_dim3A_232], %gather3A_219 masked %and3A_238 : memref<112xf32, #tpu.memory_space<vmem>>[vector<16xi32>], vector<16xf32>, vector<16xi1>
        tpu.vector_store_idx %arg27[%broadcast_in_dim3A_232], %gather3A_220 masked %and3A_238 : memref<112xf32, #tpu.memory_space<vmem>>[vector<16xi32>], vector<16xf32>, vector<16xi1>
        %parallel_loop3A_239 = arith.constant 0 : i32
        %parallel_loop3A_240 = arith.constant 1 : i32
        %parallel_loop3A_241:2 = scf.for %parallel_loop3A_252 = %parallel_loop3A_239 to %select_n3A step %parallel_loop3A_240 iter_args(%parallel_loop3A_253 = %broadcast_in_dim3A_0, %parallel_loop3A_254 = %broadcast_in_dim3A_2) -> (vector<16xf32>, vector<16xi32>)  : i32 {
          %parallel_loop3A_255 = arith.constant 16 : i32
          %parallel_loop3A_256 = arith.muli %parallel_loop3A_252, %parallel_loop3A_255 : i32
          %parallel_loop3A_257 = arith.index_cast %parallel_loop3A_256 : i32 to index
          %parallel_loop3A_258 = tpu.vector_load %arg17[%parallel_loop3A_257] {strides = array<i32>} : memref<5120xf32, #tpu.memory_space<vmem>>, vector<16xf32>,
          %parallel_loop3A_259 = arith.index_cast %parallel_loop3A_256 : i32 to index
          %parallel_loop3A_260 = tpu.vector_load %arg18[%parallel_loop3A_259] {strides = array<i32>} : memref<5120xf32, #tpu.memory_space<vmem>>, vector<16xf32>,
          %parallel_loop3A_261 = arith.index_cast %parallel_loop3A_256 : i32 to index
          %parallel_loop3A_262 = tpu.vector_load %arg19[%parallel_loop3A_261] {strides = array<i32>} : memref<5120xf32, #tpu.memory_space<vmem>>, vector<16xf32>,
          %parallel_loop3A_263 = arith.index_cast %parallel_loop3A_256 : i32 to index
          %parallel_loop3A_264 = tpu.vector_load %arg20[%parallel_loop3A_263] {strides = array<i32>} : memref<5120xf32, #tpu.memory_space<vmem>>, vector<16xf32>,
          %parallel_loop3A_265 = arith.index_cast %parallel_loop3A_256 : i32 to index
          %parallel_loop3A_266 = tpu.vector_load %arg21[%parallel_loop3A_265] {strides = array<i32>} : memref<5120xf32, #tpu.memory_space<vmem>>, vector<16xf32>,
          %parallel_loop3A_267 = arith.subf %parallel_loop3A_264, %parallel_loop3A_260 : vector<16xf32>
          %parallel_loop3A_268 = arith.constant 1.000000e+00 : f32
          %parallel_loop3A_269 = vector.broadcast %parallel_loop3A_268 : f32 to vector<16xf32>
          %parallel_loop3A_270 = arith.addf %parallel_loop3A_267, %parallel_loop3A_269 : vector<16xf32>
          %parallel_loop3A_271 = arith.subf %parallel_loop3A_266, %parallel_loop3A_262 : vector<16xf32>
          %parallel_loop3A_272 = arith.constant 1.000000e+00 : f32
          %parallel_loop3A_273 = vector.broadcast %parallel_loop3A_272 : f32 to vector<16xf32>
          %parallel_loop3A_274 = arith.addf %parallel_loop3A_271, %parallel_loop3A_273 : vector<16xf32>
          %parallel_loop3A_275 = arith.mulf %parallel_loop3A_270, %parallel_loop3A_274 : vector<16xf32>
          %parallel_loop3A_276 = arith.maximumf %gather3A_217, %parallel_loop3A_260 : vector<16xf32>
          %parallel_loop3A_277 = arith.maximumf %gather3A_218, %parallel_loop3A_262 : vector<16xf32>
          %parallel_loop3A_278 = arith.minimumf %gather3A_219, %parallel_loop3A_264 : vector<16xf32>
          %parallel_loop3A_279 = arith.minimumf %gather3A_220, %parallel_loop3A_266 : vector<16xf32>
          %parallel_loop3A_280 = arith.subf %parallel_loop3A_278, %parallel_loop3A_276 : vector<16xf32>
          %parallel_loop3A_281 = arith.constant 1.000000e+00 : f32
          %parallel_loop3A_282 = vector.broadcast %parallel_loop3A_281 : f32 to vector<16xf32>
          %parallel_loop3A_283 = arith.addf %parallel_loop3A_280, %parallel_loop3A_282 : vector<16xf32>
          %parallel_loop3A_284 = arith.constant 0.000000e+00 : f32
          %parallel_loop3A_285 = vector.broadcast %parallel_loop3A_284 : f32 to vector<16xf32>
          %parallel_loop3A_286 = arith.maximumf %parallel_loop3A_285, %parallel_loop3A_283 : vector<16xf32>
          %parallel_loop3A_287 = arith.subf %parallel_loop3A_279, %parallel_loop3A_277 : vector<16xf32>
          %parallel_loop3A_288 = arith.constant 1.000000e+00 : f32
          %parallel_loop3A_289 = vector.broadcast %parallel_loop3A_288 : f32 to vector<16xf32>
          %parallel_loop3A_290 = arith.addf %parallel_loop3A_287, %parallel_loop3A_289 : vector<16xf32>
          %parallel_loop3A_291 = arith.constant 0.000000e+00 : f32
          %parallel_loop3A_292 = vector.broadcast %parallel_loop3A_291 : f32 to vector<16xf32>
          %parallel_loop3A_293 = arith.maximumf %parallel_loop3A_292, %parallel_loop3A_290 : vector<16xf32>
          %parallel_loop3A_294 = arith.mulf %parallel_loop3A_286, %parallel_loop3A_293 : vector<16xf32>
          %parallel_loop3A_295 = arith.constant 16 : i32
          %parallel_loop3A_296 = arith.muli %parallel_loop3A_252, %parallel_loop3A_295 : i32
          %parallel_loop3A_297 = vector.broadcast %parallel_loop3A_296 : i32 to vector<16xi32>
          %parallel_loop3A_298 = arith.addi %parallel_loop3A_297, %iota3A : vector<16xi32>
          %parallel_loop3A_299 = arith.constant 3.000000e+00 : f32
          %parallel_loop3A_300 = vector.broadcast %parallel_loop3A_299 : f32 to vector<16xf32>
          %parallel_loop3A_301 = arith.mulf %parallel_loop3A_300, %parallel_loop3A_294 : vector<16xf32>
          %parallel_loop3A_302 = arith.addf %mul3A_229, %parallel_loop3A_275 : vector<16xf32>
          %parallel_loop3A_303 = arith.cmpf ogt, %parallel_loop3A_301, %parallel_loop3A_302 : vector<16xf32>
          %parallel_loop3A_304 = arith.cmpi eq, %parallel_loop3A_298, %while3A_215 : vector<16xi32>
          %parallel_loop3A_305 = arith.ori %parallel_loop3A_303, %parallel_loop3A_304 : vector<16xi1>
          %parallel_loop3A_306 = arith.constant -1.000000e+30 : f32
          %parallel_loop3A_307 = vector.broadcast %parallel_loop3A_306 : f32 to vector<16xf32>
          %parallel_loop3A_308 = arith.select %parallel_loop3A_305, %parallel_loop3A_307, %parallel_loop3A_258 : vector<16xi1>, vector<16xf32>
          %parallel_loop3A_309 = arith.index_cast %parallel_loop3A_256 : i32 to index
          %parallel_loop3A_310 = tpu.vector_load %arg17[%parallel_loop3A_309] {strides = array<i32>} : memref<5120xf32, #tpu.memory_space<vmem>>, vector<16xf32>,
          tpu.vector_store %arg17[%parallel_loop3A_309], %parallel_loop3A_308 {strides = array<i32>} : memref<5120xf32, #tpu.memory_space<vmem>>, vector<16xf32>,
          %parallel_loop3A_311 = arith.cmpf ogt, %parallel_loop3A_308, %parallel_loop3A_253 : vector<16xf32>
          %parallel_loop3A_312 = arith.select %parallel_loop3A_311, %parallel_loop3A_308, %parallel_loop3A_253 : vector<16xi1>, vector<16xf32>
          %parallel_loop3A_313 = arith.select %parallel_loop3A_311, %parallel_loop3A_298, %parallel_loop3A_254 : vector<16xi1>, vector<16xi32>
          scf.yield %parallel_loop3A_312, %parallel_loop3A_313 : vector<16xf32>, vector<16xi32>
        } {sc.loop_unroll_factor = 4 : i64, sc.parallel_access}
        %reduce_max3A_242 = arith.constant true
        %reduce_max3A_243 = vector.broadcast %reduce_max3A_242 : i1 to vector<16xi1>
        %reduce_max3A_244 = tpu.scan <max>, %parallel_loop3A_241#0 masked %reduce_max3A_243 : vector<16xf32>, vector<16xi1> -> vector<16xf32>
        %reduce_max3A_245 = vector.extract %reduce_max3A_244[15] : f32 from vector<16xf32>
        %broadcast_in_dim3A_246 = vector.broadcast %reduce_max3A_245 : f32 to vector<16xf32>
        %eq3A_247 = arith.cmpf oeq, %parallel_loop3A_241#0, %broadcast_in_dim3A_246 : vector<16xf32>
        %all_reduce_ffs3A_248 = tpu.all_reduce %eq3A_247 {dim = 0 : i64, kind = #tpu.reduction_kind<find_first_set>} : vector<16xi1> -> vector<16xi32>
        %swap3A_249 = arith.constant 0 : index
        %swap3A_250 = tpu.vector_load %arg22[%swap3A_249] {strides = array<i32>} : memref<16xi32, #tpu.memory_space<vmem>>, vector<16xi32>,
        tpu.vector_store %arg22[%swap3A_249], %parallel_loop3A_241#1 {strides = array<i32>} : memref<16xi32, #tpu.memory_space<vmem>>, vector<16xi32>,
        %gather3A_251 = tpu.vector_load_idx %arg22[%all_reduce_ffs3A_248] : memref<16xi32, #tpu.memory_space<vmem>>[vector<16xi32>], vector<16xi32>,
        scf.yield %gather3A_251, %broadcast_in_dim3A_246 : vector<16xi32>, vector<16xf32>
      }
      %while3A_148 = arith.constant 1 : i32
      %while3A_149:2 = scf.for %while3A_214 = %while3A_145 to %while3A_141 step %while3A_148 iter_args(%while3A_215 = %while3A_147#0, %while3A_216 = %while3A_147#1) -> (vector<16xi32>, vector<16xf32>)  : i32 {
        %gather3A_217 = tpu.vector_load_idx %arg18[%while3A_215] : memref<5120xf32, #tpu.memory_space<vmem>>[vector<16xi32>], vector<16xf32>,
        %gather3A_218 = tpu.vector_load_idx %arg19[%while3A_215] : memref<5120xf32, #tpu.memory_space<vmem>>[vector<16xi32>], vector<16xf32>,
        %gather3A_219 = tpu.vector_load_idx %arg20[%while3A_215] : memref<5120xf32, #tpu.memory_space<vmem>>[vector<16xi32>], vector<16xf32>,
        %gather3A_220 = tpu.vector_load_idx %arg21[%while3A_215] : memref<5120xf32, #tpu.memory_space<vmem>>[vector<16xi32>], vector<16xf32>,
        %sub3A_221 = arith.subf %gather3A_219, %gather3A_217 : vector<16xf32>
        %add3A_222 = arith.constant 1.000000e+00 : f32
        %add3A_223 = vector.broadcast %add3A_222 : f32 to vector<16xf32>
        %add3A_224 = arith.addf %sub3A_221, %add3A_223 : vector<16xf32>
        %sub3A_225 = arith.subf %gather3A_220, %gather3A_218 : vector<16xf32>
        %add3A_226 = arith.constant 1.000000e+00 : f32
        %add3A_227 = vector.broadcast %add3A_226 : f32 to vector<16xf32>
        %add3A_228 = arith.addf %sub3A_225, %add3A_227 : vector<16xf32>
        %mul3A_229 = arith.mulf %add3A_224, %add3A_228 : vector<16xf32>
        %min3A_230 = arith.constant 111 : i32
        %min3A_231 = arith.minsi %while3A_214, %min3A_230 : i32
        %broadcast_in_dim3A_232 = vector.broadcast %min3A_231 : i32 to vector<16xi32>
        %eq3A_233 = arith.constant 0 : i32
        %eq3A_234 = vector.broadcast %eq3A_233 : i32 to vector<16xi32>
        %eq3A_235 = arith.cmpi eq, %iota3A, %eq3A_234 : vector<16xi32>
        %gt3A = arith.constant 0.000000e+00 : f32
        %gt3A_236 = vector.broadcast %gt3A : f32 to vector<16xf32>
        %gt3A_237 = arith.cmpf ogt, %while3A_216, %gt3A_236 : vector<16xf32>
        %and3A_238 = arith.andi %eq3A_235, %gt3A_237 : vector<16xi1>
        tpu.vector_store_idx %arg23[%broadcast_in_dim3A_232], %while3A_216 masked %and3A_238 : memref<112xf32, #tpu.memory_space<vmem>>[vector<16xi32>], vector<16xf32>, vector<16xi1>
        tpu.vector_store_idx %arg24[%broadcast_in_dim3A_232], %gather3A_217 masked %and3A_238 : memref<112xf32, #tpu.memory_space<vmem>>[vector<16xi32>], vector<16xf32>, vector<16xi1>
        tpu.vector_store_idx %arg25[%broadcast_in_dim3A_232], %gather3A_218 masked %and3A_238 : memref<112xf32, #tpu.memory_space<vmem>>[vector<16xi32>], vector<16xf32>, vector<16xi1>
        tpu.vector_store_idx %arg26[%broadcast_in_dim3A_232], %gather3A_219 masked %and3A_238 : memref<112xf32, #tpu.memory_space<vmem>>[vector<16xi32>], vector<16xf32>, vector<16xi1>
        tpu.vector_store_idx %arg27[%broadcast_in_dim3A_232], %gather3A_220 masked %and3A_238 : memref<112xf32, #tpu.memory_space<vmem>>[vector<16xi32>], vector<16xf32>, vector<16xi1>
        %parallel_loop3A_239 = arith.constant 0 : i32
        %parallel_loop3A_240 = arith.constant 1 : i32
        %parallel_loop3A_241:2 = scf.for %parallel_loop3A_252 = %parallel_loop3A_239 to %select_n3A step %parallel_loop3A_240 iter_args(%parallel_loop3A_253 = %broadcast_in_dim3A_0, %parallel_loop3A_254 = %broadcast_in_dim3A_2) -> (vector<16xf32>, vector<16xi32>)  : i32 {
          %parallel_loop3A_255 = arith.constant 16 : i32
          %parallel_loop3A_256 = arith.muli %parallel_loop3A_252, %parallel_loop3A_255 : i32
          %parallel_loop3A_257 = arith.index_cast %parallel_loop3A_256 : i32 to index
          %parallel_loop3A_258 = tpu.vector_load %arg17[%parallel_loop3A_257] {strides = array<i32>} : memref<5120xf32, #tpu.memory_space<vmem>>, vector<16xf32>,
          %parallel_loop3A_259 = arith.index_cast %parallel_loop3A_256 : i32 to index
          %parallel_loop3A_260 = tpu.vector_load %arg18[%parallel_loop3A_259] {strides = array<i32>} : memref<5120xf32, #tpu.memory_space<vmem>>, vector<16xf32>,
          %parallel_loop3A_261 = arith.index_cast %parallel_loop3A_256 : i32 to index
          %parallel_loop3A_262 = tpu.vector_load %arg19[%parallel_loop3A_261] {strides = array<i32>} : memref<5120xf32, #tpu.memory_space<vmem>>, vector<16xf32>,
          %parallel_loop3A_263 = arith.index_cast %parallel_loop3A_256 : i32 to index
          %parallel_loop3A_264 = tpu.vector_load %arg20[%parallel_loop3A_263] {strides = array<i32>} : memref<5120xf32, #tpu.memory_space<vmem>>, vector<16xf32>,
          %parallel_loop3A_265 = arith.index_cast %parallel_loop3A_256 : i32 to index
          %parallel_loop3A_266 = tpu.vector_load %arg21[%parallel_loop3A_265] {strides = array<i32>} : memref<5120xf32, #tpu.memory_space<vmem>>, vector<16xf32>,
          %parallel_loop3A_267 = arith.subf %parallel_loop3A_264, %parallel_loop3A_260 : vector<16xf32>
          %parallel_loop3A_268 = arith.constant 1.000000e+00 : f32
          %parallel_loop3A_269 = vector.broadcast %parallel_loop3A_268 : f32 to vector<16xf32>
          %parallel_loop3A_270 = arith.addf %parallel_loop3A_267, %parallel_loop3A_269 : vector<16xf32>
          %parallel_loop3A_271 = arith.subf %parallel_loop3A_266, %parallel_loop3A_262 : vector<16xf32>
          %parallel_loop3A_272 = arith.constant 1.000000e+00 : f32
          %parallel_loop3A_273 = vector.broadcast %parallel_loop3A_272 : f32 to vector<16xf32>
          %parallel_loop3A_274 = arith.addf %parallel_loop3A_271, %parallel_loop3A_273 : vector<16xf32>
          %parallel_loop3A_275 = arith.mulf %parallel_loop3A_270, %parallel_loop3A_274 : vector<16xf32>
          %parallel_loop3A_276 = arith.maximumf %gather3A_217, %parallel_loop3A_260 : vector<16xf32>
          %parallel_loop3A_277 = arith.maximumf %gather3A_218, %parallel_loop3A_262 : vector<16xf32>
          %parallel_loop3A_278 = arith.minimumf %gather3A_219, %parallel_loop3A_264 : vector<16xf32>
          %parallel_loop3A_279 = arith.minimumf %gather3A_220, %parallel_loop3A_266 : vector<16xf32>
          %parallel_loop3A_280 = arith.subf %parallel_loop3A_278, %parallel_loop3A_276 : vector<16xf32>
          %parallel_loop3A_281 = arith.constant 1.000000e+00 : f32
          %parallel_loop3A_282 = vector.broadcast %parallel_loop3A_281 : f32 to vector<16xf32>
          %parallel_loop3A_283 = arith.addf %parallel_loop3A_280, %parallel_loop3A_282 : vector<16xf32>
          %parallel_loop3A_284 = arith.constant 0.000000e+00 : f32
          %parallel_loop3A_285 = vector.broadcast %parallel_loop3A_284 : f32 to vector<16xf32>
          %parallel_loop3A_286 = arith.maximumf %parallel_loop3A_285, %parallel_loop3A_283 : vector<16xf32>
          %parallel_loop3A_287 = arith.subf %parallel_loop3A_279, %parallel_loop3A_277 : vector<16xf32>
          %parallel_loop3A_288 = arith.constant 1.000000e+00 : f32
          %parallel_loop3A_289 = vector.broadcast %parallel_loop3A_288 : f32 to vector<16xf32>
          %parallel_loop3A_290 = arith.addf %parallel_loop3A_287, %parallel_loop3A_289 : vector<16xf32>
          %parallel_loop3A_291 = arith.constant 0.000000e+00 : f32
          %parallel_loop3A_292 = vector.broadcast %parallel_loop3A_291 : f32 to vector<16xf32>
          %parallel_loop3A_293 = arith.maximumf %parallel_loop3A_292, %parallel_loop3A_290 : vector<16xf32>
          %parallel_loop3A_294 = arith.mulf %parallel_loop3A_286, %parallel_loop3A_293 : vector<16xf32>
          %parallel_loop3A_295 = arith.constant 16 : i32
          %parallel_loop3A_296 = arith.muli %parallel_loop3A_252, %parallel_loop3A_295 : i32
          %parallel_loop3A_297 = vector.broadcast %parallel_loop3A_296 : i32 to vector<16xi32>
          %parallel_loop3A_298 = arith.addi %parallel_loop3A_297, %iota3A : vector<16xi32>
          %parallel_loop3A_299 = arith.constant 3.000000e+00 : f32
          %parallel_loop3A_300 = vector.broadcast %parallel_loop3A_299 : f32 to vector<16xf32>
          %parallel_loop3A_301 = arith.mulf %parallel_loop3A_300, %parallel_loop3A_294 : vector<16xf32>
          %parallel_loop3A_302 = arith.addf %mul3A_229, %parallel_loop3A_275 : vector<16xf32>
          %parallel_loop3A_303 = arith.cmpf ogt, %parallel_loop3A_301, %parallel_loop3A_302 : vector<16xf32>
          %parallel_loop3A_304 = arith.cmpi eq, %parallel_loop3A_298, %while3A_215 : vector<16xi32>
          %parallel_loop3A_305 = arith.ori %parallel_loop3A_303, %parallel_loop3A_304 : vector<16xi1>
          %parallel_loop3A_306 = arith.constant -1.000000e+30 : f32
          %parallel_loop3A_307 = vector.broadcast %parallel_loop3A_306 : f32 to vector<16xf32>
          %parallel_loop3A_308 = arith.select %parallel_loop3A_305, %parallel_loop3A_307, %parallel_loop3A_258 : vector<16xi1>, vector<16xf32>
          %parallel_loop3A_309 = arith.index_cast %parallel_loop3A_256 : i32 to index
          %parallel_loop3A_310 = tpu.vector_load %arg17[%parallel_loop3A_309] {strides = array<i32>} : memref<5120xf32, #tpu.memory_space<vmem>>, vector<16xf32>,
          tpu.vector_store %arg17[%parallel_loop3A_309], %parallel_loop3A_308 {strides = array<i32>} : memref<5120xf32, #tpu.memory_space<vmem>>, vector<16xf32>,
          %parallel_loop3A_311 = arith.cmpf ogt, %parallel_loop3A_308, %parallel_loop3A_253 : vector<16xf32>
          %parallel_loop3A_312 = arith.select %parallel_loop3A_311, %parallel_loop3A_308, %parallel_loop3A_253 : vector<16xi1>, vector<16xf32>
          %parallel_loop3A_313 = arith.select %parallel_loop3A_311, %parallel_loop3A_298, %parallel_loop3A_254 : vector<16xi1>, vector<16xi32>
          scf.yield %parallel_loop3A_312, %parallel_loop3A_313 : vector<16xf32>, vector<16xi32>
        } {sc.loop_unroll_factor = 4 : i64, sc.parallel_access}
        %reduce_max3A_242 = arith.constant true
        %reduce_max3A_243 = vector.broadcast %reduce_max3A_242 : i1 to vector<16xi1>
        %reduce_max3A_244 = tpu.scan <max>, %parallel_loop3A_241#0 masked %reduce_max3A_243 : vector<16xf32>, vector<16xi1> -> vector<16xf32>
        %reduce_max3A_245 = vector.extract %reduce_max3A_244[15] : f32 from vector<16xf32>
        %broadcast_in_dim3A_246 = vector.broadcast %reduce_max3A_245 : f32 to vector<16xf32>
        %eq3A_247 = arith.cmpf oeq, %parallel_loop3A_241#0, %broadcast_in_dim3A_246 : vector<16xf32>
        %all_reduce_ffs3A_248 = tpu.all_reduce %eq3A_247 {dim = 0 : i64, kind = #tpu.reduction_kind<find_first_set>} : vector<16xi1> -> vector<16xi32>
        %swap3A_249 = arith.constant 0 : index
        %swap3A_250 = tpu.vector_load %arg22[%swap3A_249] {strides = array<i32>} : memref<16xi32, #tpu.memory_space<vmem>>, vector<16xi32>,
        tpu.vector_store %arg22[%swap3A_249], %parallel_loop3A_241#1 {strides = array<i32>} : memref<16xi32, #tpu.memory_space<vmem>>, vector<16xi32>,
        %gather3A_251 = tpu.vector_load_idx %arg22[%all_reduce_ffs3A_248] : memref<16xi32, #tpu.memory_space<vmem>>[vector<16xi32>], vector<16xi32>,
        scf.yield %gather3A_251, %broadcast_in_dim3A_246 : vector<16xi32>, vector<16xf32>
      }
      %dma_start3A_150 = arith.constant 0 : i32
      %dma_start3A_151 = tpu.memref_slice %arg7[%add3A, %dma_start3A_150] : memref<80x112xf32, #tpu.memory_space<hbm>> -> memref<1x112xf32, #tpu.memory_space<hbm>>
      %dma_start3A_152 = tpu.memref_squeeze %dma_start3A_151 : memref<1x112xf32, #tpu.memory_space<hbm>> -> memref<112xf32, #tpu.memory_space<hbm>>
      %dma_start3A_153 = arith.constant 0 : i32
      %dma_start3A_154 = tpu.memref_slice %arg7[%add3A, %dma_start3A_153] : memref<80x112xf32, #tpu.memory_space<hbm>> -> memref<1x112xf32, #tpu.memory_space<hbm>>
      %dma_start3A_155 = tpu.memref_squeeze %dma_start3A_154 : memref<1x112xf32, #tpu.memory_space<hbm>> -> memref<112xf32, #tpu.memory_space<hbm>>
      tpu.enqueue_dma source(%arg23 : memref<112xf32, #tpu.memory_space<vmem>>) target(%dma_start3A_155 : memref<112xf32, #tpu.memory_space<hbm>>) target_semaphore(%arg28 : memref<!tpu.dma_semaphore, #tpu.memory_space<semaphore_mem>>)
      %dma_start3A_156 = arith.constant 0 : i32
      %dma_start3A_157 = tpu.memref_slice %arg8[%add3A, %dma_start3A_156] : memref<80x112xf32, #tpu.memory_space<hbm>> -> memref<1x112xf32, #tpu.memory_space<hbm>>
      %dma_start3A_158 = tpu.memref_squeeze %dma_start3A_157 : memref<1x112xf32, #tpu.memory_space<hbm>> -> memref<112xf32, #tpu.memory_space<hbm>>
      %dma_start3A_159 = arith.constant 0 : i32
      %dma_start3A_160 = tpu.memref_slice %arg8[%add3A, %dma_start3A_159] : memref<80x112xf32, #tpu.memory_space<hbm>> -> memref<1x112xf32, #tpu.memory_space<hbm>>
      %dma_start3A_161 = tpu.memref_squeeze %dma_start3A_160 : memref<1x112xf32, #tpu.memory_space<hbm>> -> memref<112xf32, #tpu.memory_space<hbm>>
      tpu.enqueue_dma source(%arg24 : memref<112xf32, #tpu.memory_space<vmem>>) target(%dma_start3A_161 : memref<112xf32, #tpu.memory_space<hbm>>) target_semaphore(%arg28 : memref<!tpu.dma_semaphore, #tpu.memory_space<semaphore_mem>>)
      %dma_start3A_162 = arith.constant 0 : i32
      %dma_start3A_163 = tpu.memref_slice %arg9[%add3A, %dma_start3A_162] : memref<80x112xf32, #tpu.memory_space<hbm>> -> memref<1x112xf32, #tpu.memory_space<hbm>>
      %dma_start3A_164 = tpu.memref_squeeze %dma_start3A_163 : memref<1x112xf32, #tpu.memory_space<hbm>> -> memref<112xf32, #tpu.memory_space<hbm>>
      %dma_start3A_165 = arith.constant 0 : i32
      %dma_start3A_166 = tpu.memref_slice %arg9[%add3A, %dma_start3A_165] : memref<80x112xf32, #tpu.memory_space<hbm>> -> memref<1x112xf32, #tpu.memory_space<hbm>>
      %dma_start3A_167 = tpu.memref_squeeze %dma_start3A_166 : memref<1x112xf32, #tpu.memory_space<hbm>> -> memref<112xf32, #tpu.memory_space<hbm>>
      tpu.enqueue_dma source(%arg25 : memref<112xf32, #tpu.memory_space<vmem>>) target(%dma_start3A_167 : memref<112xf32, #tpu.memory_space<hbm>>) target_semaphore(%arg28 : memref<!tpu.dma_semaphore, #tpu.memory_space<semaphore_mem>>)
      %dma_start3A_168 = arith.constant 0 : i32
      %dma_start3A_169 = tpu.memref_slice %arg10[%add3A, %dma_start3A_168] : memref<80x112xf32, #tpu.memory_space<hbm>> -> memref<1x112xf32, #tpu.memory_space<hbm>>
      %dma_start3A_170 = tpu.memref_squeeze %dma_start3A_169 : memref<1x112xf32, #tpu.memory_space<hbm>> -> memref<112xf32, #tpu.memory_space<hbm>>
      %dma_start3A_171 = arith.constant 0 : i32
      %dma_start3A_172 = tpu.memref_slice %arg10[%add3A, %dma_start3A_171] : memref<80x112xf32, #tpu.memory_space<hbm>> -> memref<1x112xf32, #tpu.memory_space<hbm>>
      %dma_start3A_173 = tpu.memref_squeeze %dma_start3A_172 : memref<1x112xf32, #tpu.memory_space<hbm>> -> memref<112xf32, #tpu.memory_space<hbm>>
      tpu.enqueue_dma source(%arg26 : memref<112xf32, #tpu.memory_space<vmem>>) target(%dma_start3A_173 : memref<112xf32, #tpu.memory_space<hbm>>) target_semaphore(%arg28 : memref<!tpu.dma_semaphore, #tpu.memory_space<semaphore_mem>>)
      %dma_start3A_174 = arith.constant 0 : i32
      %dma_start3A_175 = tpu.memref_slice %arg11[%add3A, %dma_start3A_174] : memref<80x112xf32, #tpu.memory_space<hbm>> -> memref<1x112xf32, #tpu.memory_space<hbm>>
      %dma_start3A_176 = tpu.memref_squeeze %dma_start3A_175 : memref<1x112xf32, #tpu.memory_space<hbm>> -> memref<112xf32, #tpu.memory_space<hbm>>
      %dma_start3A_177 = arith.constant 0 : i32
      %dma_start3A_178 = tpu.memref_slice %arg11[%add3A, %dma_start3A_177] : memref<80x112xf32, #tpu.memory_space<hbm>> -> memref<1x112xf32, #tpu.memory_space<hbm>>
      %dma_start3A_179 = tpu.memref_squeeze %dma_start3A_178 : memref<1x112xf32, #tpu.memory_space<hbm>> -> memref<112xf32, #tpu.memory_space<hbm>>
      tpu.enqueue_dma source(%arg27 : memref<112xf32, #tpu.memory_space<vmem>>) target(%dma_start3A_179 : memref<112xf32, #tpu.memory_space<hbm>>) target_semaphore(%arg28 : memref<!tpu.dma_semaphore, #tpu.memory_space<semaphore_mem>>)
      %dma_wait3A_180 = arith.constant 0 : i32
      %dma_wait3A_181 = tpu.memref_slice %arg7[%add3A, %dma_wait3A_180] : memref<80x112xf32, #tpu.memory_space<hbm>> -> memref<1x112xf32, #tpu.memory_space<hbm>>
      %dma_wait3A_182 = tpu.memref_squeeze %dma_wait3A_181 : memref<1x112xf32, #tpu.memory_space<hbm>> -> memref<112xf32, #tpu.memory_space<hbm>>
      %dma_wait3A_183 = arith.constant 0 : i32
      %dma_wait3A_184 = tpu.memref_slice %arg7[%add3A, %dma_wait3A_183] : memref<80x112xf32, #tpu.memory_space<hbm>> -> memref<1x112xf32, #tpu.memory_space<hbm>>
      %dma_wait3A_185 = tpu.memref_squeeze %dma_wait3A_184 : memref<1x112xf32, #tpu.memory_space<hbm>> -> memref<112xf32, #tpu.memory_space<hbm>>
      tpu.wait_dma2 semaphore(%arg28 : memref<!tpu.dma_semaphore, #tpu.memory_space<semaphore_mem>>) src(%arg23 : memref<112xf32, #tpu.memory_space<vmem>>) dst(%dma_wait3A_185 : memref<112xf32, #tpu.memory_space<hbm>>)
      %dma_wait3A_186 = arith.constant 0 : i32
      %dma_wait3A_187 = tpu.memref_slice %arg8[%add3A, %dma_wait3A_186] : memref<80x112xf32, #tpu.memory_space<hbm>> -> memref<1x112xf32, #tpu.memory_space<hbm>>
      %dma_wait3A_188 = tpu.memref_squeeze %dma_wait3A_187 : memref<1x112xf32, #tpu.memory_space<hbm>> -> memref<112xf32, #tpu.memory_space<hbm>>
      %dma_wait3A_189 = arith.constant 0 : i32
      %dma_wait3A_190 = tpu.memref_slice %arg8[%add3A, %dma_wait3A_189] : memref<80x112xf32, #tpu.memory_space<hbm>> -> memref<1x112xf32, #tpu.memory_space<hbm>>
      %dma_wait3A_191 = tpu.memref_squeeze %dma_wait3A_190 : memref<1x112xf32, #tpu.memory_space<hbm>> -> memref<112xf32, #tpu.memory_space<hbm>>
      tpu.wait_dma2 semaphore(%arg28 : memref<!tpu.dma_semaphore, #tpu.memory_space<semaphore_mem>>) src(%arg24 : memref<112xf32, #tpu.memory_space<vmem>>) dst(%dma_wait3A_191 : memref<112xf32, #tpu.memory_space<hbm>>)
      %dma_wait3A_192 = arith.constant 0 : i32
      %dma_wait3A_193 = tpu.memref_slice %arg9[%add3A, %dma_wait3A_192] : memref<80x112xf32, #tpu.memory_space<hbm>> -> memref<1x112xf32, #tpu.memory_space<hbm>>
      %dma_wait3A_194 = tpu.memref_squeeze %dma_wait3A_193 : memref<1x112xf32, #tpu.memory_space<hbm>> -> memref<112xf32, #tpu.memory_space<hbm>>
      %dma_wait3A_195 = arith.constant 0 : i32
      %dma_wait3A_196 = tpu.memref_slice %arg9[%add3A, %dma_wait3A_195] : memref<80x112xf32, #tpu.memory_space<hbm>> -> memref<1x112xf32, #tpu.memory_space<hbm>>
      %dma_wait3A_197 = tpu.memref_squeeze %dma_wait3A_196 : memref<1x112xf32, #tpu.memory_space<hbm>> -> memref<112xf32, #tpu.memory_space<hbm>>
      tpu.wait_dma2 semaphore(%arg28 : memref<!tpu.dma_semaphore, #tpu.memory_space<semaphore_mem>>) src(%arg25 : memref<112xf32, #tpu.memory_space<vmem>>) dst(%dma_wait3A_197 : memref<112xf32, #tpu.memory_space<hbm>>)
      %dma_wait3A_198 = arith.constant 0 : i32
      %dma_wait3A_199 = tpu.memref_slice %arg10[%add3A, %dma_wait3A_198] : memref<80x112xf32, #tpu.memory_space<hbm>> -> memref<1x112xf32, #tpu.memory_space<hbm>>
      %dma_wait3A_200 = tpu.memref_squeeze %dma_wait3A_199 : memref<1x112xf32, #tpu.memory_space<hbm>> -> memref<112xf32, #tpu.memory_space<hbm>>
      %dma_wait3A_201 = arith.constant 0 : i32
      %dma_wait3A_202 = tpu.memref_slice %arg10[%add3A, %dma_wait3A_201] : memref<80x112xf32, #tpu.memory_space<hbm>> -> memref<1x112xf32, #tpu.memory_space<hbm>>
      %dma_wait3A_203 = tpu.memref_squeeze %dma_wait3A_202 : memref<1x112xf32, #tpu.memory_space<hbm>> -> memref<112xf32, #tpu.memory_space<hbm>>
      tpu.wait_dma2 semaphore(%arg28 : memref<!tpu.dma_semaphore, #tpu.memory_space<semaphore_mem>>) src(%arg26 : memref<112xf32, #tpu.memory_space<vmem>>) dst(%dma_wait3A_203 : memref<112xf32, #tpu.memory_space<hbm>>)
      %dma_wait3A_204 = arith.constant 0 : i32
      %dma_wait3A_205 = tpu.memref_slice %arg11[%add3A, %dma_wait3A_204] : memref<80x112xf32, #tpu.memory_space<hbm>> -> memref<1x112xf32, #tpu.memory_space<hbm>>
      %dma_wait3A_206 = tpu.memref_squeeze %dma_wait3A_205 : memref<1x112xf32, #tpu.memory_space<hbm>> -> memref<112xf32, #tpu.memory_space<hbm>>
      %dma_wait3A_207 = arith.constant 0 : i32
      %dma_wait3A_208 = tpu.memref_slice %arg11[%add3A, %dma_wait3A_207] : memref<80x112xf32, #tpu.memory_space<hbm>> -> memref<1x112xf32, #tpu.memory_space<hbm>>
      %dma_wait3A_209 = tpu.memref_squeeze %dma_wait3A_208 : memref<1x112xf32, #tpu.memory_space<hbm>> -> memref<112xf32, #tpu.memory_space<hbm>>
      tpu.wait_dma2 semaphore(%arg28 : memref<!tpu.dma_semaphore, #tpu.memory_space<semaphore_mem>>) src(%arg27 : memref<112xf32, #tpu.memory_space<vmem>>) dst(%dma_wait3A_209 : memref<112xf32, #tpu.memory_space<hbm>>)
      %sc_fetch_and_add3A_210 = arith.constant 1 : i32
      %sc_fetch_and_add3A_211 = arith.constant 0 : i32
      %sc_fetch_and_add3A_212 = arith.constant 0 : i32
      %sc_fetch_and_add3A_213 = tpu.fetch_and_add_sync %arg29[%sc_fetch_and_add3A_211], %sc_fetch_and_add3A_210, %sc_fetch_and_add3A_212 : memref<1xi32, #tpu.memory_space<smem>>, i32 -> i32
      scf.yield %sc_fetch_and_add3A_213 : i32
    }
    return
  }
}

#map = affine_map<(d0, d1) -> (0, 0)>
#map1 = affine_map<(d0, d1) -> (0)>
module attributes {stable_mosaic.version = 14 : i64} {
  func.func @_merge_body(%arg0: i32, %arg1: i32, %arg2: memref<80x112xf32, #tpu.memory_space<hbm>>, %arg3: memref<80x112xf32, #tpu.memory_space<hbm>>, %arg4: memref<80x112xf32, #tpu.memory_space<hbm>>, %arg5: memref<80x112xf32, #tpu.memory_space<hbm>>, %arg6: memref<80x112xf32, #tpu.memory_space<hbm>>, %arg7: memref<80x5120xf32, #tpu.memory_space<hbm>>, %arg8: memref<80x5120xf32, #tpu.memory_space<hbm>>, %arg9: memref<80x5120xf32, #tpu.memory_space<hbm>>, %arg10: memref<80x5120xf32, #tpu.memory_space<hbm>>, %arg11: memref<80x5120xf32, #tpu.memory_space<hbm>>, %arg12: memref<448xf32, #tpu.memory_space<hbm>>, %arg13: memref<112xf32, #tpu.memory_space<hbm>>, %arg14: memref<112xi32, #tpu.memory_space<hbm>>, %arg15: memref<80x112xf32, #tpu.memory_space<vmem>>, %arg16: memref<80x112xf32, #tpu.memory_space<vmem>>, %arg17: memref<80x112xf32, #tpu.memory_space<vmem>>, %arg18: memref<80x112xf32, #tpu.memory_space<vmem>>, %arg19: memref<80x112xf32, #tpu.memory_space<vmem>>, %arg20: memref<128xi32, #tpu.memory_space<vmem>>, %arg21: memref<16xf32, #tpu.memory_space<vmem>>, %arg22: memref<80xf32, #tpu.memory_space<vmem>>, %arg23: memref<448xf32, #tpu.memory_space<vmem>>, %arg24: memref<112xf32, #tpu.memory_space<vmem>>, %arg25: memref<112xi32, #tpu.memory_space<vmem>>) attributes {dimension_semantics = [#tpu.dimension_semantics<core_parallel>, #tpu.dimension_semantics<subcore_parallel>], iteration_bounds = array<i64: 2, 16>, scalar_prefetch = 0 : i64, scratch_operands = 11 : i64, tpu.core_type = #tpu.core_type<sc_vector_subcore>, window_params = [{transform_indices = #map}, {transform_indices = #map}, {transform_indices = #map}, {transform_indices = #map}, {transform_indices = #map}, {transform_indices = #map}, {transform_indices = #map}, {transform_indices = #map}, {transform_indices = #map}, {transform_indices = #map}, {transform_indices = #map1}, {transform_indices = #map1}, {transform_indices = #map1}]} {
    %mul3A = arith.constant 2 : i32
    %mul3A_0 = arith.muli %arg1, %mul3A : i32
    %add3A = arith.addi %mul3A_0, %arg0 : i32
    %iota3A = tpu.iota {dimensions = array<i32: 0>} : vector<16xi32>
    %broadcast_in_dim3A = arith.constant 0 : i32
    %broadcast_in_dim3A_1 = vector.broadcast %broadcast_in_dim3A : i32 to vector<16xi32>
    %eq3A = arith.constant 0 : i32
    %eq3A_2 = arith.cmpi eq, %add3A, %eq3A : i32
    %convert_element_type3A = arith.extui %eq3A_2 : i1 to i32
    %cond3A = arith.constant 0 : i32
    %cond3A_3 = arith.cmpi ne, %convert_element_type3A, %cond3A : i32
    scf.if %cond3A_3 {
      "tpu.region"() ({
        %run_scoped3A_62 = tpu.sem_alloc : memref<!tpu.dma_semaphore, #tpu.memory_space<semaphore_mem>>
        tpu.enqueue_dma source(%arg2 : memref<80x112xf32, #tpu.memory_space<hbm>>) target(%arg15 : memref<80x112xf32, #tpu.memory_space<vmem>>) target_semaphore(%run_scoped3A_62 : memref<!tpu.dma_semaphore, #tpu.memory_space<semaphore_mem>>)
        tpu.wait_dma2 semaphore(%run_scoped3A_62 : memref<!tpu.dma_semaphore, #tpu.memory_space<semaphore_mem>>) src(%arg2 : memref<80x112xf32, #tpu.memory_space<hbm>>) dst(%arg15 : memref<80x112xf32, #tpu.memory_space<vmem>>)
        tpu.yield
      }) : () -> ()
      "tpu.region"() ({
        %run_scoped3A_62 = tpu.sem_alloc : memref<!tpu.dma_semaphore, #tpu.memory_space<semaphore_mem>>
        tpu.enqueue_dma source(%arg3 : memref<80x112xf32, #tpu.memory_space<hbm>>) target(%arg16 : memref<80x112xf32, #tpu.memory_space<vmem>>) target_semaphore(%run_scoped3A_62 : memref<!tpu.dma_semaphore, #tpu.memory_space<semaphore_mem>>)
        tpu.wait_dma2 semaphore(%run_scoped3A_62 : memref<!tpu.dma_semaphore, #tpu.memory_space<semaphore_mem>>) src(%arg3 : memref<80x112xf32, #tpu.memory_space<hbm>>) dst(%arg16 : memref<80x112xf32, #tpu.memory_space<vmem>>)
        tpu.yield
      }) : () -> ()
      "tpu.region"() ({
        %run_scoped3A_62 = tpu.sem_alloc : memref<!tpu.dma_semaphore, #tpu.memory_space<semaphore_mem>>
        tpu.enqueue_dma source(%arg4 : memref<80x112xf32, #tpu.memory_space<hbm>>) target(%arg17 : memref<80x112xf32, #tpu.memory_space<vmem>>) target_semaphore(%run_scoped3A_62 : memref<!tpu.dma_semaphore, #tpu.memory_space<semaphore_mem>>)
        tpu.wait_dma2 semaphore(%run_scoped3A_62 : memref<!tpu.dma_semaphore, #tpu.memory_space<semaphore_mem>>) src(%arg4 : memref<80x112xf32, #tpu.memory_space<hbm>>) dst(%arg17 : memref<80x112xf32, #tpu.memory_space<vmem>>)
        tpu.yield
      }) : () -> ()
      "tpu.region"() ({
        %run_scoped3A_62 = tpu.sem_alloc : memref<!tpu.dma_semaphore, #tpu.memory_space<semaphore_mem>>
        tpu.enqueue_dma source(%arg5 : memref<80x112xf32, #tpu.memory_space<hbm>>) target(%arg18 : memref<80x112xf32, #tpu.memory_space<vmem>>) target_semaphore(%run_scoped3A_62 : memref<!tpu.dma_semaphore, #tpu.memory_space<semaphore_mem>>)
        tpu.wait_dma2 semaphore(%run_scoped3A_62 : memref<!tpu.dma_semaphore, #tpu.memory_space<semaphore_mem>>) src(%arg5 : memref<80x112xf32, #tpu.memory_space<hbm>>) dst(%arg18 : memref<80x112xf32, #tpu.memory_space<vmem>>)
        tpu.yield
      }) : () -> ()
      "tpu.region"() ({
        %run_scoped3A_62 = tpu.sem_alloc : memref<!tpu.dma_semaphore, #tpu.memory_space<semaphore_mem>>
        tpu.enqueue_dma source(%arg6 : memref<80x112xf32, #tpu.memory_space<hbm>>) target(%arg19 : memref<80x112xf32, #tpu.memory_space<vmem>>) target_semaphore(%run_scoped3A_62 : memref<!tpu.dma_semaphore, #tpu.memory_space<semaphore_mem>>)
        tpu.wait_dma2 semaphore(%run_scoped3A_62 : memref<!tpu.dma_semaphore, #tpu.memory_space<semaphore_mem>>) src(%arg6 : memref<80x112xf32, #tpu.memory_space<hbm>>) dst(%arg19 : memref<80x112xf32, #tpu.memory_space<vmem>>)
        tpu.yield
      }) : () -> ()
      %run_scoped3A = arith.constant 0 : i32
      "tpu.region"() ({
        %run_scoped3A_62 = tpu.sem_alloc : memref<!tpu.dma_semaphore, #tpu.memory_space<semaphore_mem>>
        %dma_start3A = arith.constant 0 : i32
        %dma_start3A_63 = tpu.memref_slice %arg7[%run_scoped3A, %dma_start3A] : memref<80x5120xf32, #tpu.memory_space<hbm>> -> memref<1x16xf32, #tpu.memory_space<hbm>>
        %dma_start3A_64 = tpu.memref_squeeze %dma_start3A_63 : memref<1x16xf32, #tpu.memory_space<hbm>> -> memref<16xf32, #tpu.memory_space<hbm>>
        %dma_start3A_65 = arith.constant 0 : i32
        %dma_start3A_66 = tpu.memref_slice %arg7[%run_scoped3A, %dma_start3A_65] : memref<80x5120xf32, #tpu.memory_space<hbm>> -> memref<1x16xf32, #tpu.memory_space<hbm>>
        %dma_start3A_67 = tpu.memref_squeeze %dma_start3A_66 : memref<1x16xf32, #tpu.memory_space<hbm>> -> memref<16xf32, #tpu.memory_space<hbm>>
        tpu.enqueue_dma source(%dma_start3A_67 : memref<16xf32, #tpu.memory_space<hbm>>) target(%arg21 : memref<16xf32, #tpu.memory_space<vmem>>) target_semaphore(%run_scoped3A_62 : memref<!tpu.dma_semaphore, #tpu.memory_space<semaphore_mem>>)
        %dma_wait3A = arith.constant 0 : i32
        %dma_wait3A_68 = tpu.memref_slice %arg7[%run_scoped3A, %dma_wait3A] : memref<80x5120xf32, #tpu.memory_space<hbm>> -> memref<1x16xf32, #tpu.memory_space<hbm>>
        %dma_wait3A_69 = tpu.memref_squeeze %dma_wait3A_68 : memref<1x16xf32, #tpu.memory_space<hbm>> -> memref<16xf32, #tpu.memory_space<hbm>>
        %dma_wait3A_70 = arith.constant 0 : i32
        %dma_wait3A_71 = tpu.memref_slice %arg7[%run_scoped3A, %dma_wait3A_70] : memref<80x5120xf32, #tpu.memory_space<hbm>> -> memref<1x16xf32, #tpu.memory_space<hbm>>
        %dma_wait3A_72 = tpu.memref_squeeze %dma_wait3A_71 : memref<1x16xf32, #tpu.memory_space<hbm>> -> memref<16xf32, #tpu.memory_space<hbm>>
        tpu.wait_dma2 semaphore(%run_scoped3A_62 : memref<!tpu.dma_semaphore, #tpu.memory_space<semaphore_mem>>) src(%dma_wait3A_72 : memref<16xf32, #tpu.memory_space<hbm>>) dst(%arg21 : memref<16xf32, #tpu.memory_space<vmem>>)
        tpu.yield
      }) : () -> ()
      %gather3A = tpu.vector_load_idx %arg21[%broadcast_in_dim3A_1] : memref<16xf32, #tpu.memory_space<vmem>>[vector<16xi32>], vector<16xf32>,
      %run_scoped3A_4 = arith.constant 0 : i32
      "tpu.region"() ({
        %run_scoped3A_62 = tpu.sem_alloc : memref<!tpu.dma_semaphore, #tpu.memory_space<semaphore_mem>>
        %dma_start3A = arith.constant 0 : i32
        %dma_start3A_63 = tpu.memref_slice %arg8[%run_scoped3A_4, %dma_start3A] : memref<80x5120xf32, #tpu.memory_space<hbm>> -> memref<1x16xf32, #tpu.memory_space<hbm>>
        %dma_start3A_64 = tpu.memref_squeeze %dma_start3A_63 : memref<1x16xf32, #tpu.memory_space<hbm>> -> memref<16xf32, #tpu.memory_space<hbm>>
        %dma_start3A_65 = arith.constant 0 : i32
        %dma_start3A_66 = tpu.memref_slice %arg8[%run_scoped3A_4, %dma_start3A_65] : memref<80x5120xf32, #tpu.memory_space<hbm>> -> memref<1x16xf32, #tpu.memory_space<hbm>>
        %dma_start3A_67 = tpu.memref_squeeze %dma_start3A_66 : memref<1x16xf32, #tpu.memory_space<hbm>> -> memref<16xf32, #tpu.memory_space<hbm>>
        tpu.enqueue_dma source(%dma_start3A_67 : memref<16xf32, #tpu.memory_space<hbm>>) target(%arg21 : memref<16xf32, #tpu.memory_space<vmem>>) target_semaphore(%run_scoped3A_62 : memref<!tpu.dma_semaphore, #tpu.memory_space<semaphore_mem>>)
        %dma_wait3A = arith.constant 0 : i32
        %dma_wait3A_68 = tpu.memref_slice %arg8[%run_scoped3A_4, %dma_wait3A] : memref<80x5120xf32, #tpu.memory_space<hbm>> -> memref<1x16xf32, #tpu.memory_space<hbm>>
        %dma_wait3A_69 = tpu.memref_squeeze %dma_wait3A_68 : memref<1x16xf32, #tpu.memory_space<hbm>> -> memref<16xf32, #tpu.memory_space<hbm>>
        %dma_wait3A_70 = arith.constant 0 : i32
        %dma_wait3A_71 = tpu.memref_slice %arg8[%run_scoped3A_4, %dma_wait3A_70] : memref<80x5120xf32, #tpu.memory_space<hbm>> -> memref<1x16xf32, #tpu.memory_space<hbm>>
        %dma_wait3A_72 = tpu.memref_squeeze %dma_wait3A_71 : memref<1x16xf32, #tpu.memory_space<hbm>> -> memref<16xf32, #tpu.memory_space<hbm>>
        tpu.wait_dma2 semaphore(%run_scoped3A_62 : memref<!tpu.dma_semaphore, #tpu.memory_space<semaphore_mem>>) src(%dma_wait3A_72 : memref<16xf32, #tpu.memory_space<hbm>>) dst(%arg21 : memref<16xf32, #tpu.memory_space<vmem>>)
        tpu.yield
      }) : () -> ()
      %gather3A_5 = tpu.vector_load_idx %arg21[%broadcast_in_dim3A_1] : memref<16xf32, #tpu.memory_space<vmem>>[vector<16xi32>], vector<16xf32>,
      %run_scoped3A_6 = arith.constant 0 : i32
      "tpu.region"() ({
        %run_scoped3A_62 = tpu.sem_alloc : memref<!tpu.dma_semaphore, #tpu.memory_space<semaphore_mem>>
        %dma_start3A = arith.constant 0 : i32
        %dma_start3A_63 = tpu.memref_slice %arg9[%run_scoped3A_6, %dma_start3A] : memref<80x5120xf32, #tpu.memory_space<hbm>> -> memref<1x16xf32, #tpu.memory_space<hbm>>
        %dma_start3A_64 = tpu.memref_squeeze %dma_start3A_63 : memref<1x16xf32, #tpu.memory_space<hbm>> -> memref<16xf32, #tpu.memory_space<hbm>>
        %dma_start3A_65 = arith.constant 0 : i32
        %dma_start3A_66 = tpu.memref_slice %arg9[%run_scoped3A_6, %dma_start3A_65] : memref<80x5120xf32, #tpu.memory_space<hbm>> -> memref<1x16xf32, #tpu.memory_space<hbm>>
        %dma_start3A_67 = tpu.memref_squeeze %dma_start3A_66 : memref<1x16xf32, #tpu.memory_space<hbm>> -> memref<16xf32, #tpu.memory_space<hbm>>
        tpu.enqueue_dma source(%dma_start3A_67 : memref<16xf32, #tpu.memory_space<hbm>>) target(%arg21 : memref<16xf32, #tpu.memory_space<vmem>>) target_semaphore(%run_scoped3A_62 : memref<!tpu.dma_semaphore, #tpu.memory_space<semaphore_mem>>)
        %dma_wait3A = arith.constant 0 : i32
        %dma_wait3A_68 = tpu.memref_slice %arg9[%run_scoped3A_6, %dma_wait3A] : memref<80x5120xf32, #tpu.memory_space<hbm>> -> memref<1x16xf32, #tpu.memory_space<hbm>>
        %dma_wait3A_69 = tpu.memref_squeeze %dma_wait3A_68 : memref<1x16xf32, #tpu.memory_space<hbm>> -> memref<16xf32, #tpu.memory_space<hbm>>
        %dma_wait3A_70 = arith.constant 0 : i32
        %dma_wait3A_71 = tpu.memref_slice %arg9[%run_scoped3A_6, %dma_wait3A_70] : memref<80x5120xf32, #tpu.memory_space<hbm>> -> memref<1x16xf32, #tpu.memory_space<hbm>>
        %dma_wait3A_72 = tpu.memref_squeeze %dma_wait3A_71 : memref<1x16xf32, #tpu.memory_space<hbm>> -> memref<16xf32, #tpu.memory_space<hbm>>
        tpu.wait_dma2 semaphore(%run_scoped3A_62 : memref<!tpu.dma_semaphore, #tpu.memory_space<semaphore_mem>>) src(%dma_wait3A_72 : memref<16xf32, #tpu.memory_space<hbm>>) dst(%arg21 : memref<16xf32, #tpu.memory_space<vmem>>)
        tpu.yield
      }) : () -> ()
      %gather3A_7 = tpu.vector_load_idx %arg21[%broadcast_in_dim3A_1] : memref<16xf32, #tpu.memory_space<vmem>>[vector<16xi32>], vector<16xf32>,
      %run_scoped3A_8 = arith.constant 0 : i32
      "tpu.region"() ({
        %run_scoped3A_62 = tpu.sem_alloc : memref<!tpu.dma_semaphore, #tpu.memory_space<semaphore_mem>>
        %dma_start3A = arith.constant 0 : i32
        %dma_start3A_63 = tpu.memref_slice %arg10[%run_scoped3A_8, %dma_start3A] : memref<80x5120xf32, #tpu.memory_space<hbm>> -> memref<1x16xf32, #tpu.memory_space<hbm>>
        %dma_start3A_64 = tpu.memref_squeeze %dma_start3A_63 : memref<1x16xf32, #tpu.memory_space<hbm>> -> memref<16xf32, #tpu.memory_space<hbm>>
        %dma_start3A_65 = arith.constant 0 : i32
        %dma_start3A_66 = tpu.memref_slice %arg10[%run_scoped3A_8, %dma_start3A_65] : memref<80x5120xf32, #tpu.memory_space<hbm>> -> memref<1x16xf32, #tpu.memory_space<hbm>>
        %dma_start3A_67 = tpu.memref_squeeze %dma_start3A_66 : memref<1x16xf32, #tpu.memory_space<hbm>> -> memref<16xf32, #tpu.memory_space<hbm>>
        tpu.enqueue_dma source(%dma_start3A_67 : memref<16xf32, #tpu.memory_space<hbm>>) target(%arg21 : memref<16xf32, #tpu.memory_space<vmem>>) target_semaphore(%run_scoped3A_62 : memref<!tpu.dma_semaphore, #tpu.memory_space<semaphore_mem>>)
        %dma_wait3A = arith.constant 0 : i32
        %dma_wait3A_68 = tpu.memref_slice %arg10[%run_scoped3A_8, %dma_wait3A] : memref<80x5120xf32, #tpu.memory_space<hbm>> -> memref<1x16xf32, #tpu.memory_space<hbm>>
        %dma_wait3A_69 = tpu.memref_squeeze %dma_wait3A_68 : memref<1x16xf32, #tpu.memory_space<hbm>> -> memref<16xf32, #tpu.memory_space<hbm>>
        %dma_wait3A_70 = arith.constant 0 : i32
        %dma_wait3A_71 = tpu.memref_slice %arg10[%run_scoped3A_8, %dma_wait3A_70] : memref<80x5120xf32, #tpu.memory_space<hbm>> -> memref<1x16xf32, #tpu.memory_space<hbm>>
        %dma_wait3A_72 = tpu.memref_squeeze %dma_wait3A_71 : memref<1x16xf32, #tpu.memory_space<hbm>> -> memref<16xf32, #tpu.memory_space<hbm>>
        tpu.wait_dma2 semaphore(%run_scoped3A_62 : memref<!tpu.dma_semaphore, #tpu.memory_space<semaphore_mem>>) src(%dma_wait3A_72 : memref<16xf32, #tpu.memory_space<hbm>>) dst(%arg21 : memref<16xf32, #tpu.memory_space<vmem>>)
        tpu.yield
      }) : () -> ()
      %gather3A_9 = tpu.vector_load_idx %arg21[%broadcast_in_dim3A_1] : memref<16xf32, #tpu.memory_space<vmem>>[vector<16xi32>], vector<16xf32>,
      %run_scoped3A_10 = arith.constant 0 : i32
      "tpu.region"() ({
        %run_scoped3A_62 = tpu.sem_alloc : memref<!tpu.dma_semaphore, #tpu.memory_space<semaphore_mem>>
        %dma_start3A = arith.constant 0 : i32
        %dma_start3A_63 = tpu.memref_slice %arg11[%run_scoped3A_10, %dma_start3A] : memref<80x5120xf32, #tpu.memory_space<hbm>> -> memref<1x16xf32, #tpu.memory_space<hbm>>
        %dma_start3A_64 = tpu.memref_squeeze %dma_start3A_63 : memref<1x16xf32, #tpu.memory_space<hbm>> -> memref<16xf32, #tpu.memory_space<hbm>>
        %dma_start3A_65 = arith.constant 0 : i32
        %dma_start3A_66 = tpu.memref_slice %arg11[%run_scoped3A_10, %dma_start3A_65] : memref<80x5120xf32, #tpu.memory_space<hbm>> -> memref<1x16xf32, #tpu.memory_space<hbm>>
        %dma_start3A_67 = tpu.memref_squeeze %dma_start3A_66 : memref<1x16xf32, #tpu.memory_space<hbm>> -> memref<16xf32, #tpu.memory_space<hbm>>
        tpu.enqueue_dma source(%dma_start3A_67 : memref<16xf32, #tpu.memory_space<hbm>>) target(%arg21 : memref<16xf32, #tpu.memory_space<vmem>>) target_semaphore(%run_scoped3A_62 : memref<!tpu.dma_semaphore, #tpu.memory_space<semaphore_mem>>)
        %dma_wait3A = arith.constant 0 : i32
        %dma_wait3A_68 = tpu.memref_slice %arg11[%run_scoped3A_10, %dma_wait3A] : memref<80x5120xf32, #tpu.memory_space<hbm>> -> memref<1x16xf32, #tpu.memory_space<hbm>>
        %dma_wait3A_69 = tpu.memref_squeeze %dma_wait3A_68 : memref<1x16xf32, #tpu.memory_space<hbm>> -> memref<16xf32, #tpu.memory_space<hbm>>
        %dma_wait3A_70 = arith.constant 0 : i32
        %dma_wait3A_71 = tpu.memref_slice %arg11[%run_scoped3A_10, %dma_wait3A_70] : memref<80x5120xf32, #tpu.memory_space<hbm>> -> memref<1x16xf32, #tpu.memory_space<hbm>>
        %dma_wait3A_72 = tpu.memref_squeeze %dma_wait3A_71 : memref<1x16xf32, #tpu.memory_space<hbm>> -> memref<16xf32, #tpu.memory_space<hbm>>
        tpu.wait_dma2 semaphore(%run_scoped3A_62 : memref<!tpu.dma_semaphore, #tpu.memory_space<semaphore_mem>>) src(%dma_wait3A_72 : memref<16xf32, #tpu.memory_space<hbm>>) dst(%arg21 : memref<16xf32, #tpu.memory_space<vmem>>)
        tpu.yield
      }) : () -> ()
      %gather3A_11 = tpu.vector_load_idx %arg21[%broadcast_in_dim3A_1] : memref<16xf32, #tpu.memory_space<vmem>>[vector<16xi32>], vector<16xf32>,
      %scan3A = arith.constant 0 : i32
      %scan3A_12 = arith.constant 0 : i32
      %scan3A_13 = arith.constant 5 : i32
      %scan3A_14 = arith.addi %scan3A_12, %scan3A_13 : i32
      %scan3A_15 = arith.constant 1 : i32
      %scan3A_16 = scf.for %scan3A_62 = %scan3A_12 to %scan3A_14 step %scan3A_15 iter_args(%scan3A_63 = %scan3A) -> (i32)  : i32 {
        %mul3A_64 = arith.constant 16 : i32
        %mul3A_65 = arith.muli %scan3A_62, %mul3A_64 : i32
        %add3A_66 = vector.broadcast %mul3A_65 : i32 to vector<16xi32>
        %add3A_67 = arith.addi %add3A_66, %iota3A : vector<16xi32>
        %gather3A_68 = tpu.vector_load_idx %arg15[%add3A_67, %broadcast_in_dim3A_1] : memref<80x112xf32, #tpu.memory_space<vmem>>[vector<16xi32>, vector<16xi32>], vector<16xf32>,
        %mul3A_69 = arith.constant 16 : i32
        %mul3A_70 = arith.muli %scan3A_62, %mul3A_69 : i32
        %swap3A_71 = arith.index_cast %mul3A_70 : i32 to index
        %swap3A_72 = tpu.vector_load %arg22[%swap3A_71] {strides = array<i32>} : memref<80xf32, #tpu.memory_space<vmem>>, vector<16xf32>,
        tpu.vector_store %arg22[%swap3A_71], %gather3A_68 {strides = array<i32>} : memref<80xf32, #tpu.memory_space<vmem>>, vector<16xf32>,
        %scan3A_73 = arith.constant 0 : i32
        scf.yield %scan3A_73 : i32
      }
      %scan3A_17 = arith.constant 5 : i32
      %get3A = arith.constant 0 : index
      %get3A_18 = tpu.vector_load %arg22[%get3A] {strides = array<i32>} : memref<80xf32, #tpu.memory_space<vmem>>, vector<16xf32>,
      %get3A_19 = arith.constant 16 : index
      %get3A_20 = tpu.vector_load %arg22[%get3A_19] {strides = array<i32>} : memref<80xf32, #tpu.memory_space<vmem>>, vector<16xf32>,
      %get3A_21 = arith.constant 32 : index
      %get3A_22 = tpu.vector_load %arg22[%get3A_21] {strides = array<i32>} : memref<80xf32, #tpu.memory_space<vmem>>, vector<16xf32>,
      %get3A_23 = arith.constant 48 : index
      %get3A_24 = tpu.vector_load %arg22[%get3A_23] {strides = array<i32>} : memref<80xf32, #tpu.memory_space<vmem>>, vector<16xf32>,
      %get3A_25 = arith.constant 64 : index
      %get3A_26 = tpu.vector_load %arg22[%get3A_25] {strides = array<i32>} : memref<80xf32, #tpu.memory_space<vmem>>, vector<16xf32>,
      %broadcast_in_dim3A_27 = arith.constant 0 : i32
      %broadcast_in_dim3A_28 = vector.broadcast %broadcast_in_dim3A_27 : i32 to vector<16xi32>
      %swap3A = arith.constant 0 : index
      %swap3A_29 = tpu.vector_load %arg20[%swap3A] {strides = array<i32>} : memref<128xi32, #tpu.memory_space<vmem>>, vector<16xi32>,
      tpu.vector_store %arg20[%swap3A], %broadcast_in_dim3A_28 {strides = array<i32>} : memref<128xi32, #tpu.memory_space<vmem>>, vector<16xi32>,
      %broadcast_in_dim3A_30 = arith.constant 0 : i32
      %broadcast_in_dim3A_31 = vector.broadcast %broadcast_in_dim3A_30 : i32 to vector<16xi32>
      %swap3A_32 = arith.constant 16 : index
      %swap3A_33 = tpu.vector_load %arg20[%swap3A_32] {strides = array<i32>} : memref<128xi32, #tpu.memory_space<vmem>>, vector<16xi32>,
      tpu.vector_store %arg20[%swap3A_32], %broadcast_in_dim3A_31 {strides = array<i32>} : memref<128xi32, #tpu.memory_space<vmem>>, vector<16xi32>,
      %broadcast_in_dim3A_34 = arith.constant 0 : i32
      %broadcast_in_dim3A_35 = vector.broadcast %broadcast_in_dim3A_34 : i32 to vector<16xi32>
      %swap3A_36 = arith.constant 32 : index
      %swap3A_37 = tpu.vector_load %arg20[%swap3A_36] {strides = array<i32>} : memref<128xi32, #tpu.memory_space<vmem>>, vector<16xi32>,
      tpu.vector_store %arg20[%swap3A_36], %broadcast_in_dim3A_35 {strides = array<i32>} : memref<128xi32, #tpu.memory_space<vmem>>, vector<16xi32>,
      %broadcast_in_dim3A_38 = arith.constant 0 : i32
      %broadcast_in_dim3A_39 = vector.broadcast %broadcast_in_dim3A_38 : i32 to vector<16xi32>
      %swap3A_40 = arith.constant 48 : index
      %swap3A_41 = tpu.vector_load %arg20[%swap3A_40] {strides = array<i32>} : memref<128xi32, #tpu.memory_space<vmem>>, vector<16xi32>,
      tpu.vector_store %arg20[%swap3A_40], %broadcast_in_dim3A_39 {strides = array<i32>} : memref<128xi32, #tpu.memory_space<vmem>>, vector<16xi32>,
      %broadcast_in_dim3A_42 = arith.constant 0 : i32
      %broadcast_in_dim3A_43 = vector.broadcast %broadcast_in_dim3A_42 : i32 to vector<16xi32>
      %swap3A_44 = arith.constant 64 : index
      %swap3A_45 = tpu.vector_load %arg20[%swap3A_44] {strides = array<i32>} : memref<128xi32, #tpu.memory_space<vmem>>, vector<16xi32>,
      tpu.vector_store %arg20[%swap3A_44], %broadcast_in_dim3A_43 {strides = array<i32>} : memref<128xi32, #tpu.memory_space<vmem>>, vector<16xi32>,
      %broadcast_in_dim3A_46 = arith.constant 0 : i32
      %broadcast_in_dim3A_47 = vector.broadcast %broadcast_in_dim3A_46 : i32 to vector<16xi32>
      %swap3A_48 = arith.constant 80 : index
      %swap3A_49 = tpu.vector_load %arg20[%swap3A_48] {strides = array<i32>} : memref<128xi32, #tpu.memory_space<vmem>>, vector<16xi32>,
      tpu.vector_store %arg20[%swap3A_48], %broadcast_in_dim3A_47 {strides = array<i32>} : memref<128xi32, #tpu.memory_space<vmem>>, vector<16xi32>,
      %broadcast_in_dim3A_50 = arith.constant 0 : i32
      %broadcast_in_dim3A_51 = vector.broadcast %broadcast_in_dim3A_50 : i32 to vector<16xi32>
      %swap3A_52 = arith.constant 96 : index
      %swap3A_53 = tpu.vector_load %arg20[%swap3A_52] {strides = array<i32>} : memref<128xi32, #tpu.memory_space<vmem>>, vector<16xi32>,
      tpu.vector_store %arg20[%swap3A_52], %broadcast_in_dim3A_51 {strides = array<i32>} : memref<128xi32, #tpu.memory_space<vmem>>, vector<16xi32>,
      %broadcast_in_dim3A_54 = arith.constant 1 : i32
      %broadcast_in_dim3A_55 = vector.broadcast %broadcast_in_dim3A_54 : i32 to vector<16xi32>
      %scan3A_56 = arith.constant 0 : i32
      %scan3A_57 = arith.constant 100 : i32
      %scan3A_58 = arith.addi %scan3A_56, %scan3A_57 : i32
      %scan3A_59 = arith.constant 1 : i32
      %scan3A_60:11 = scf.for %scan3A_62 = %scan3A_56 to %scan3A_58 step %scan3A_59 iter_args(%scan3A_63 = %get3A_18, %scan3A_64 = %get3A_20, %scan3A_65 = %get3A_22, %scan3A_66 = %get3A_24, %scan3A_67 = %get3A_26, %scan3A_68 = %broadcast_in_dim3A_55, %scan3A_69 = %gather3A, %scan3A_70 = %gather3A_5, %scan3A_71 = %gather3A_7, %scan3A_72 = %gather3A_9, %scan3A_73 = %gather3A_11) -> (vector<16xf32>, vector<16xf32>, vector<16xf32>, vector<16xf32>, vector<16xf32>, vector<16xi32>, vector<16xf32>, vector<16xf32>, vector<16xf32>, vector<16xf32>, vector<16xf32>)  : i32 {
        %max3A = arith.maximumf %scan3A_63, %scan3A_64 : vector<16xf32>
        %max3A_74 = arith.maximumf %scan3A_65, %scan3A_66 : vector<16xf32>
        %max3A_75 = arith.maximumf %max3A, %max3A_74 : vector<16xf32>
        %max3A_76 = arith.maximumf %max3A_75, %scan3A_67 : vector<16xf32>
        %reduce_max3A = arith.constant true
        %reduce_max3A_77 = vector.broadcast %reduce_max3A : i1 to vector<16xi1>
        %reduce_max3A_78 = tpu.scan <max>, %max3A_76 masked %reduce_max3A_77 : vector<16xf32>, vector<16xi1> -> vector<16xf32>
        %reduce_max3A_79 = vector.extract %reduce_max3A_78[15] : f32 from vector<16xf32>
        %broadcast_in_dim3A_80 = vector.broadcast %reduce_max3A_79 : f32 to vector<16xf32>
        %eq3A_81 = arith.cmpf oeq, %scan3A_63, %broadcast_in_dim3A_80 : vector<16xf32>
        %all_reduce_ffs3A = tpu.all_reduce %eq3A_81 {dim = 0 : i64, kind = #tpu.reduction_kind<find_first_set>} : vector<16xi1> -> vector<16xi32>
        %eq3A_82 = arith.cmpf oeq, %scan3A_64, %broadcast_in_dim3A_80 : vector<16xf32>
        %all_reduce_ffs3A_83 = tpu.all_reduce %eq3A_82 {dim = 0 : i64, kind = #tpu.reduction_kind<find_first_set>} : vector<16xi1> -> vector<16xi32>
        %eq3A_84 = arith.cmpf oeq, %scan3A_65, %broadcast_in_dim3A_80 : vector<16xf32>
        %all_reduce_ffs3A_85 = tpu.all_reduce %eq3A_84 {dim = 0 : i64, kind = #tpu.reduction_kind<find_first_set>} : vector<16xi1> -> vector<16xi32>
        %eq3A_86 = arith.cmpf oeq, %scan3A_66, %broadcast_in_dim3A_80 : vector<16xf32>
        %all_reduce_ffs3A_87 = tpu.all_reduce %eq3A_86 {dim = 0 : i64, kind = #tpu.reduction_kind<find_first_set>} : vector<16xi1> -> vector<16xi32>
        %eq3A_88 = arith.cmpf oeq, %scan3A_67, %broadcast_in_dim3A_80 : vector<16xf32>
        %all_reduce_ffs3A_89 = tpu.all_reduce %eq3A_88 {dim = 0 : i64, kind = #tpu.reduction_kind<find_first_set>} : vector<16xi1> -> vector<16xi32>
        %lt3A = arith.constant 16 : i32
        %lt3A_90 = vector.broadcast %lt3A : i32 to vector<16xi32>
        %lt3A_91 = arith.cmpi slt, %all_reduce_ffs3A, %lt3A_90 : vector<16xi32>
        %lt3A_92 = arith.constant 16 : i32
        %lt3A_93 = vector.broadcast %lt3A_92 : i32 to vector<16xi32>
        %lt3A_94 = arith.cmpi slt, %all_reduce_ffs3A_83, %lt3A_93 : vector<16xi32>
        %add3A_95 = arith.constant 16 : i32
        %add3A_96 = vector.broadcast %add3A_95 : i32 to vector<16xi32>
        %add3A_97 = arith.addi %add3A_96, %all_reduce_ffs3A_83 : vector<16xi32>
        %lt3A_98 = arith.constant 16 : i32
        %lt3A_99 = vector.broadcast %lt3A_98 : i32 to vector<16xi32>
        %lt3A_100 = arith.cmpi slt, %all_reduce_ffs3A_85, %lt3A_99 : vector<16xi32>
        %add3A_101 = arith.constant 32 : i32
        %add3A_102 = vector.broadcast %add3A_101 : i32 to vector<16xi32>
        %add3A_103 = arith.addi %add3A_102, %all_reduce_ffs3A_85 : vector<16xi32>
        %lt3A_104 = arith.constant 16 : i32
        %lt3A_105 = vector.broadcast %lt3A_104 : i32 to vector<16xi32>
        %lt3A_106 = arith.cmpi slt, %all_reduce_ffs3A_87, %lt3A_105 : vector<16xi32>
        %add3A_107 = arith.constant 48 : i32
        %add3A_108 = vector.broadcast %add3A_107 : i32 to vector<16xi32>
        %add3A_109 = arith.addi %add3A_108, %all_reduce_ffs3A_87 : vector<16xi32>
        %add3A_110 = arith.constant 64 : i32
        %add3A_111 = vector.broadcast %add3A_110 : i32 to vector<16xi32>
        %add3A_112 = arith.addi %add3A_111, %all_reduce_ffs3A_89 : vector<16xi32>
        %select_n3A = arith.select %lt3A_106, %add3A_109, %add3A_112 : vector<16xi1>, vector<16xi32>
        %select_n3A_113 = arith.select %lt3A_100, %add3A_103, %select_n3A : vector<16xi1>, vector<16xi32>
        %select_n3A_114 = arith.select %lt3A_94, %add3A_97, %select_n3A_113 : vector<16xi1>, vector<16xi32>
        %select_n3A_115 = arith.select %lt3A_91, %all_reduce_ffs3A, %select_n3A_114 : vector<16xi1>, vector<16xi32>
        %le3A = arith.constant -1.000000e+29 : f32
        %le3A_116 = vector.broadcast %le3A : f32 to vector<16xf32>
        %le3A_117 = arith.cmpf ole, %broadcast_in_dim3A_80, %le3A_116 : vector<16xf32>
        %jit3A = arith.constant 0 : i32
        %broadcast_in_dim3A_118 = vector.broadcast %jit3A : i32 to vector<16xi32>
        %select_n3A_119 = arith.select %le3A_117, %broadcast_in_dim3A_118, %select_n3A_115 : vector<16xi1>, vector<16xi32>
        %gather3A_120 = tpu.vector_load_idx %arg20[%select_n3A_119] : memref<128xi32, #tpu.memory_space<vmem>>[vector<16xi32>], vector<16xi32>,
        %gather3A_121 = tpu.vector_load_idx %arg16[%select_n3A_119, %gather3A_120] : memref<80x112xf32, #tpu.memory_space<vmem>>[vector<16xi32>, vector<16xi32>], vector<16xf32>,
        %gather3A_122 = tpu.vector_load_idx %arg17[%select_n3A_119, %gather3A_120] : memref<80x112xf32, #tpu.memory_space<vmem>>[vector<16xi32>, vector<16xi32>], vector<16xf32>,
        %gather3A_123 = tpu.vector_load_idx %arg18[%select_n3A_119, %gather3A_120] : memref<80x112xf32, #tpu.memory_space<vmem>>[vector<16xi32>, vector<16xi32>], vector<16xf32>,
        %gather3A_124 = tpu.vector_load_idx %arg19[%select_n3A_119, %gather3A_120] : memref<80x112xf32, #tpu.memory_space<vmem>>[vector<16xi32>, vector<16xi32>], vector<16xf32>,
        %add3A_125 = arith.constant 1 : i32
        %add3A_126 = vector.broadcast %add3A_125 : i32 to vector<16xi32>
        %add3A_127 = arith.addi %gather3A_120, %add3A_126 : vector<16xi32>
        %min3A = arith.constant 111 : i32
        %min3A_128 = vector.broadcast %min3A : i32 to vector<16xi32>
        %min3A_129 = arith.minsi %add3A_127, %min3A_128 : vector<16xi32>
        %gather3A_130 = tpu.vector_load_idx %arg15[%select_n3A_119, %min3A_129] : memref<80x112xf32, #tpu.memory_space<vmem>>[vector<16xi32>, vector<16xi32>], vector<16xf32>,
        %eq3A_131 = arith.constant 0 : i32
        %eq3A_132 = vector.broadcast %eq3A_131 : i32 to vector<16xi32>
        %eq3A_133 = arith.cmpi eq, %iota3A, %eq3A_132 : vector<16xi32>
        tpu.vector_store_idx %arg20[%select_n3A_119], %min3A_129 masked %eq3A_133 : memref<128xi32, #tpu.memory_space<vmem>>[vector<16xi32>], vector<16xi32>, vector<16xi1>
        %jit3A_134 = arith.constant 16 : i32
        %div3A = vector.broadcast %jit3A_134 : i32 to vector<16xi32>
        %div3A_135 = arith.divsi %select_n3A_119, %div3A : vector<16xi32>
        %sign3A = arith.constant 0 : i32
        %sign3A_136 = vector.broadcast %sign3A : i32 to vector<16xi32>
        %sign3A_137 = arith.cmpi sgt, %select_n3A_119, %sign3A_136 : vector<16xi32>
        %sign3A_138 = arith.extui %sign3A_137 : vector<16xi1> to vector<16xi32>
        %sign3A_139 = arith.constant 0 : i32
        %sign3A_140 = vector.broadcast %sign3A_139 : i32 to vector<16xi32>
        %sign3A_141 = arith.cmpi slt, %select_n3A_119, %sign3A_140 : vector<16xi32>
        %sign3A_142 = arith.extui %sign3A_141 : vector<16xi1> to vector<16xi32>
        %sign3A_143 = arith.subi %sign3A_138, %sign3A_142 : vector<16xi32>
        %sign3A_144 = arith.constant 0 : i32
        %sign3A_145 = arith.cmpi sgt, %jit3A_134, %sign3A_144 : i32
        %sign3A_146 = arith.extui %sign3A_145 : i1 to i32
        %sign3A_147 = arith.constant 0 : i32
        %sign3A_148 = arith.cmpi slt, %jit3A_134, %sign3A_147 : i32
        %sign3A_149 = arith.extui %sign3A_148 : i1 to i32
        %sign3A_150 = arith.subi %sign3A_146, %sign3A_149 : i32
        %ne3A = vector.broadcast %sign3A_150 : i32 to vector<16xi32>
        %ne3A_151 = arith.cmpi ne, %sign3A_143, %ne3A : vector<16xi32>
        %rem3A = vector.broadcast %jit3A_134 : i32 to vector<16xi32>
        %rem3A_152 = arith.remsi %select_n3A_119, %rem3A : vector<16xi32>
        %ne3A_153 = arith.constant 0 : i32
        %ne3A_154 = vector.broadcast %ne3A_153 : i32 to vector<16xi32>
        %ne3A_155 = arith.cmpi ne, %rem3A_152, %ne3A_154 : vector<16xi32>
        %and3A = arith.andi %ne3A_151, %ne3A_155 : vector<16xi1>
        %sub3A = arith.constant 1 : i32
        %sub3A_156 = vector.broadcast %sub3A : i32 to vector<16xi32>
        %sub3A_157 = arith.subi %div3A_135, %sub3A_156 : vector<16xi32>
        %select_n3A_158 = arith.select %and3A, %sub3A_157, %div3A_135 : vector<16xi1>, vector<16xi32>
        %mul3A_159 = arith.constant 16 : i32
        %mul3A_160 = vector.broadcast %mul3A_159 : i32 to vector<16xi32>
        %mul3A_161 = arith.muli %select_n3A_158, %mul3A_160 : vector<16xi32>
        %sub3A_162 = arith.subi %select_n3A_119, %mul3A_161 : vector<16xi32>
        %eq3A_163 = arith.cmpi eq, %iota3A, %sub3A_162 : vector<16xi32>
        %jit3A_164 = arith.constant 16 : i32
        %div3A_165 = vector.broadcast %jit3A_164 : i32 to vector<16xi32>
        %div3A_166 = arith.divsi %select_n3A_119, %div3A_165 : vector<16xi32>
        %sign3A_167 = arith.constant 0 : i32
        %sign3A_168 = vector.broadcast %sign3A_167 : i32 to vector<16xi32>
        %sign3A_169 = arith.cmpi sgt, %select_n3A_119, %sign3A_168 : vector<16xi32>
        %sign3A_170 = arith.extui %sign3A_169 : vector<16xi1> to vector<16xi32>
        %sign3A_171 = arith.constant 0 : i32
        %sign3A_172 = vector.broadcast %sign3A_171 : i32 to vector<16xi32>
        %sign3A_173 = arith.cmpi slt, %select_n3A_119, %sign3A_172 : vector<16xi32>
        %sign3A_174 = arith.extui %sign3A_173 : vector<16xi1> to vector<16xi32>
        %sign3A_175 = arith.subi %sign3A_170, %sign3A_174 : vector<16xi32>
        %sign3A_176 = arith.constant 0 : i32
        %sign3A_177 = arith.cmpi sgt, %jit3A_164, %sign3A_176 : i32
        %sign3A_178 = arith.extui %sign3A_177 : i1 to i32
        %sign3A_179 = arith.constant 0 : i32
        %sign3A_180 = arith.cmpi slt, %jit3A_164, %sign3A_179 : i32
        %sign3A_181 = arith.extui %sign3A_180 : i1 to i32
        %sign3A_182 = arith.subi %sign3A_178, %sign3A_181 : i32
        %ne3A_183 = vector.broadcast %sign3A_182 : i32 to vector<16xi32>
        %ne3A_184 = arith.cmpi ne, %sign3A_175, %ne3A_183 : vector<16xi32>
        %rem3A_185 = vector.broadcast %jit3A_164 : i32 to vector<16xi32>
        %rem3A_186 = arith.remsi %select_n3A_119, %rem3A_185 : vector<16xi32>
        %ne3A_187 = arith.constant 0 : i32
        %ne3A_188 = vector.broadcast %ne3A_187 : i32 to vector<16xi32>
        %ne3A_189 = arith.cmpi ne, %rem3A_186, %ne3A_188 : vector<16xi32>
        %and3A_190 = arith.andi %ne3A_184, %ne3A_189 : vector<16xi1>
        %sub3A_191 = arith.constant 1 : i32
        %sub3A_192 = vector.broadcast %sub3A_191 : i32 to vector<16xi32>
        %sub3A_193 = arith.subi %div3A_166, %sub3A_192 : vector<16xi32>
        %select_n3A_194 = arith.select %and3A_190, %sub3A_193, %div3A_166 : vector<16xi1>, vector<16xi32>
        %eq3A_195 = arith.constant 0 : i32
        %eq3A_196 = vector.broadcast %eq3A_195 : i32 to vector<16xi32>
        %eq3A_197 = arith.cmpi eq, %select_n3A_194, %eq3A_196 : vector<16xi32>
        %and3A_198 = arith.andi %eq3A_163, %eq3A_197 : vector<16xi1>
        %select_n3A_199 = arith.select %and3A_198, %gather3A_130, %scan3A_63 : vector<16xi1>, vector<16xf32>
        %eq3A_200 = arith.constant 1 : i32
        %eq3A_201 = vector.broadcast %eq3A_200 : i32 to vector<16xi32>
        %eq3A_202 = arith.cmpi eq, %select_n3A_194, %eq3A_201 : vector<16xi32>
        %and3A_203 = arith.andi %eq3A_163, %eq3A_202 : vector<16xi1>
        %select_n3A_204 = arith.select %and3A_203, %gather3A_130, %scan3A_64 : vector<16xi1>, vector<16xf32>
        %eq3A_205 = arith.constant 2 : i32
        %eq3A_206 = vector.broadcast %eq3A_205 : i32 to vector<16xi32>
        %eq3A_207 = arith.cmpi eq, %select_n3A_194, %eq3A_206 : vector<16xi32>
        %and3A_208 = arith.andi %eq3A_163, %eq3A_207 : vector<16xi1>
        %select_n3A_209 = arith.select %and3A_208, %gather3A_130, %scan3A_65 : vector<16xi1>, vector<16xf32>
        %eq3A_210 = arith.constant 3 : i32
        %eq3A_211 = vector.broadcast %eq3A_210 : i32 to vector<16xi32>
        %eq3A_212 = arith.cmpi eq, %select_n3A_194, %eq3A_211 : vector<16xi32>
        %and3A_213 = arith.andi %eq3A_163, %eq3A_212 : vector<16xi1>
        %select_n3A_214 = arith.select %and3A_213, %gather3A_130, %scan3A_66 : vector<16xi1>, vector<16xf32>
        %eq3A_215 = arith.constant 4 : i32
        %eq3A_216 = vector.broadcast %eq3A_215 : i32 to vector<16xi32>
        %eq3A_217 = arith.cmpi eq, %select_n3A_194, %eq3A_216 : vector<16xi32>
        %and3A_218 = arith.andi %eq3A_163, %eq3A_217 : vector<16xi1>
        %select_n3A_219 = arith.select %and3A_218, %gather3A_130, %scan3A_67 : vector<16xi1>, vector<16xf32>
        %add3A_220 = arith.constant 1 : i32
        %add3A_221 = vector.broadcast %add3A_220 : i32 to vector<16xi32>
        %add3A_222 = arith.addi %select_n3A_119, %add3A_221 : vector<16xi32>
        %select_n3A_223 = arith.select %le3A_117, %scan3A_68, %add3A_222 : vector<16xi1>, vector<16xi32>
        %select_n3A_224 = arith.select %le3A_117, %scan3A_69, %broadcast_in_dim3A_80 : vector<16xi1>, vector<16xf32>
        %select_n3A_225 = arith.select %le3A_117, %scan3A_70, %gather3A_121 : vector<16xi1>, vector<16xf32>
        %select_n3A_226 = arith.select %le3A_117, %scan3A_71, %gather3A_122 : vector<16xi1>, vector<16xf32>
        %select_n3A_227 = arith.select %le3A_117, %scan3A_72, %gather3A_123 : vector<16xi1>, vector<16xf32>
        %select_n3A_228 = arith.select %le3A_117, %scan3A_73, %gather3A_124 : vector<16xi1>, vector<16xf32>
        %broadcast_in_dim3A_229 = vector.broadcast %scan3A_62 : i32 to vector<16xi32>
        %eq3A_230 = arith.constant 0 : i32
        %eq3A_231 = vector.broadcast %eq3A_230 : i32 to vector<16xi32>
        %eq3A_232 = arith.cmpi eq, %iota3A, %eq3A_231 : vector<16xi32>
        tpu.vector_store_idx %arg24[%broadcast_in_dim3A_229], %select_n3A_224 masked %eq3A_232 : memref<112xf32, #tpu.memory_space<vmem>>[vector<16xi32>], vector<16xf32>, vector<16xi1>
        %eq3A_233 = arith.constant 0 : i32
        %eq3A_234 = vector.broadcast %eq3A_233 : i32 to vector<16xi32>
        %eq3A_235 = arith.cmpi eq, %iota3A, %eq3A_234 : vector<16xi32>
        tpu.vector_store_idx %arg25[%broadcast_in_dim3A_229], %select_n3A_223 masked %eq3A_235 : memref<112xi32, #tpu.memory_space<vmem>>[vector<16xi32>], vector<16xi32>, vector<16xi1>
        %eq3A_236 = arith.constant 0 : i32
        %eq3A_237 = vector.broadcast %eq3A_236 : i32 to vector<16xi32>
        %eq3A_238 = arith.cmpi eq, %iota3A, %eq3A_237 : vector<16xi32>
        %eq3A_239 = arith.constant 1 : i32
        %eq3A_240 = vector.broadcast %eq3A_239 : i32 to vector<16xi32>
        %eq3A_241 = arith.cmpi eq, %iota3A, %eq3A_240 : vector<16xi32>
        %eq3A_242 = arith.constant 2 : i32
        %eq3A_243 = vector.broadcast %eq3A_242 : i32 to vector<16xi32>
        %eq3A_244 = arith.cmpi eq, %iota3A, %eq3A_243 : vector<16xi32>
        %select_n3A_245 = arith.select %eq3A_244, %select_n3A_227, %select_n3A_228 : vector<16xi1>, vector<16xf32>
        %select_n3A_246 = arith.select %eq3A_241, %select_n3A_226, %select_n3A_245 : vector<16xi1>, vector<16xf32>
        %select_n3A_247 = arith.select %eq3A_238, %select_n3A_225, %select_n3A_246 : vector<16xi1>, vector<16xf32>
        %mul3A_248 = arith.constant 4 : i32
        %mul3A_249 = arith.muli %scan3A_62, %mul3A_248 : i32
        %add3A_250 = vector.broadcast %mul3A_249 : i32 to vector<16xi32>
        %add3A_251 = arith.addi %add3A_250, %iota3A : vector<16xi32>
        %lt3A_252 = arith.constant 4 : i32
        %lt3A_253 = vector.broadcast %lt3A_252 : i32 to vector<16xi32>
        %lt3A_254 = arith.cmpi slt, %iota3A, %lt3A_253 : vector<16xi32>
        tpu.vector_store_idx %arg23[%add3A_251], %select_n3A_247 masked %lt3A_254 : memref<448xf32, #tpu.memory_space<vmem>>[vector<16xi32>], vector<16xf32>, vector<16xi1>
        scf.yield %select_n3A_199, %select_n3A_204, %select_n3A_209, %select_n3A_214, %select_n3A_219, %select_n3A_223, %select_n3A_224, %select_n3A_225, %select_n3A_226, %select_n3A_227, %select_n3A_228 : vector<16xf32>, vector<16xf32>, vector<16xf32>, vector<16xf32>, vector<16xf32>, vector<16xi32>, vector<16xf32>, vector<16xf32>, vector<16xf32>, vector<16xf32>, vector<16xf32>
      }
      %scan3A_61 = arith.constant 100 : i32
      "tpu.region"() ({
        %run_scoped3A_62 = tpu.sem_alloc : memref<!tpu.dma_semaphore, #tpu.memory_space<semaphore_mem>>
        tpu.enqueue_dma source(%arg23 : memref<448xf32, #tpu.memory_space<vmem>>) target(%arg12 : memref<448xf32, #tpu.memory_space<hbm>>) target_semaphore(%run_scoped3A_62 : memref<!tpu.dma_semaphore, #tpu.memory_space<semaphore_mem>>)
        tpu.wait_dma2 semaphore(%run_scoped3A_62 : memref<!tpu.dma_semaphore, #tpu.memory_space<semaphore_mem>>) src(%arg23 : memref<448xf32, #tpu.memory_space<vmem>>) dst(%arg12 : memref<448xf32, #tpu.memory_space<hbm>>)
        tpu.yield
      }) : () -> ()
      "tpu.region"() ({
        %run_scoped3A_62 = tpu.sem_alloc : memref<!tpu.dma_semaphore, #tpu.memory_space<semaphore_mem>>
        tpu.enqueue_dma source(%arg24 : memref<112xf32, #tpu.memory_space<vmem>>) target(%arg13 : memref<112xf32, #tpu.memory_space<hbm>>) target_semaphore(%run_scoped3A_62 : memref<!tpu.dma_semaphore, #tpu.memory_space<semaphore_mem>>)
        tpu.wait_dma2 semaphore(%run_scoped3A_62 : memref<!tpu.dma_semaphore, #tpu.memory_space<semaphore_mem>>) src(%arg24 : memref<112xf32, #tpu.memory_space<vmem>>) dst(%arg13 : memref<112xf32, #tpu.memory_space<hbm>>)
        tpu.yield
      }) : () -> ()
      "tpu.region"() ({
        %run_scoped3A_62 = tpu.sem_alloc : memref<!tpu.dma_semaphore, #tpu.memory_space<semaphore_mem>>
        tpu.enqueue_dma source(%arg25 : memref<112xi32, #tpu.memory_space<vmem>>) target(%arg14 : memref<112xi32, #tpu.memory_space<hbm>>) target_semaphore(%run_scoped3A_62 : memref<!tpu.dma_semaphore, #tpu.memory_space<semaphore_mem>>)
        tpu.wait_dma2 semaphore(%run_scoped3A_62 : memref<!tpu.dma_semaphore, #tpu.memory_space<semaphore_mem>>) src(%arg25 : memref<112xi32, #tpu.memory_space<vmem>>) dst(%arg14 : memref<112xi32, #tpu.memory_space<hbm>>)
        tpu.yield
      }) : () -> ()
    } else {
    }
    return
  }
}

module attributes {stable_mosaic.version = 14 : i64} {
  func.func @_dense_body(%arg0: i32, %arg1: memref<81x1024xf32, #tpu.memory_space<vmem>>, %arg2: memref<324x1024xf32, #tpu.memory_space<vmem>>, %arg3: memref<8x1024xf32, #tpu.memory_space<vmem>>, %arg4: memref<80x1024xf32, #tpu.memory_space<vmem>>, %arg5: memref<80x1024xf32, #tpu.memory_space<vmem>>, %arg6: memref<80x1024xf32, #tpu.memory_space<vmem>>, %arg7: memref<80x1024xf32, #tpu.memory_space<vmem>>, %arg8: memref<80x1024xf32, #tpu.memory_space<vmem>>) attributes {dimension_semantics = [#tpu.dimension_semantics<arbitrary>], iteration_bounds = array<i64: 5>, scalar_prefetch = 0 : i64, scratch_operands = 0 : i64, tpu.core_type = #tpu.core_type<tc>, window_params = [{transform_indices = @transform_0, window_bounds = array<i64: 81, 1024>}, {transform_indices = @transform_1, window_bounds = array<i64: 324, 1024>}, {transform_indices = @transform_2, window_bounds = array<i64: 8, 1024>}, {transform_indices = @transform_3, window_bounds = array<i64: 80, 1024>}, {transform_indices = @transform_4, window_bounds = array<i64: 80, 1024>}, {transform_indices = @transform_5, window_bounds = array<i64: 80, 1024>}, {transform_indices = @transform_6, window_bounds = array<i64: 80, 1024>}, {transform_indices = @transform_7, window_bounds = array<i64: 80, 1024>}]} {
    %get3A = arith.constant 0 : index
    %get3A_0 = arith.constant 0 : index
    %get3A_1 = vector.load %arg1[%get3A, %get3A_0] : memref<81x1024xf32, #tpu.memory_space<vmem>>, vector<81x1024xf32>
    %reduce_max3A = arith.constant dense<0xFF800000> : vector<1024xf32>
    %reduce_max3A_2 = vector.multi_reduction <maximumf>, %get3A_1, %reduce_max3A [0] : vector<81x1024xf32> to vector<1024xf32>
    %broadcast_in_dim3A = vector.shape_cast %reduce_max3A_2 : vector<1024xf32> to vector<1x1024xf32>
    %sub3A = vector.broadcast %broadcast_in_dim3A : vector<1x1024xf32> to vector<81x1024xf32>
    %sub3A_3 = arith.subf %get3A_1, %sub3A : vector<81x1024xf32>
    %exp3A = math.exp %sub3A_3 : vector<81x1024xf32>
    %reduce_sum3A = arith.constant dense<0.000000e+00> : vector<1024xf32>
    %reduce_sum3A_4 = vector.multi_reduction <add>, %exp3A, %reduce_sum3A [0] : vector<81x1024xf32> to vector<1024xf32>
    %broadcast_in_dim3A_5 = vector.shape_cast %reduce_sum3A_4 : vector<1024xf32> to vector<1x1024xf32>
    %slice3A = vector.extract_strided_slice %exp3A {offsets = [1, 0], sizes = [80, 1024], strides = [1, 1]} : vector<81x1024xf32> to vector<80x1024xf32>
    %div3A = vector.broadcast %broadcast_in_dim3A_5 : vector<1x1024xf32> to vector<80x1024xf32>
    %div3A_6 = arith.divf %slice3A, %div3A : vector<80x1024xf32>
    %swap3A = arith.constant 0 : index
    %swap3A_7 = arith.constant 0 : index
    %swap3A_8 = vector.load %arg4[%swap3A, %swap3A_7] : memref<80x1024xf32, #tpu.memory_space<vmem>>, vector<80x1024xf32>
    tpu.vector_store %arg4[%swap3A, %swap3A_7], %div3A_6 {strides = array<i32>} : memref<80x1024xf32, #tpu.memory_space<vmem>>, vector<80x1024xf32>,
    %get3A_9 = arith.constant 0 : index
    %get3A_10 = arith.constant 0 : index
    %get3A_11 = vector.load %arg3[%get3A_9, %get3A_10] : memref<8x1024xf32, #tpu.memory_space<vmem>>, vector<1x1024xf32>
    %get3A_12 = arith.constant 1 : index
    %get3A_13 = arith.constant 0 : index
    %get3A_14 = vector.load %arg3[%get3A_12, %get3A_13] : memref<8x1024xf32, #tpu.memory_space<vmem>>, vector<1x1024xf32>
    %get3A_15 = arith.constant 2 : index
    %get3A_16 = arith.constant 0 : index
    %get3A_17 = vector.load %arg3[%get3A_15, %get3A_16] : memref<8x1024xf32, #tpu.memory_space<vmem>>, vector<1x1024xf32>
    %get3A_18 = arith.constant 3 : index
    %get3A_19 = arith.constant 0 : index
    %get3A_20 = vector.load %arg3[%get3A_18, %get3A_19] : memref<8x1024xf32, #tpu.memory_space<vmem>>, vector<1x1024xf32>
    %sub3A_21 = arith.subf %get3A_17, %get3A_11 : vector<1x1024xf32>
    %add3A = arith.constant 1.000000e+00 : f32
    %add3A_22 = vector.broadcast %add3A : f32 to vector<1x1024xf32>
    %add3A_23 = arith.addf %sub3A_21, %add3A_22 : vector<1x1024xf32>
    %sub3A_24 = arith.subf %get3A_20, %get3A_14 : vector<1x1024xf32>
    %add3A_25 = arith.constant 1.000000e+00 : f32
    %add3A_26 = vector.broadcast %add3A_25 : f32 to vector<1x1024xf32>
    %add3A_27 = arith.addf %sub3A_24, %add3A_26 : vector<1x1024xf32>
    %mul3A = arith.constant 5.000000e-01 : f32
    %mul3A_28 = vector.broadcast %mul3A : f32 to vector<1x1024xf32>
    %mul3A_29 = arith.mulf %mul3A_28, %add3A_23 : vector<1x1024xf32>
    %add3A_30 = arith.addf %get3A_11, %mul3A_29 : vector<1x1024xf32>
    %mul3A_31 = arith.constant 5.000000e-01 : f32
    %mul3A_32 = vector.broadcast %mul3A_31 : f32 to vector<1x1024xf32>
    %mul3A_33 = arith.mulf %mul3A_32, %add3A_27 : vector<1x1024xf32>
    %add3A_34 = arith.addf %get3A_14, %mul3A_33 : vector<1x1024xf32>
    %get3A_35 = arith.constant 0 : index
    %get3A_36 = arith.constant 0 : index
    %get3A_37 = vector.load %arg2[%get3A_35, %get3A_36] : memref<324x1024xf32, #tpu.memory_space<vmem>>, vector<324x1024xf32>
    %reshape3A = vector.shape_cast %get3A_37 : vector<324x1024xf32> to vector<81x4x1024xf32>
    %slice3A_38 = vector.extract_strided_slice %reshape3A {offsets = [1, 0, 0], sizes = [80, 4, 1024], strides = [1, 1, 1]} : vector<81x4x1024xf32> to vector<80x4x1024xf32>
    %slice3A_39 = vector.extract_strided_slice %slice3A_38 {offsets = [0, 0, 0], sizes = [80, 1, 1024], strides = [1, 1, 1]} : vector<80x4x1024xf32> to vector<80x1x1024xf32>
    %squeeze3A = vector.shape_cast %slice3A_39 : vector<80x1x1024xf32> to vector<80x1024xf32>
    %div3A_40 = arith.constant 1.000000e+01 : f32
    %div3A_41 = vector.broadcast %div3A_40 : f32 to vector<80x1024xf32>
    %div3A_42 = arith.divf %squeeze3A, %div3A_41 : vector<80x1024xf32>
    %slice3A_43 = vector.extract_strided_slice %slice3A_38 {offsets = [0, 1, 0], sizes = [80, 1, 1024], strides = [1, 1, 1]} : vector<80x4x1024xf32> to vector<80x1x1024xf32>
    %squeeze3A_44 = vector.shape_cast %slice3A_43 : vector<80x1x1024xf32> to vector<80x1024xf32>
    %div3A_45 = arith.constant 1.000000e+01 : f32
    %div3A_46 = vector.broadcast %div3A_45 : f32 to vector<80x1024xf32>
    %div3A_47 = arith.divf %squeeze3A_44, %div3A_46 : vector<80x1024xf32>
    %slice3A_48 = vector.extract_strided_slice %slice3A_38 {offsets = [0, 2, 0], sizes = [80, 1, 1024], strides = [1, 1, 1]} : vector<80x4x1024xf32> to vector<80x1x1024xf32>
    %squeeze3A_49 = vector.shape_cast %slice3A_48 : vector<80x1x1024xf32> to vector<80x1024xf32>
    %div3A_50 = arith.constant 5.000000e+00 : f32
    %div3A_51 = vector.broadcast %div3A_50 : f32 to vector<80x1024xf32>
    %div3A_52 = arith.divf %squeeze3A_49, %div3A_51 : vector<80x1024xf32>
    %min3A = arith.constant 4.13516665 : f32
    %min3A_53 = vector.broadcast %min3A : f32 to vector<80x1024xf32>
    %min3A_54 = arith.minimumf %div3A_52, %min3A_53 : vector<80x1024xf32>
    %slice3A_55 = vector.extract_strided_slice %slice3A_38 {offsets = [0, 3, 0], sizes = [80, 1, 1024], strides = [1, 1, 1]} : vector<80x4x1024xf32> to vector<80x1x1024xf32>
    %squeeze3A_56 = vector.shape_cast %slice3A_55 : vector<80x1x1024xf32> to vector<80x1024xf32>
    %div3A_57 = arith.constant 5.000000e+00 : f32
    %div3A_58 = vector.broadcast %div3A_57 : f32 to vector<80x1024xf32>
    %div3A_59 = arith.divf %squeeze3A_56, %div3A_58 : vector<80x1024xf32>
    %min3A_60 = arith.constant 4.13516665 : f32
    %min3A_61 = vector.broadcast %min3A_60 : f32 to vector<80x1024xf32>
    %min3A_62 = arith.minimumf %div3A_59, %min3A_61 : vector<80x1024xf32>
    %mul3A_63 = vector.broadcast %add3A_23 : vector<1x1024xf32> to vector<80x1024xf32>
    %mul3A_64 = arith.mulf %div3A_42, %mul3A_63 : vector<80x1024xf32>
    %add3A_65 = vector.broadcast %add3A_30 : vector<1x1024xf32> to vector<80x1024xf32>
    %add3A_66 = arith.addf %mul3A_64, %add3A_65 : vector<80x1024xf32>
    %mul3A_67 = vector.broadcast %add3A_27 : vector<1x1024xf32> to vector<80x1024xf32>
    %mul3A_68 = arith.mulf %div3A_47, %mul3A_67 : vector<80x1024xf32>
    %add3A_69 = vector.broadcast %add3A_34 : vector<1x1024xf32> to vector<80x1024xf32>
    %add3A_70 = arith.addf %mul3A_68, %add3A_69 : vector<80x1024xf32>
    %exp3A_71 = math.exp %min3A_54 : vector<80x1024xf32>
    %mul3A_72 = vector.broadcast %add3A_23 : vector<1x1024xf32> to vector<80x1024xf32>
    %mul3A_73 = arith.mulf %exp3A_71, %mul3A_72 : vector<80x1024xf32>
    %exp3A_74 = math.exp %min3A_62 : vector<80x1024xf32>
    %mul3A_75 = vector.broadcast %add3A_27 : vector<1x1024xf32> to vector<80x1024xf32>
    %mul3A_76 = arith.mulf %exp3A_74, %mul3A_75 : vector<80x1024xf32>
    %mul3A_77 = arith.constant 5.000000e-01 : f32
    %mul3A_78 = vector.broadcast %mul3A_77 : f32 to vector<80x1024xf32>
    %mul3A_79 = arith.mulf %mul3A_78, %mul3A_73 : vector<80x1024xf32>
    %sub3A_80 = arith.subf %add3A_66, %mul3A_79 : vector<80x1024xf32>
    %jit3A = arith.constant 0.000000e+00 : f32
    %jit3A_81 = arith.constant 1.023000e+03 : f32
    %max3A = vector.broadcast %jit3A : f32 to vector<80x1024xf32>
    %max3A_82 = arith.maximumf %max3A, %sub3A_80 : vector<80x1024xf32>
    %min3A_83 = vector.broadcast %jit3A_81 : f32 to vector<80x1024xf32>
    %min3A_84 = arith.minimumf %min3A_83, %max3A_82 : vector<80x1024xf32>
    %swap3A_85 = arith.constant 0 : index
    %swap3A_86 = arith.constant 0 : index
    %swap3A_87 = vector.load %arg5[%swap3A_85, %swap3A_86] : memref<80x1024xf32, #tpu.memory_space<vmem>>, vector<80x1024xf32>
    tpu.vector_store %arg5[%swap3A_85, %swap3A_86], %min3A_84 {strides = array<i32>} : memref<80x1024xf32, #tpu.memory_space<vmem>>, vector<80x1024xf32>,
    %mul3A_88 = arith.constant 5.000000e-01 : f32
    %mul3A_89 = vector.broadcast %mul3A_88 : f32 to vector<80x1024xf32>
    %mul3A_90 = arith.mulf %mul3A_89, %mul3A_76 : vector<80x1024xf32>
    %sub3A_91 = arith.subf %add3A_70, %mul3A_90 : vector<80x1024xf32>
    %jit3A_92 = arith.constant 0.000000e+00 : f32
    %jit3A_93 = arith.constant 1.023000e+03 : f32
    %max3A_94 = vector.broadcast %jit3A_92 : f32 to vector<80x1024xf32>
    %max3A_95 = arith.maximumf %max3A_94, %sub3A_91 : vector<80x1024xf32>
    %min3A_96 = vector.broadcast %jit3A_93 : f32 to vector<80x1024xf32>
    %min3A_97 = arith.minimumf %min3A_96, %max3A_95 : vector<80x1024xf32>
    %swap3A_98 = arith.constant 0 : index
    %swap3A_99 = arith.constant 0 : index
    %swap3A_100 = vector.load %arg6[%swap3A_98, %swap3A_99] : memref<80x1024xf32, #tpu.memory_space<vmem>>, vector<80x1024xf32>
    tpu.vector_store %arg6[%swap3A_98, %swap3A_99], %min3A_97 {strides = array<i32>} : memref<80x1024xf32, #tpu.memory_space<vmem>>, vector<80x1024xf32>,
    %mul3A_101 = arith.constant 5.000000e-01 : f32
    %mul3A_102 = vector.broadcast %mul3A_101 : f32 to vector<80x1024xf32>
    %mul3A_103 = arith.mulf %mul3A_102, %mul3A_73 : vector<80x1024xf32>
    %add3A_104 = arith.addf %add3A_66, %mul3A_103 : vector<80x1024xf32>
    %sub3A_105 = arith.constant 1.000000e+00 : f32
    %sub3A_106 = vector.broadcast %sub3A_105 : f32 to vector<80x1024xf32>
    %sub3A_107 = arith.subf %add3A_104, %sub3A_106 : vector<80x1024xf32>
    %jit3A_108 = arith.constant 0.000000e+00 : f32
    %jit3A_109 = arith.constant 1.023000e+03 : f32
    %max3A_110 = vector.broadcast %jit3A_108 : f32 to vector<80x1024xf32>
    %max3A_111 = arith.maximumf %max3A_110, %sub3A_107 : vector<80x1024xf32>
    %min3A_112 = vector.broadcast %jit3A_109 : f32 to vector<80x1024xf32>
    %min3A_113 = arith.minimumf %min3A_112, %max3A_111 : vector<80x1024xf32>
    %swap3A_114 = arith.constant 0 : index
    %swap3A_115 = arith.constant 0 : index
    %swap3A_116 = vector.load %arg7[%swap3A_114, %swap3A_115] : memref<80x1024xf32, #tpu.memory_space<vmem>>, vector<80x1024xf32>
    tpu.vector_store %arg7[%swap3A_114, %swap3A_115], %min3A_113 {strides = array<i32>} : memref<80x1024xf32, #tpu.memory_space<vmem>>, vector<80x1024xf32>,
    %mul3A_117 = arith.constant 5.000000e-01 : f32
    %mul3A_118 = vector.broadcast %mul3A_117 : f32 to vector<80x1024xf32>
    %mul3A_119 = arith.mulf %mul3A_118, %mul3A_76 : vector<80x1024xf32>
    %add3A_120 = arith.addf %add3A_70, %mul3A_119 : vector<80x1024xf32>
    %sub3A_121 = arith.constant 1.000000e+00 : f32
    %sub3A_122 = vector.broadcast %sub3A_121 : f32 to vector<80x1024xf32>
    %sub3A_123 = arith.subf %add3A_120, %sub3A_122 : vector<80x1024xf32>
    %jit3A_124 = arith.constant 0.000000e+00 : f32
    %jit3A_125 = arith.constant 1.023000e+03 : f32
    %max3A_126 = vector.broadcast %jit3A_124 : f32 to vector<80x1024xf32>
    %max3A_127 = arith.maximumf %max3A_126, %sub3A_123 : vector<80x1024xf32>
    %min3A_128 = vector.broadcast %jit3A_125 : f32 to vector<80x1024xf32>
    %min3A_129 = arith.minimumf %min3A_128, %max3A_127 : vector<80x1024xf32>
    %swap3A_130 = arith.constant 0 : index
    %swap3A_131 = arith.constant 0 : index
    %swap3A_132 = vector.load %arg8[%swap3A_130, %swap3A_131] : memref<80x1024xf32, #tpu.memory_space<vmem>>, vector<80x1024xf32>
    tpu.vector_store %arg8[%swap3A_130, %swap3A_131], %min3A_129 {strides = array<i32>} : memref<80x1024xf32, #tpu.memory_space<vmem>>, vector<80x1024xf32>,
    return
  }
  func.func @transform_0(%arg0: i32) -> (i32, i32) {
    %c0_i32 = arith.constant 0 : i32
    %c0_i32_0 = arith.constant 0 : i32
    return %c0_i32, %arg0 : i32, i32
  }
  func.func @transform_1(%arg0: i32) -> (i32, i32) {
    %c0_i32 = arith.constant 0 : i32
    %c0_i32_0 = arith.constant 0 : i32
    return %c0_i32, %arg0 : i32, i32
  }
  func.func @transform_2(%arg0: i32) -> (i32, i32) {
    %c0_i32 = arith.constant 0 : i32
    %c0_i32_0 = arith.constant 0 : i32
    return %c0_i32, %arg0 : i32, i32
  }
  func.func @transform_3(%arg0: i32) -> (i32, i32) {
    %c0_i32 = arith.constant 0 : i32
    %c0_i32_0 = arith.constant 0 : i32
    return %c0_i32, %arg0 : i32, i32
  }
  func.func @transform_4(%arg0: i32) -> (i32, i32) {
    %c0_i32 = arith.constant 0 : i32
    %c0_i32_0 = arith.constant 0 : i32
    return %c0_i32, %arg0 : i32, i32
  }
  func.func @transform_5(%arg0: i32) -> (i32, i32) {
    %c0_i32 = arith.constant 0 : i32
    %c0_i32_0 = arith.constant 0 : i32
    return %c0_i32, %arg0 : i32, i32
  }
  func.func @transform_6(%arg0: i32) -> (i32, i32) {
    %c0_i32 = arith.constant 0 : i32
    %c0_i32_0 = arith.constant 0 : i32
    return %c0_i32, %arg0 : i32, i32
  }
  func.func @transform_7(%arg0: i32) -> (i32, i32) {
    %c0_i32 = arith.constant 0 : i32
    %c0_i32_0 = arith.constant 0 : i32
    return %c0_i32, %arg0 : i32, i32
  }
}

</mosaic_0001>

<sc_bundles>
// kernel: kernel.5.cloned.1.call-start
scs
__scs_entry_jumppad:
0x0: {  	(pc) =	sbr.rel $0x88, $3  }
0x1: {  	(tag) =	ssettag $0x0;
	lr =	simm.s32 $0x1  }
0x2: {  	[smem:$0x3F9E] =	sst lr;
	_ =	strace $0xD0000000  }
0x3: {  	_ = 	snop  }
0x4: {  	_ = 	snop  }
0x5: {  	_ = 	snop  }
0x6: {  	_ = 	snop  }
0x7: {  	_ = 	snop  }
__scs_overlays_trampoline_lowered:
0x8: {  	[smem:$0x3FAD] =	sst s0  }
0x9: {  	[smem:$0x3FAE] =	sst s1  }
0xa: {  	[smem:$0x3FAF] =	sst s2  }
0xb: {  	[smem:$0x3FB0] =	sst s3  }
0xc: {  	[smem:$0x3FB1] =	sst s4  }
0xd: {  	[smem:$0x3FB2] =	sst s5  }
0xe: {  	[smem:$0x3FB3] =	sst s6  }
0xf: {  	[smem:$0x3FB4] =	sst s7  }
0x10: {  	[smem:$0x3FB5] =	sst s8  }
0x11: {  	[smem:$0x3FB6] =	sst s9;
	s0 =	simm.s32 @!p0 $0x0  }
0x12: {  	s1 =	sld [smem:$0x3F9C];
	s0 =	simm.s32 @p0 $0x1  }
0x13: {  	[smem:$0x3FB7] =	sst s0;
	s0 =	simm.s32 @!p1 $0x0  }
0x14: {  	s2 =	sld [smem:$0x3F9B];
	s0 =	simm.s32 @p1 $0x1  }
0x15: {  	[smem:$0x3FB8] =	sst s0;
	s0 =	simm.s32 @!p2 $0x0  }
0x16: {  	s3 =	sld [smem:$0x3FDB];
	s0 =	simm.s32 @p2 $0x1  }
0x17: {  	s4 =	simm.s32 $0x1BF5;
	[smem:$0x3FBA] =	sst s0  }
0x18: {  	s0 =	sld [smem:$0x3F9D];
	_ =	swait.ge [sflag:s4], $0x0  }
0x19: {  	s7 =	sld [smem:$0x3F9E]  }
0x1a: {  	s8 =	sadd.s32 $0xFFFFE003, lr  }
0x1b: {  	s9 =	sadd.s32 $0xFFFFFEF7, lr;
	s5 =	simm.s32 $0xFFFFFFFF;
	p2 =	slt.u32 s8, $0xFFFFF086  }
0x1c: {  	p1 =	slt.u32 s9, $0xF7A;
	s5 =	simm.s32 @!p2 $0x0  }
0x1d: {  	s5 =	simm.s32 @p1 $0x1;
	p0 =	seq.s32 s7, s2  }
0x1e: {  	s7 =	smul.u32 @!p0 $0xF7A, s2;
	p2 =	seq.s32 @!p0 s5, $0x0  }
0x1f: {  	s9 =	smul.u32 $0xF7A, s1;
	s8 =	simm.s32 @!p0 $0x1BF5;
	p2 =	por !p2, p0  }
0x20: {  	[sflag:s8] =	ssyncset.s32 @!p0 $0xFFFFF086;
	s6 =	sadd.s32 @!p0 s3, s7;
	s7 =	simm.s32 @!p0 $0x108  }
0x21: {  	s3 =	sadd.s32 s3, s9;
	s6 =	sadd.s32 @!p0 $0x88, s6;
	s7 =	simm.s32 @p2 $0x1082  }
0x22: {  	[simem:s7], [sflag:s8] =	dma.local @!p0 [hbm:s6], $0xF7A  }
0x23: {  	s9 =	sor.u32 $0xD0000000, s2;
	s6 =	simm.s32 $0x108;
	_ =	swait.ge @!p0 [sflag:s8], $0x0  }
0x24: {  	s3 =	sadd.s32 $0x88, s3;
	s6 =	simm.s32 @!p1 $0x1082;
	[sflag:s4] =	ssyncset.s32 $0xFFFFF086  }
0x25: {  	[simem:s6], [sflag:s4] =	dma.local [hbm:s3], $0xF7A  }
0x26: {  	[smem:$0x3F9E] =	sst s1;
	(tag) =	ssettag s2;
	_ =	strace s9  }
0x27: {  	s1 =	sld [smem:$0x3FAE]  }
0x28: {  	s2 =	sld [smem:$0x3FAF]  }
0x29: {  	s4 =	sld [smem:$0x3FB1]  }
0x2a: {  	p0 =	seq.s32 s5, $0x0;
	s5 =	sld [smem:$0x3FB2]  }
0x2b: {  	s6 =	sld [smem:$0x3FB3]  }
0x2c: {  	s7 =	sld [smem:$0x3FB4]  }
0x2d: {  	s3 =	simm.s32 $0x108;
	s8 =	sld [smem:$0x3FB5]  }
0x2e: {  	s3 =	simm.s32 @!p0 $0x1082;
	s9 =	sld [smem:$0x3FB6]  }
0x2f: {  	lr =	sadd.s32 s0, s3;
	s0 =	sld [smem:$0x3FAD]  }
0x30: {  	s3 =	sld [smem:$0x3FB0]  }
0x31: {  	[smem:$0x3FB9] =	sst s10  }
0x32: {  	s10 =	sld [smem:$0x3FB7];
	_ =	sdelay $0x3  }
0x33: {  	p0 =	seq.s32 s10, $0x1;
	s10 =	sld [smem:$0x3FB9];
	_ =	sdelay $0x3  }
0x34: {  	[smem:$0x3FB9] =	sst s10  }
0x35: {  	s10 =	sld [smem:$0x3FB8];
	_ =	sdelay $0x3  }
0x36: {  	p1 =	seq.s32 s10, $0x1;
	s10 =	sld [smem:$0x3FB9];
	_ =	sdelay $0x3  }
0x37: {  	[smem:$0x3FB9] =	sst s10  }
0x38: {  	s10 =	sld [smem:$0x3FBA]  }
0x39: {  	_ = 	snop;
	(pc) =	sbr.ind lr, $3  }
0x3a: {  	_ = 	snop  }
0x3b: {  	_ = 	snop  }
0x3c: {  	p2 =	seq.s32 s10, $0x1;
	s10 =	sld [smem:$0x3FB9]  }
0x3d: {  	_ =	shalt  }
0x3e: {  	_ =	shalt  }
0x3f: {  	_ =	shalt  }
0x40: {  	_ =	shalt  }
0x41: {  	_ =	shalt  }
0x42: {  	_ =	shalt  }
0x43: {  	_ =	shalt  }
0x44: {  	_ =	shalt  }
0x45: {  	_ =	shalt  }
0x46: {  	_ =	shalt  }
0x47: {  	_ =	shalt  }
0x48: {  	_ =	shalt  }
0x49: {  	_ =	shalt  }
0x4a: {  	_ =	shalt  }
0x4b: {  	_ =	shalt  }
0x4c: {  	_ =	shalt  }
0x4d: {  	_ =	shalt  }
0x4e: {  	_ =	shalt  }
0x4f: {  	_ =	shalt  }
0x50: {  	_ =	shalt  }
0x51: {  	_ =	shalt  }
0x52: {  	_ =	shalt  }
0x53: {  	_ =	shalt  }
0x54: {  	_ =	shalt  }
0x55: {  	_ =	shalt  }
0x56: {  	_ =	shalt  }
0x57: {  	_ =	shalt  }
0x58: {  	_ =	shalt  }
0x59: {  	_ =	shalt  }
0x5a: {  	_ =	shalt  }
0x5b: {  	_ =	shalt  }
0x5c: {  	_ =	shalt  }
0x5d: {  	_ =	shalt  }
0x5e: {  	_ =	shalt  }
0x5f: {  	_ =	shalt  }
0x60: {  	_ =	shalt  }
0x61: {  	_ =	shalt  }
0x62: {  	_ =	shalt  }
0x63: {  	_ =	shalt  }
0x64: {  	_ =	shalt  }
0x65: {  	_ =	shalt  }
0x66: {  	_ =	shalt  }
0x67: {  	_ =	shalt  }
0x68: {  	_ =	shalt  }
0x69: {  	_ =	shalt  }
0x6a: {  	_ =	shalt  }
0x6b: {  	_ =	shalt  }
0x6c: {  	_ =	shalt  }
0x6d: {  	_ =	shalt  }
0x6e: {  	_ =	shalt  }
0x6f: {  	_ =	shalt  }
0x70: {  	_ =	shalt  }
0x71: {  	_ =	shalt  }
0x72: {  	_ =	shalt  }
0x73: {  	_ =	shalt  }
0x74: {  	_ =	shalt  }
0x75: {  	_ =	shalt  }
0x76: {  	_ =	shalt  }
0x77: {  	_ =	shalt  }
0x78: {  	_ =	shalt  }
0x79: {  	_ =	shalt  }
0x7a: {  	_ =	shalt  }
0x7b: {  	_ =	shalt  }
0x7c: {  	_ =	shalt  }
0x7d: {  	_ =	shalt  }
0x7e: {  	_ =	shalt  }
0x7f: {  	_ =	shalt  }
0x80: {  	_ =	shalt  }
0x81: {  	_ =	shalt  }
0x82: {  	_ =	shalt  }
0x83: {  	_ =	shalt  }
0x84: {  	_ =	shalt  }
0x85: {  	_ =	shalt  }
0x86: {  	_ =	shalt  }
0x87: {  	_ =	shalt  }
.Lfunc_end0:
.L_simem_size_0:
called_computation_lowered:
.L_overlay_start_0:
0x88: {  	s2 =	sld [smem:$0x3FD9]  }
0x89: {  	s3 =	sld [smem:$0x3FFE];
	_ =	sdelay $0x1  }
0x8a: {  	s1 =	srdreg.scid  }
0x8b: {  	s0 =	sand.u32 $0x1, s1  }
0x8c: {  	s16 =	sshll.u32 s0, $0xA;
	s2 =	sadd.s32 s3, s2  }
0x8d: {  	s2 =	sadd.s32 s2, s16  }
0x8e: {  	[smem:$0x3FC5] =	sst s2  }
0x8f: {  	_ = 	snop  }
0x90: {  	(tm) =	ssettm $0x1  }
0x91: {  	s17 =	sld [smem:$0x3FFB];
	_ =	sdelay $0x3  }
0x92: {  	_ =	strace s17  }
0x93: {  	s2 =	sld [smem:$0x3FFC];
	_ =	sdelay $0x3  }
0x94: {  	_ =	strace s2  }
0x95: {  	s2 =	sld [smem:$0x3FFD];
	_ =	sdelay $0x3  }
0x96: {  	_ =	strace s2  }
0x97: {  	_ =	strace $0x8FFFFFFF  }
0x98: {  	s18 =	sld [smem:$0x3FDB];
	_ =	sdelay $0x1  }
0x99: {  	s19 =	simm.s32 $_scs_section_size  }
0x9a: {  	s4 =	simm.s32 $_size__tile_overlayer_lowered;
	s5 =	simm.s32 $_tile_overlayer_lowered  }
0x9b: {  	s22 =	simm.s32 $0x1BFF;
	s21 =	sshll.u32 s5, $0x1;
	s2 =	sadd.s32 s19, s18  }
0x9c: {  	s6 =	simm.s32 $0x0;
	s20 =	sshll.u32 s4, $0x1;
	s4 =	sadd.s32 s21, s2  }
0x9d: {  	[timem:s6], [sflag:s22] =	dma.local [hbm:s4], s20  }
0x9e: {  	_ =	swait.ge [sflag:s22], s20  }
0x9f: {  	s3 =	ssub.s32 $0x0, s20;
	[sflag:s22] =	ssyncset.done $0x0  }
0xa0: {  	[sflag:s22] =	ssyncadd.s32 s3;
	_ =	sdelay $0x1  }
0xa1: {  	s23 =	simm.s32 $0x1B8B  }
0xa2: {  	_ =	swait.ge [sflag:s23], $0x1  }
0xa3: {  	[sflag:s23] =	ssyncset.done $0x0  }
0xa4: {  	s25 =	simm.s32 $0x1B8E;
	s24 =	sld [smem:$0x3FFE];
	[sflag:s23] =	ssyncadd.s32 $0xFFFFFFFF  }
0xa5: {  	s26 =	simm.s32 $execute0_lowered;
	[smem:$0x3FD2] =	sst s25  }
0xa6: {  	s4 =	sshll.u32 s26, $0x1;
	_ =	strace $0x80000046;
	[dreg:$0x1] =	wrdreg $0xFFFFFFFF  }
0xa7: {  	s28 =	simm.s32 $_size_execute0_lowered;
	s2 =	sadd.s32 s2, s4;
	[dreg:$0x0] =	wrdreg $0x0  }
0xa8: {  	s4 =	sshll.u32 s28, $0x1;
	[dreg:$0x2] =	wrdreg s2  }
0xa9: {  	[dreg:$0x3] =	wrdreg s4  }
0xaa: {  	[dreg:$0x4] =	wrdreg $0xC0  }
0xab: {  	_ =	task [dreg:s6], $0x5FFFF  }
0xac: {  	[dreg:$0x1] =	wrdreg $0xFFFFFFFF  }
0xad: {  	[dreg:$0x0] =	wrdreg $0x60  }
0xae: {  	[dreg:$0x2] =	wrdreg s24  }
0xaf: {  	[dreg:$0x3] =	wrdreg $0x9  }
0xb0: {  	_ =	task.clear_ibuf [dreg:s6], $0x4FFFF;
	_ =	strace $0x90000046  }
0xb1: {  	s29 =	simm.s32 $0x9;
	_ =	strace $0x80000048  }
0xb2: {  	_ =	swait.ge [sflag:s29], $0x1  }
0xb3: {  	[sflag:s29] =	ssyncadd.s32 $0xFFFFFFFF  }
0xb4: {  	_ =	strace $0x90000048  }
0xb5: {  	_ =	sfence  }
0xb6: {  	s30 =	sld [smem:$0x0];
	_ =	sdelay $0x2  }
0xb7: {  	s31 =	sshll.u32 s1, $0xD;
	s1 =	sshrl.u32 s1, $0x2  }
0xb8: {  	s3 =	sand.u32 $0x4000, s31;
	s1 =	sadd.s32 s1, s30  }
0xb9: {  	s0 =	sor.u32 s3, s0;
	s1 =	sshll.u32 s1, $0x11  }
0xba: {  	s0 =	sor.u32 s1, s0  }
0xbb: {  	s0 =	sadd.s32 $0x8F2B, s0  }
0xbc: {  	[sflag:s0] =	ssyncadd.remote.s32 $0x1  }
0xbd: {  	_ =	sfence.sel $0xFFFF  }
0xbe: {  	[dreg:$0x0] =	wrdreg $0xFFFFFFFF;
	(pc) =	sbr.abs _section_cstart, $3  }
0xbf: {  	[dreg:$0x1] =	wrdreg $0xFFFFFFFF  }
0xc0: {  	_ =	task.clear_ibuf [dreg:s6], $0x2FFFF;
	_ =	strace $0x9FFFFFFF  }
0xc1: {  	(tm) =	ssettm $0x7FFFFFFF  }
tec
execute0_lowered:
.L_overlay_start_1:
0x0: {  	(tag) =	ssettag $0x1  }
0x1: {  	s0 =	rddreg [dreg:$0x0];
	s1 =	simm.s32 $0x0;
	s18 =	srdreg.scid  }
0x2: {  	s25 =	stileid.u32;
	s15 =	simm.s32 $0x80;
	s28 =	simm.s32 $0xC800  }
0x3: {  	s29 =	simm.s32 $0xC880;
	[smem:$0x7FF] =	sst s1;
	s2 =	sadd.s32 $0x1E00, s0  }
0x4: {  	s16 =	sadd.s32 $0xE600, s0;
	_ =	strace $0x80000047;
	[dreg:$0x2] =	wrdreg s2  }
0x5: {  	s30 =	simm.s32 $0xC900;
	s17 =	sadd.s32 $0x1AE00, s0;
	[dreg:$0x3] =	wrdreg s16  }
0x6: {  	s31 =	simm.s32 $0xC980;
	s3 =	sadd.s32 $0x27600, s0;
	[dreg:$0x4] =	wrdreg s17  }
0x7: {  	s13 =	simm.s32 $0xCA80;
	s19 =	sadd.s32 $0x33E00, s0;
	[dreg:$0x5] =	wrdreg s3  }
0x8: {  	s20 =	sadd.s32 $0x40600, s0;
	s21 =	sadd.s32 $0x40C00, s0;
	[dreg:$0x6] =	wrdreg s19  }
0x9: {  	s4 =	sadd.s32 $0x41200, s0;
	s23 =	sadd.s32 $0x41800, s0;
	[dreg:$0x7] =	wrdreg s20  }
0xa: {  	s0 =	sadd.s32 $0x41E00, s0;
	p0 =	sne.s32 s25, $0x0;
	[dreg:$0x8] =	wrdreg s21  }
0xb: {  	s25 =	simm.s32 $0xA000;
	s2 =	sand.u32 $0x1, s18;
	[dreg:$0x9] =	wrdreg s4  }
0xc: {  	[dreg:$0xa] =	wrdreg s23;
	s22 =	ssub.s32 $0x2, s2;
	s2 =	smul.u32 $0x28, s2  }
.Ltmp0:
0xd: {  	[dreg:$0xb] =	wrdreg s0;
	s16 =	simm.s32 $0x400;
	(pc) =	sbr.rel .LBB2_1-.Ltmp0, $4  }
0xe: {  	s21 =	simm.s32 $0x1;
	s23 =	simm.s32 $0x7800;
	s24 =	sshrl.u32 s22, $0x1  }
0xf: {  	s0 =	simm.s32 $0xCA00;
	s3 =	ssub.s32 s22, s24;
	[dreg:$0xc] =	wrdreg s2  }
0x10: {  	s22 =	simm.s32 $0x6400;
	s24 =	simm.s32 $0x8C00;
	s26 =	smax.u32 s3, $0x1  }
0x11: {  	v0 =	vimm.s32 $0x0;
	v1 =	vlaneseq.u32;
	vm0 =	vmmov $0x1;
	s3 =	simm.s32 $0x0;
	[dreg:$0xd] =	wrdreg s26;
	s26 =	simm.s32 $0xB400  }
.LBB2_18:
0x12: {  	s3 =	rddreg [dreg:$0xe]  }
0x13: {  	s2 =	rddreg [dreg:$0xd];
	s3 =	sadd.s32 $0x1, s3  }
0x14: {  	p1 =	sne.s32 s3, s2  }
.Ltmp1:
0x15: {  	_ = 	snop;
	(pc) =	sbr.rel @!p1 .LBB2_19-.Ltmp1, $1  }
0x16: {  	_ =	sdelay $0x3  }
.LBB2_1:
0x17: {  	[dreg:$0xe] =	wrdreg s3;
	s2 =	simm.s32 @!p0 $0x0  }
0x18: {  	[smem:$0x0] =	sst @!p0 s2  }
0x19: {  	s20 =	simm.s32 $0x2;
	[bflag:$0x0] =	sbarrier.arrive $0xFFFF  }
0x1a: {  	[sflag:s20] =	ssyncset.done $0x0  }
0x1b: {  	[smem:s1], [sflag:$0x2] =	smem.add.s32 $0x1  }
0x1c: {  	_ =	swait.done [sflag:s20]  }
0x1d: {  	s2 =	ssyncread [sflag:$0x2];
	_ =	sdelay $0x2  }
0x1e: {  	p1 =	sgt.s32 s2, $0x27  }
.Ltmp2:
0x1f: {  	_ = 	snop;
	(pc) =	sbr.rel @p1 .LBB2_18-.Ltmp2, $4  }
.Ltmp3:
0x20: {  	_ = 	snop;
	(pc) =	sbr.rel @!p1 .LBB2_2-.Ltmp3, $4  }
0x21: {  	_ = 	snop  }
0x22: {  	[sflag:s20] =	ssyncset.s32 $0x0  }
0x23: {  	[sflag:s20] =	ssyncset.done $0x0  }
0x24: {  	_ = 	snop  }
.LBB2_17:
0x25: {  	s2 =	sshll.u32 s17, $0xA  }
0x26: {  	s2 =	sor.u32 s18, s2  }
0x27: {  	s3 =	rddreg [dreg:$0x7];
	s2 =	sshrl.u32 s2, $0x3  }
0x28: {  	s14 =	rddreg [dreg:$0x8];
	s3 =	sadd.s32 s3, s2  }
0x29: {  	[hbm4b:s3+s1] =	stream.linear.scatter [tilespmem:s29], [sflag:$0x1], $0x80, $0x38;
	[tilespmem:$0xCB00] =	vst v63  }
0x2a: {  	s17 =	rddreg [dreg:$0x9];
	s3 =	sadd.s32 s14, s2  }
0x2b: {  	[hbm4b:s3+s1] =	stream.linear.scatter [tilespmem:s30], [sflag:$0x1], $0x80, $0x38;
	[tilespmem:$0xCB00] =	vst v63  }
0x2c: {  	s18 =	rddreg [dreg:$0xa];
	s3 =	sadd.s32 s17, s2  }
0x2d: {  	[hbm4b:s3+s1] =	stream.linear.scatter [tilespmem:s31], [sflag:$0x1], $0x80, $0x38;
	[tilespmem:$0xCB00] =	vst v63  }
0x2e: {  	s19 =	rddreg [dreg:$0xb];
	s3 =	sadd.s32 s18, s2  }
0x2f: {  	[hbm4b:s3+s1] =	stream.linear.scatter [tilespmem:s0], [sflag:$0x1], $0x80, $0x38;
	[tilespmem:$0xCB00] =	vst v63  }
0x30: {  	s2 =	sadd.s32 s19, s2  }
0x31: {  	[hbm4b:s2+s1] =	stream.linear.scatter [tilespmem:s13], [sflag:$0x1], $0x80, $0x38;
	[tilespmem:$0xCB00] =	vst v63  }
0x32: {  	_ =	swait.ge [sflag:s21], $0x80  }
0x33: {  	[sflag:s21] =	ssyncset.done $0x0  }
0x34: {  	[sflag:s21] =	ssyncadd.s32 $0xFFFFFF80  }
0x35: {  	_ =	swait.ge [sflag:s21], $0x80  }
0x36: {  	[sflag:s21] =	ssyncset.done $0x0  }
0x37: {  	[sflag:s21] =	ssyncadd.s32 $0xFFFFFF80  }
0x38: {  	_ =	swait.ge [sflag:s21], $0x80  }
0x39: {  	[sflag:s21] =	ssyncset.done $0x0  }
0x3a: {  	[sflag:s21] =	ssyncadd.s32 $0xFFFFFF80  }
0x3b: {  	_ =	swait.ge [sflag:s21], $0x80  }
0x3c: {  	[sflag:s21] =	ssyncset.done $0x0  }
0x3d: {  	[sflag:s21] =	ssyncadd.s32 $0xFFFFFF80  }
0x3e: {  	_ =	swait.ge [sflag:s21], $0x80  }
0x3f: {  	[sflag:s21] =	ssyncset.done $0x0  }
0x40: {  	s20 =	simm.s32 $0x3;
	[sflag:s21] =	ssyncadd.s32 $0xFFFFFF80  }
0x41: {  	[sflag:s20] =	ssyncset.done $0x0  }
0x42: {  	[smem:s1], [sflag:$0x3] =	smem.add.s32 $0x1  }
0x43: {  	_ =	swait.done [sflag:s20]  }
0x44: {  	s2 =	ssyncread [sflag:$0x3];
	_ =	sdelay $0x2  }
0x45: {  	p1 =	slt.s32 s2, $0x28  }
.Ltmp4:
0x46: {  	_ = 	snop;
	(pc) =	sbr.rel @!p1 .LBB2_18-.Ltmp4, $3  }
0x47: {  	_ =	sdelay $0x1  }
0x48: {  	[sflag:s20] =	ssyncset.s32 $0x0  }
0x49: {  	[sflag:s20] =	ssyncset.done $0x0  }
.LBB2_2:
0x4a: {  	s3 =	rddreg [dreg:$0xc]  }
0x4b: {  	s3 =	sadd.s32 s3, s2  }
0x4c: {  	s17 =	sshrl.u32 s3, $0x3  }
0x4d: {  	s20 =	sshll.u32 s2, $0x7;
	s3 =	smul.u32 $0xA000, s17  }
0x4e: {  	s18 =	sand.u32 $0x380, s20  }
0x4f: {  	s2 =	sor.u32 s18, s3  }
0x50: {  	s4 =	rddreg [dreg:$0x2];
	s2 =	sshrl.u32 s2, $0x3  }
0x51: {  	s5 =	rddreg [dreg:$0x3];
	s3 =	sadd.s32 s4, s2  }
0x52: {  	[tilespmem:s1], [sflag:$0x1] =	stream.strided.gather [hbm4b:s3+s15], $0x1400, s16, s15, $0x38;
	[tilespmem:$0xCB00] =	vst v63  }
0x53: {  	s6 =	rddreg [dreg:$0x4];
	s4 =	simm.s32 $0x1400;
	s3 =	sadd.s32 s5, s2  }
0x54: {  	[tilespmem:s4], [sflag:$0x1] =	stream.strided.gather [hbm4b:s3+s15], $0x1400, s16, s15, $0x38;
	[tilespmem:$0xCB00] =	vst v63  }
0x55: {  	s7 =	simm.s32 $0x2800;
	s8 =	rddreg [dreg:$0x5];
	s3 =	sadd.s32 s6, s2  }
0x56: {  	[tilespmem:s7], [sflag:$0x1] =	stream.strided.gather [hbm4b:s3+s15], $0x1400, s16, s15, $0x38;
	[tilespmem:$0xCB00] =	vst v63  }
0x57: {  	s9 =	simm.s32 $0x3C00;
	s10 =	rddreg [dreg:$0x6];
	s3 =	sadd.s32 s8, s2  }
0x58: {  	[tilespmem:s9], [sflag:$0x1] =	stream.strided.gather [hbm4b:s3+s15], $0x1400, s16, s15, $0x38;
	[tilespmem:$0xCB00] =	vst v63  }
0x59: {  	s11 =	simm.s32 $0x5000;
	s2 =	sadd.s32 s10, s2  }
0x5a: {  	[tilespmem:s11], [sflag:$0x1] =	stream.strided.gather [hbm4b:s2+s15], $0x1400, s16, s15, $0x38;
	[tilespmem:$0xCB00] =	vst v63  }
0x5b: {  	_ =	swait.ge [sflag:s21], $0x1400  }
0x5c: {  	[sflag:s21] =	ssyncset.done $0x0  }
0x5d: {  	[sflag:s21] =	ssyncadd.s32 $0xFFFFEC00  }
0x5e: {  	_ =	swait.ge [sflag:s21], $0x1400  }
0x5f: {  	[sflag:s21] =	ssyncset.done $0x0  }
0x60: {  	[sflag:s21] =	ssyncadd.s32 $0xFFFFEC00  }
0x61: {  	_ =	swait.ge [sflag:s21], $0x1400  }
0x62: {  	[sflag:s21] =	ssyncset.done $0x0  }
0x63: {  	[sflag:s21] =	ssyncadd.s32 $0xFFFFEC00  }
0x64: {  	_ =	swait.ge [sflag:s21], $0x1400  }
0x65: {  	[sflag:s21] =	ssyncset.done $0x0  }
0x66: {  	[sflag:s21] =	ssyncadd.s32 $0xFFFFEC00  }
0x67: {  	_ =	swait.ge [sflag:s21], $0x1400  }
0x68: {  	[sflag:s21] =	ssyncset.done $0x0  }
0x69: {  	s12 =	simm.s32 $0x20;
	[sflag:s21] =	ssyncadd.s32 $0xFFFFEC00  }
0x6a: {  	v2 =	vld [tilespmem:s12+$0xFFFFFFE0];
	_ =	sdelay $0x4  }
0x6b: {  	vm1 =	vgt.f32 v2, $5.000000070e-02  }
0x6c: {  	v4 =	vld [tilespmem:s12+$0x10];
	v3 =	vsel vm1, $0x1, v0  }
0x6d: {  	v5 =	vld [tilespmem:s12+$0x0];
	(xrf0) =	vadd.scan.msk.s32 $0xffff, v3;
	_ =	sdelay $0x3  }
0x6e: {  	vm4 =	vgt.f32 v4, $5.000000070e-02  }
0x6f: {  	v9 =	vld [tilespmem:s12+$0xFFFFFFF0];
	vm2 =	vgt.f32 v5, $5.000000070e-02;
	v3 =	vsel vm4, $0x1, v0  }
0x70: {  	v6 =	vimm.s32 $0x0;
	v8 =	vsel vm2, $0x1, v0;
	v7, _, _ =	vpop (xrf0);
	(xrf0) =	vadd.scan.msk.s32 $0xffff, v3  }
0x71: {  	v3 =	vadd.s32 v7, v6;
	(xrf0) =	vadd.scan.msk.s32 $0xffff, v8  }
0x72: {  	v13 =	vadd.s32 $0xFFFFFFFF, v3;
	_ =	sdelay $0x1  }
0x73: {  	vm3 =	vgt.f32 v9, $5.000000070e-02;
	v3 =	vmpcnt.ones.xlane vm1  }
0x74: {  	s14 =	simm.s32 $0x60;
	v7 =	vsel vm3, $0x1, v0;
	v8 =	vmpcnt.ones.xlane vm3  }
0x75: {  	v11 =	vld [tilespmem:s14+$0xFFFFFFE0];
	(xrf0) =	vadd.scan.msk.s32 $0xffff, v7;
	v7 =	vmpcnt.ones.xlane vm2;
	v3 =	vadd.s32 v6, v3;
	v6, _, _ =	vpop (xrf0)  }
0x76: {  	v8 =	vadd.s32 v3, v8;
	[tilespmem:v13+s22+$0x0] =	vst.idx.msk vm1, v2;
	v2, _, _ =	vpop (xrf0)  }
0x77: {  	v2 =	vadd.s32 v2, v8;
	v8 =	vadd.s32 v8, v7  }
0x78: {  	s19 =	simm.s32 $0x1420;
	vm5 =	vmmov vm1;
	v7 =	vadd.s32 $0xFFFFFFFF, v2;
	v2 =	vadd.s32 v6, v8  }
0x79: {  	vm1 =	vmmov vm2;
	v10 =	vld [tilespmem:s19+$0xFFFFFFE0]  }
0x7a: {  	vm6 =	vgt.f32 v11, $5.000000070e-02  }
0x7b: {  	v12 =	vsel vm6, $0x1, v0;
	v6 =	vadd.s32 $0xFFFFFFFF, v2;
	v2, _, _ =	vpop (xrf0)  }
0x7c: {  	v15 =	vld [tilespmem:s14+$0x10];
	vm3 =	vmmov vm3;
	(xrf0) =	vadd.scan.msk.s32 $0xffff, v12;
	v2 =	vadd.s32 v2, v3  }
0x7d: {  	v16 =	vld [tilespmem:s14+$0x0];
	v3 =	vadd.s32 $0xFFFFFFFF, v2  }
0x7e: {  	s20 =	simm.s32 $0x2820;
	v12 =	vmpcnt.ones.xlane vm4;
	[tilespmem:v13+s23+$0x0] =	vst.idx.msk vm5, v10  }
0x7f: {  	v2 =	vld [tilespmem:s20+$0xFFFFFFE0];
	[tilespmem:v7+s22+$0x0] =	vst.idx.msk vm1, v5  }
0x80: {  	v5 =	vld [tilespmem:s19+$0x0]  }
0x81: {  	vm2 =	vmmov vm4;
	v10 =	vld [tilespmem:s14+$0xFFFFFFF0];
	[tilespmem:v6+s22+$0x0] =	vst.idx.msk vm4, v4  }
0x82: {  	vm8 =	vgt.f32 v16, $5.000000070e-02;
	v17 =	vadd.s32 v8, v12;
	v12, _, _ =	vpop (xrf0);
	vm4 =	vgt.f32 v15, $5.000000070e-02;
	v4 =	vld [tilespmem:s19+$0x10];
	[tilespmem:v3+s22+$0x0] =	vst.idx.msk vm3, v9  }
0x83: {  	s5 =	simm.s32 $0xA0;
	vm11 =	vmmov vm5;
	v14 =	vsel vm4, $0x1, v0;
	v9 =	vadd.s32 v12, v17;
	v18 =	vld [tilespmem:s19+$0xFFFFFFF0]  }
0x84: {  	s2 =	simm.s32 $0x3C20;
	(xrf0) =	vadd.scan.msk.s32 $0xffff, v14;
	[tilespmem:v13+s24+$0x0] =	vst.idx.msk vm5, v2;
	v2 =	vsel vm8, $0x1, v0;
	v12 =	vld [tilespmem:s5+$0xFFFFFFE0];
	v14 =	vadd.s32 $0xFFFFFFFF, v9  }
0x85: {  	v19 =	vld [tilespmem:s2+$0xFFFFFFE0];
	(xrf0) =	vadd.scan.msk.s32 $0xffff, v2;
	[tilespmem:v7+s23+$0x0] =	vst.idx.msk vm1, v5  }
0x86: {  	v2 =	vld [tilespmem:s20+$0x0]  }
0x87: {  	v8 =	vld [tilespmem:s5+$0xFFFFFFF0];
	vm5 =	vgt.f32 v10, $5.000000070e-02;
	[tilespmem:v6+s23+$0x0] =	vst.idx.msk vm2, v4;
	v4 =	vmpcnt.ones.xlane vm6  }
0x88: {  	v20 =	vsel vm5, $0x1, v0;
	v21 =	vmpcnt.ones.xlane vm5;
	v5 =	vld [tilespmem:s20+$0x10];
	[tilespmem:v3+s23+$0x0] =	vst.idx.msk vm3, v18  }
0x89: {  	s3 =	simm.s32 $0x1460;
	vm10 =	vmmov vm6;
	v4 =	vadd.s32 v17, v4;
	v17 =	vmpcnt.ones.xlane vm8;
	[tilespmem:v14+s22+$0x0] =	vst.idx.msk vm6, v11;
	v22 =	vld [tilespmem:s20+$0xFFFFFFF0]  }
0x8a: {  	s4 =	simm.s32 $0x5020;
	v18, _, _ =	vpop (xrf0);
	(xrf0) =	vadd.scan.msk.s32 $0xffff, v20;
	v11 =	vadd.s32 v4, v21;
	[tilespmem:v13+s25+$0x0] =	vst.idx.msk vm11, v19;
	v21 =	vld [tilespmem:s3+$0xFFFFFFE0]  }
0x8b: {  	vm7 =	vmmov vm1;
	vm6 =	vgt.f32 v12, $5.000000070e-02;
	v20, _, _ =	vpop (xrf0);
	[tilespmem:v7+s24+$0x0] =	vst.idx.msk vm1, v2;
	v17 =	vadd.s32 v11, v17;
	v25 =	vld [tilespmem:s4+$0xFFFFFFE0]  }
0x8c: {  	vm1 =	vmmov vm8;
	vm8 =	vmmov vm2;
	v2 =	vadd.s32 v20, v11;
	v20 =	vld [tilespmem:s2+$0x0]  }
0x8d: {  	v9 =	vld [tilespmem:s5+$0x0];
	[tilespmem:v6+s24+$0x0] =	vst.idx.msk vm2, v5;
	v5 =	vadd.s32 v18, v17;
	v18 =	vsel vm6, $0x1, v0;
	v2 =	vadd.s32 $0xFFFFFFFF, v2  }
0x8e: {  	v24 =	vld [tilespmem:s2+$0x10];
	[tilespmem:v3+s24+$0x0] =	vst.idx.msk vm3, v22  }
0x8f: {  	v11 =	vld [tilespmem:s5+$0x10];
	v5 =	vadd.s32 $0xFFFFFFFF, v5;
	(xrf0) =	vadd.scan.msk.s32 $0xffff, v18;
	[tilespmem:v14+s23+$0x0] =	vst.idx.msk vm10, v21  }
0x90: {  	vm9 =	vmmov vm3;
	s5 =	simm.s32 $0x2860;
	v18, _, _ =	vpop (xrf0);
	[tilespmem:v13+s26+$0x0] =	vst.idx.msk vm11, v25;
	v19 =	vld [tilespmem:s2+$0xFFFFFFF0]  }
0x91: {  	v21 =	vmpcnt.ones.xlane vm4;
	vm3 =	vmmov vm5;
	v23 =	vld [tilespmem:s5+$0xFFFFFFE0];
	[tilespmem:v7+s25+$0x0] =	vst.idx.msk vm7, v20;
	v4 =	vadd.s32 v18, v4  }
0x92: {  	vm2 =	vmmov vm4;
	[tilespmem:v2+s22+$0x0] =	vst.idx.msk vm1, v16;
	v18 =	vld [tilespmem:s4+$0x0];
	v4 =	vadd.s32 $0xFFFFFFFF, v4  }
0x93: {  	vm12 =	vmmov vm2;
	v16 =	vadd.s32 v17, v21;
	[tilespmem:v6+s25+$0x0] =	vst.idx.msk vm8, v24;
	v21 =	vld [tilespmem:s3+$0x0]  }
0x94: {  	vm5 =	vmmov vm5;
	vm11 =	vmmov vm1;
	v13 =	vmovc v14;
	vm13 =	vgt.f32 v11, $5.000000070e-02;
	[tilespmem:v5+s22+$0x0] =	vst.idx.msk vm4, v15;
	v20 =	vld [tilespmem:s4+$0x10]  }
0x95: {  	s6 =	simm.s32 $0x5020;
	s7 =	simm.s32 $0x8;
	s8 =	simm.s32 $0xE0;
	v17 =	vmpcnt.ones.xlane vm6;
	vm4 =	vmmov vm10;
	v24, _, _ =	vpop (xrf0);
	v22 =	vld [tilespmem:s3+$0x10];
	v15 =	vmov v4  }
.LBB2_3:
0x96: {  	v25 =	vld [tilespmem:s8+$0xFFFFFFF0];
	s7 =	sadd.s32 $0x4, s7;
	v24 =	vadd.s32 v24, v16;
	vm15 =	vgt.f32 v9, $5.000000070e-02;
	v26 =	vsel vm13, $0x1, v0;
	[tilespmem:v14+s24+$0x0] =	vst.idx.msk vm10, v23;
	s4 =	sadd.s32 $0x40, s4;
	s2 =	sadd.s32 $0x40, s2  }
0x97: {  	vm14 =	vgt.f32 v8, $5.000000070e-02;
	p1 =	slt.u32 s7, $0x13C;
	v14 =	vsel vm15, $0x1, v0;
	(xrf0) =	vadd.scan.msk.s32 $0xffff, v26;
	v23 =	vld [tilespmem:s2+$0xFFFFFFE0];
	[tilespmem:v4+s22+$0x0] =	vst.idx.msk vm3, v10;
	v10 =	vmovc v8  }
0x98: {  	v8 =	vsel vm14, $0x1, v0;
	v26 =	vmpcnt.ones.xlane vm14;
	(xrf0) =	vadd.scan.msk.s32 $0xffff, v14;
	v27 =	vld [tilespmem:s3+$0xFFFFFFF0];
	[tilespmem:v2+s23+$0x0] =	vst.idx.msk vm1, v21  }
0x99: {  	vm10 =	vmmov vm6;
	v14 =	vadd.s32 $0xFFFFFFFF, v24;
	(xrf0) =	vadd.scan.msk.s32 $0xffff, v8;
	v21 =	vld [tilespmem:s5+$0x0];
	[tilespmem:v3+s25+$0x0] =	vst.idx.msk vm9, v19  }
0x9a: {  	[tilespmem:v5+s23+$0x0] =	vst.idx.msk vm2, v22;
	v19 =	vld [tilespmem:s6+$0xFFFFFFF0];
	s6 =	smov.u32 s4  }
0x9b: {  	v17 =	vadd.s32 v16, v17;
	v28 =	vmpcnt.ones.xlane vm15;
	v22 =	vld [tilespmem:s8+$0xFFFFFFE0];
	[tilespmem:v7+s26+$0x0] =	vst.idx.msk vm7, v18;
	v8 =	vmovc v25;
	v7 =	vmov v2  }
0x9c: {  	v24 =	vmpcnt.ones.xlane vm13;
	v18 =	vadd.s32 v17, v26;
	vm7 =	vmmov vm1;
	v25 =	vld [tilespmem:s5+$0x10];
	[tilespmem:v6+s26+$0x0] =	vst.idx.msk vm8, v20;
	v6 =	vmovc v5  }
0x9d: {  	vm1 =	vmmov vm15;
	v26 =	vadd.s32 v18, v28;
	vm8 =	vmmov vm2;
	v20 =	vld [tilespmem:s8+$0x0];
	v16, _, _ =	vpop (xrf0);
	[tilespmem:v4+s23+$0x0] =	vst.idx.msk vm3, v27  }
0x9e: {  	s3 =	sadd.s32 $0x40, s3;
	vm2 =	vmmov vm13;
	[tilespmem:v14+s22+$0x0] =	vst.idx.msk vm6, v12;
	v27 =	vadd.s32 v16, v26;
	v16 =	vadd.s32 v26, v24;
	v5, _, _ =	vpop (xrf0);
	v24 =	vld [tilespmem:s5+$0xFFFFFFF0]  }
0x9f: {  	v26 =	vld [tilespmem:s3+$0xFFFFFFE0];
	v18 =	vadd.s32 v5, v18;
	v5 =	vadd.s32 $0xFFFFFFFF, v27;
	v12, _, _ =	vpop (xrf0);
	[tilespmem:v2+s24+$0x0] =	vst.idx.msk vm11, v21;
	vm11 =	vmmov vm15  }
0xa0: {  	v17 =	vadd.s32 v12, v17;
	v2 =	vadd.s32 $0xFFFFFFFF, v18;
	v18 =	vld [tilespmem:s2+$0x0];
	[tilespmem:v3+s26+$0x0] =	vst.idx.msk vm9, v19;
	v12 =	vmovc v22;
	v3 =	vmov v4  }
0xa1: {  	vm9 =	vmmov vm3;
	vm6 =	vgt.f32 v12, $5.000000070e-02;
	v22 =	vld [tilespmem:s8+$0x10];
	v4 =	vadd.s32 $0xFFFFFFFF, v17;
	[tilespmem:v6+s24+$0x0] =	vst.idx.msk vm12, v25  }
0xa2: {  	vm3 =	vmmov vm14;
	v19 =	vsel vm6, $0x1, v0;
	v17 =	vmpcnt.ones.xlane vm6;
	[tilespmem:v13+s25+$0x0] =	vst.idx.msk vm4, v23;
	v25 =	vld [tilespmem:s2+$0x10]  }
0xa3: {  	vm12 =	vmmov vm13;
	(xrf0) =	vadd.scan.msk.s32 $0xffff, v19;
	v27 =	vld [tilespmem:s4+$0xFFFFFFE0];
	[tilespmem:v15+s24+$0x0] =	vst.idx.msk vm5, v24;
	v15 =	vmovc v4;
	vm5 =	vmmov vm14  }
0xa4: {  	s5 =	sadd.s32 $0x40, s5;
	[tilespmem:v14+s23+$0x0] =	vst.idx.msk vm10, v26;
	v19 =	vld [tilespmem:s2+$0xFFFFFFF0]  }
.Ltmp5:
0xa5: {  	v23 =	vld [tilespmem:s5+$0xFFFFFFE0];
	[tilespmem:v7+s25+$0x0] =	vst.idx.msk vm7, v18;
	(pc) =	sbr.rel @p1 .LBB2_3-.Ltmp5, $4  }
0xa6: {  	[tilespmem:v2+s22+$0x0] =	vst.idx.msk vm15, v9;
	v18 =	vld [tilespmem:s4+$0x0];
	v9 =	vmov v20  }
0xa7: {  	v21 =	vld [tilespmem:s3+$0x0];
	[tilespmem:v6+s25+$0x0] =	vst.idx.msk vm8, v25  }
0xa8: {  	[tilespmem:v5+s22+$0x0] =	vst.idx.msk vm13, v11;
	v20 =	vld [tilespmem:s4+$0x10];
	v11 =	vmov v22  }
0xa9: {  	s8 =	sadd.s32 $0x40, s8;
	vm13 =	vgt.f32 v11, $5.000000070e-02;
	v24, _, _ =	vpop (xrf0);
	v22 =	vld [tilespmem:s3+$0x10];
	[tilespmem:v13+s26+$0x0] =	vst.idx.msk vm4, v27;
	v13 =	vmov v14;
	vm4 =	vmmov vm10  }
0xaa: {  	_ =	sdelay $0x3  }
0xab: {  	vm14 =	vgt.f32 v9, $5.000000070e-02;
	v25 =	vsel vm13, $0x1, v0  }
0xac: {  	[tilespmem:v14+s24+$0x0] =	vst.idx.msk vm10, v23;
	vm10 =	vgt.f32 v8, $5.000000070e-02;
	(xrf0) =	vadd.scan.msk.s32 $0xffff, v25;
	v36 =	vsel vm14, $0x1, v0  }
0xad: {  	[tilespmem:v4+s22+$0x0] =	vst.idx.msk vm3, v10;
	v37 =	vsel vm10, $0x1, v0;
	(xrf0) =	vadd.scan.msk.s32 $0xffff, v36  }
0xae: {  	v38 =	vadd.s32 v24, v16;
	[tilespmem:v3+s25+$0x0] =	vst.idx.msk vm9, v19;
	v39 =	vld [tilespmem:s3+$0xFFFFFFF0];
	(xrf0) =	vadd.scan.msk.s32 $0xffff, v37  }
0xaf: {  	v40 =	vmpcnt.ones.xlane vm10;
	v14 =	vadd.s32 $0xFFFFFFFF, v38;
	[tilespmem:v7+s26+$0x0] =	vst.idx.msk vm7, v18  }
0xb0: {  	v42 =	vadd.s32 v16, v17;
	s2 =	sadd.s32 $0x40, s2;
	v43 =	vmpcnt.ones.xlane vm14;
	v44 =	vld [tilespmem:s6+$0xFFFFFFF0];
	[tilespmem:v2+s23+$0x0] =	vst.idx.msk vm1, v21  }
0xb1: {  	v50 =	vld [tilespmem:s2+$0xFFFFFFE0];
	v45 =	vadd.s32 v42, v40;
	[tilespmem:v6+s26+$0x0] =	vst.idx.msk vm8, v20  }
0xb2: {  	v41 =	vld [tilespmem:s5+$0x0];
	[tilespmem:v5+s23+$0x0] =	vst.idx.msk vm2, v22;
	v48 =	vadd.s32 v45, v43;
	v46, _, _ =	vpop (xrf0)  }
0xb3: {  	v47 =	vmpcnt.ones.xlane vm13;
	v22 =	vld [tilespmem:s5+$0x10];
	[tilespmem:v4+s23+$0x0] =	vst.idx.msk vm3, v39;
	v49, _, _ =	vpop (xrf0);
	v10 =	vadd.s32 v46, v48  }
0xb4: {  	vm10 =	vmmov vm10;
	[tilespmem:v14+s22+$0x0] =	vst.idx.msk vm6, v12;
	v7 =	vadd.s32 v49, v45;
	v51, _, _ =	vpop (xrf0);
	v10 =	vadd.s32 $0xFFFFFFFF, v10  }
0xb5: {  	v6 =	vadd.s32 v48, v47;
	[tilespmem:v3+s26+$0x0] =	vst.idx.msk vm9, v44;
	v7 =	vadd.s32 $0xFFFFFFFF, v7;
	v12 =	vadd.s32 v51, v42  }
0xb6: {  	(v2sf) =	vpush v6, $0x0;
	[tilespmem:v13+s25+$0x0] =	vst.idx.msk vm4, v50;
	v3 =	vadd.s32 $0xFFFFFFFF, v12  }
0xb7: {  	s6 =	sadd.s32 $0x40, s3;
	vm9 =	vmmov vm6;
	v52 =	vld [tilespmem:s5+$0xFFFFFFF0];
	[tilespmem:v2+s24+$0x0] =	vst.idx.msk vm11, v41  }
0xb8: {  	s7 =	sadd.s32 $0x40, s4;
	v53 =	vld [tilespmem:s6+$0xFFFFFFE0];
	[tilespmem:v5+s24+$0x0] =	vst.idx.msk vm12, v22  }
0xb9: {  	v56 =	vld [tilespmem:s7+$0xFFFFFFE0];
	[tilespmem:v10+s22+$0x0] =	vst.idx.msk vm13, v11  }
0xba: {  	[tilespmem:v7+s22+$0x0] =	vst.idx.msk vm14, v9;
	v11 =	vld [tilespmem:s6+$0x10]  }
0xbb: {  	v9 =	vld [tilespmem:s6+$0x0];
	[tilespmem:v3+s22+$0x0] =	vst.idx.msk vm10, v8  }
0xbc: {  	vm11 =	vmmov vm1;
	[tilespmem:v15+s24+$0x0] =	vst.idx.msk vm5, v52;
	v8 =	vld [tilespmem:s6+$0xFFFFFFF0]  }
0xbd: {  	vm1 =	vmmov vm2;
	v54 =	vld [tilespmem:s2+$0x0];
	[tilespmem:v14+s23+$0x0] =	vst.idx.msk vm9, v53  }
0xbe: {  	s8 =	sadd.s32 $0x40, s5;
	v55 =	vld [tilespmem:s2+$0x10];
	[tilespmem:v13+s26+$0x0] =	vst.idx.msk vm4, v56  }
0xbf: {  	vm8 =	vmmov vm13;
	v16 =	vld [tilespmem:s8+$0xFFFFFFE0];
	[tilespmem:v10+s23+$0x0] =	vst.idx.msk vm13, v11  }
0xc0: {  	vm15 =	vmmov vm14;
	[tilespmem:v7+s23+$0x0] =	vst.idx.msk vm14, v9;
	v11 =	vld [tilespmem:s8+$0x10]  }
0xc1: {  	v9 =	vld [tilespmem:s8+$0x0];
	[tilespmem:v3+s23+$0x0] =	vst.idx.msk vm10, v8  }
0xc2: {  	vm2 =	vmmov vm3;
	[tilespmem:v2+s25+$0x0] =	vst.idx.msk vm11, v54;
	v8 =	vld [tilespmem:s8+$0xFFFFFFF0]  }
0xc3: {  	v57 =	vld [tilespmem:s2+$0xFFFFFFF0];
	[tilespmem:v5+s25+$0x0] =	vst.idx.msk vm1, v55  }
0xc4: {  	s2 =	sadd.s32 $0x40, s2;
	v58 =	vld [tilespmem:s7+$0x0];
	[tilespmem:v14+s24+$0x0] =	vst.idx.msk vm9, v16  }
0xc5: {  	v59 =	vld [tilespmem:s2+$0xFFFFFFE0];
	s19 =	spop (v2sf);
	[tilespmem:v10+s24+$0x0] =	vst.idx.msk vm8, v11  }
0xc6: {  	vm12 =	vmmov vm15;
	s9 =	sadd.s32 $0xF, s19;
	[tilespmem:v7+s24+$0x0] =	vst.idx.msk vm15, v9;
	v11 =	vld [tilespmem:s2+$0x10]  }
0xc7: {  	s10 =	sand.u32 $0xF, s9;
	v9 =	vld [tilespmem:s2+$0x0];
	[tilespmem:v3+s24+$0x0] =	vst.idx.msk vm10, v8  }
0xc8: {  	[tilespmem:v4+s25+$0x0] =	vst.idx.msk vm2, v57;
	s11 =	sshra.s32 s9, $0x1F;
	p1 =	slt.s32 s9, $0x1;
	p2 =	sne.s32 s10, $0x0;
	v8 =	vld [tilespmem:s2+$0xFFFFFFF0]  }
0xc9: {  	s12 =	sadd.s32 $0x40, s7;
	v60 =	vld [tilespmem:s7+$0x10];
	[tilespmem:v2+s26+$0x0] =	vst.idx.msk vm11, v58;
	p1 =	por !p1, !p2;
	s2 =	sshrl.u32 s11, $0x1C  }
0xca: {  	s3 =	simm.s32 $0x1;
	v2 =	vld [tilespmem:s7+$0xFFFFFFF0];
	[tilespmem:v14+s25+$0x0] =	vst.idx.msk vm9, v59;
	p1 =	por !p1, !p1;
	s2 =	sadd.s32 s2, s9  }
0xcb: {  	v6 =	vbroadcast v6, $0x0;
	v61 =	vld [tilespmem:s12+$0xFFFFFFE0];
	s3 =	simm.s32 @!p1 $0x0;
	s2 =	sshra.s32 s2, $0x4;
	[tilespmem:v10+s25+$0x0] =	vst.idx.msk vm8, v11  }
0xcc: {  	s20 =	ssub.s32 s2, s3;
	[tilespmem:v7+s25+$0x0] =	vst.idx.msk vm12, v9;
	v11 =	vld [tilespmem:s12+$0x10]  }
0xcd: {  	v6 =	vadd.s32 v1, v6;
	s2 =	sshll.u32 s20, $0x4;
	v9 =	vld [tilespmem:s12+$0x0];
	[tilespmem:v3+s25+$0x0] =	vst.idx.msk vm10, v8  }
0xce: {  	[tilespmem:v5+s26+$0x0] =	vst.idx.msk vm1, v60;
	vm15 =	vlt.s32 v6, $0x13FF;
	vm1 =	vlt.s32 v6, s2;
	v62 =	vld [tilespmem:s12+$0xFFFFFFF0]  }
0xcf: {  	[tilespmem:v4+s26+$0x0] =	vst.idx.msk vm2, v2;
	v63 =	vnsel vm15, $0x13FF, v6  }
0xd0: {  	[tilespmem:v14+s26+$0x0] =	vst.idx.msk vm9, v61  }
0xd1: {  	[tilespmem:v10+s26+$0x0] =	vst.idx.msk vm8, v11  }
0xd2: {  	[tilespmem:v7+s26+$0x0] =	vst.idx.msk vm12, v9  }
0xd3: {  	v2 =	vimm.f32 $-1.000000020e+30;
	s14 =	sshrl.u32 s20, $0x1E;
	[tilespmem:v3+s26+$0x0] =	vst.idx.msk vm10, v62  }
0xd4: {  	s2 =	sadd.s32 s14, s20;
	[tilespmem:v63+s22+$0x0] =	vst.idx.msk vm1, v2  }
0xd5: {  	s2 =	sand.u32 $0xFFFFFFFC, s2;
	[tilespmem:$0xC880] =	vst v2  }
0xd6: {  	p1 =	slt.s32 s2, $0x1;
	[tilespmem:$0xC890] =	vst v2  }
.Ltmp6:
0xd7: {  	[tilespmem:$0xC8A0] =	vst v2;
	(pc) =	sbr.rel @p1 .LBB2_5-.Ltmp6, $4  }
0xd8: {  	[tilespmem:$0xC8B0] =	vst v2  }
0xd9: {  	[tilespmem:$0xC8C0] =	vst v2  }
0xda: {  	[tilespmem:$0xC8D0] =	vst v2  }
0xdb: {  	vm3 =	vmmov vm9;
	vm13 =	vmmov vm8;
	vm14 =	vmmov vm10;
	[tilespmem:$0xC8E0] =	vst v2  }
0xdc: {  	s5 =	simm.s32 $0x6420  }
0xdd: {  	v6 =	vld [tilespmem:s5+$0xFFFFFFE0];
	_ =	sdelay $0x1  }
0xde: {  	p2 =	sgt.s32 s2, $0x4;
	v3 =	vld [tilespmem:s5+$0xFFFFFFF0]  }
.Ltmp7:
0xdf: {  	_ = 	snop;
	(pc) =	sbr.rel @!p2 .LBB2_22-.Ltmp7, $4  }
0xe0: {  	v5 =	vimm.f32 $-1.000000020e+30;
	s3 =	simm.s32 $0x0;
	v2 =	vld [tilespmem:s5+$0x0]  }
0xe1: {  	v4 =	vimm.s32 $0x0;
	v7 =	vor.u32 s3, v1;
	vm1 =	vgt.f32 v6, v5  }
0xe2: {  	s6 =	simm.s32 $0x10;
	v5 =	vsel vm1, v6, v5;
	v6 =	vsel vm1, v7, v4;
	v4 =	vld [tilespmem:s5+$0x10]  }
0xe3: {  	s4 =	simm.s32 $0x4;
	v7 =	vor.u32 s6, v1;
	s5 =	simm.s32 $0x6460;
	vm1 =	vgt.f32 v3, v5  }
.LBB2_21:
0xe4: {  	v8 =	vld [tilespmem:s5+$0xFFFFFFE0];
	s4 =	sadd.s32 $0x4, s4;
	v5 =	vsel vm1, v3, v5;
	v6 =	vsel vm1, v7, v6;
	s6 =	sadd.s32 $0x20, s3  }
0xe5: {  	p2 =	slt.s32 s4, s2;
	v7 =	vor.u32 s6, v1;
	vm1 =	vgt.f32 v2, v5  }
0xe6: {  	s6 =	sadd.s32 $0x30, s3;
	v3 =	vld [tilespmem:s5+$0xFFFFFFF0];
	v5 =	vsel vm1, v2, v5;
	v6 =	vsel vm1, v7, v6  }
.Ltmp8:
0xe7: {  	v7 =	vor.u32 s6, v1;
	vm1 =	vgt.f32 v4, v5;
	(pc) =	sbr.rel @p2 .LBB2_21-.Ltmp8, $4  }
0xe8: {  	s3 =	sadd.s32 $0x40, s3;
	v2 =	vld [tilespmem:s5+$0x0];
	v4 =	vsel vm1, v4, v5;
	v6 =	vsel vm1, v7, v6  }
0xe9: {  	v7 =	vor.u32 s3, v1;
	vm1 =	vgt.f32 v8, v4  }
0xea: {  	s6 =	sadd.s32 $0x10, s3;
	v5 =	vsel vm1, v8, v4;
	v6 =	vsel vm1, v7, v6;
	v4 =	vld [tilespmem:s5+$0x10]  }
0xeb: {  	v7 =	vor.u32 s6, v1;
	s5 =	sadd.s32 $0x40, s5;
	vm1 =	vgt.f32 v3, v5  }
.LBB2_22:
.Ltmp9:
0xec: {  	v3 =	vsel vm1, v3, v5;
	(pc) =	sbr.rel .LBB2_6-.Ltmp9, $4  }
0xed: {  	s4 =	sadd.s32 $0x20, s3;
	vm2 =	vgt.f32 v2, v3  }
0xee: {  	v5 =	vsel vm1, v7, v6;
	s14 =	sadd.s32 $0x30, s3;
	v63 =	vor.u32 s4, v1;
	v2 =	vsel vm2, v2, v3  }
0xef: {  	v3 =	vsel vm2, v63, v5;
	v5 =	vor.u32 s14, v1;
	vm1 =	vgt.f32 v4, v2  }
0xf0: {  	v2 =	vsel vm1, v4, v2;
	v3 =	vsel vm1, v5, v3  }
.LBB2_5:
0xf1: {  	v3 =	vimm.s32 $0x0  }
.LBB2_6:
0xf2: {  	s3 =	ssub.s32 s20, s2  }
0xf3: {  	p2 =	slt.s32 s3, $0x1  }
.Ltmp10:
0xf4: {  	_ = 	snop;
	(pc) =	sbr.rel @p2 .LBB2_9-.Ltmp10, $3  }
0xf5: {  	_ =	sdelay $0x1  }
0xf6: {  	s14 =	sshll.u32 s2, $0x6  }
0xf7: {  	s5 =	sshra.s32 s14, $0x2;
	s3 =	sshll.u32 s2, $0x4  }
0xf8: {  	s4 =	sadd.s32 $0x6400, s5;
	s6 =	sshll.u32 s2, $0x4;
	s7 =	smov.u32 s2  }
.LBB2_8:
0xf9: {  	v4 =	vld [tilespmem:s4+$0x0];
	s7 =	sadd.s32 $0x1, s7  }
0xfa: {  	p3 =	slt.s32 s7, s20  }
.Ltmp11:
0xfb: {  	_ = 	snop;
	(pc) =	sbr.rel @p3 .LBB2_8-.Ltmp11, $3  }
0xfc: {  	_ =	sdelay $0x1  }
0xfd: {  	v5 =	vor.u32 s6, v1;
	vm1 =	vgt.f32 v4, v2  }
0xfe: {  	s4 =	sadd.s32 $0x10, s4;
	s6 =	sadd.s32 $0x10, s6;
	v2 =	vsel vm1, v4, v2;
	v3 =	vsel vm1, v5, v3  }
.LBB2_9:
0xff: {  	(xrf0) =	vmax.scan.msk.f32 $0xffff, v2  }
0x100: {  	p3 =	slt.s32 s19, $0x1  }
.Ltmp12:
0x101: {  	_ = 	snop;
	(pc) =	sbr.rel @p3 .LBB2_17-.Ltmp12, $2  }
0x102: {  	_ =	sdelay $0x2  }
0x103: {  	[tilespmem:$0xC800] =	vst v3;
	v4, _, _ =	vpop (xrf0)  }
0x104: {  	v8 =	vbroadcast v4, $0xF;
	_ =	sdelay $0x1  }
0x105: {  	vm1 =	veq.f32 v2, v8  }
0x106: {  	v2 =	vmctz.xlane vm1;
	_ =	sdelay $0x5  }
.Ltmp13:
0x107: {  	v3 =	vld.idx.msk [tilespmem:v2+s28+$0x0], $0xffff;
	v2 =	vmov s5;
	(pc) =	sbr.rel .LBB2_11-.Ltmp13, $2  }
0x108: {  	_ =	sdelay $0x2  }
0x109: {  	s4 =	simm.s32 $0x0  }
.LBB2_16:
0x10a: {  	(xrf0) =	vmax.scan.msk.f32 $0xffff, v10;
	_ =	sdelay $0x5  }
0x10b: {  	v3, _, _ =	vpop (xrf0)  }
0x10c: {  	v8 =	vbroadcast v3, $0xF;
	_ =	sdelay $0x1  }
0x10d: {  	vm1 =	veq.f32 v10, v8  }
0x10e: {  	s4 =	sadd.s32 $0x1, s4;
	v3 =	vmctz.xlane vm1  }
0x10f: {  	p3 =	sne.s32 s4, s19  }
.Ltmp14:
0x110: {  	_ = 	snop;
	(pc) =	sbr.rel @!p3 .LBB2_17-.Ltmp14, $3  }
0x111: {  	_ =	sdelay $0x1  }
0x112: {  	[tilespmem:$0xC800] =	vst v9  }
0x113: {  	v3 =	vld.idx.msk [tilespmem:v3+s28+$0x0], $0xffff  }
.LBB2_11:
0x114: {  	_ =	sdelay $0x7  }
0x115: {  	v4 =	vld.idx.msk [tilespmem:v3+s23+$0x0], $0xffff  }
0x116: {  	p3 =	slt.s32 s4, $0x6F;
	s5 =	smov.u32 s4;
	vm1 =	vgt.f32 v8, $0.0e+00;
	v5 =	vld.idx.msk [tilespmem:v3+s24+$0x0], $0xffff  }
0x117: {  	s5 =	simm.s32 @!p3 $0x6F;
	vm1 =	vmand vm1, vm0;
	v6 =	vld.idx.msk [tilespmem:v3+s25+$0x0], $0xffff  }
0x118: {  	v9 =	vmov s5;
	v7 =	vld.idx.msk [tilespmem:v3+s26+$0x0], $0xffff;
	_ =	sdelay $0x4  }
.Ltmp15:
0x119: {  	[tilespmem:v9+s29+$0x0] =	vst.idx.msk vm1, v8;
	v10 =	vsub.f32 v6, v4;
	v8 =	vsub.f32 v7, v5;
	(pc) =	sbr.rel @p1 .LBB2_12-.Ltmp15, $4  }
0x11a: {  	[tilespmem:v9+s30+$0x0] =	vst.idx.msk vm1, v4  }
0x11b: {  	[tilespmem:v9+s31+$0x0] =	vst.idx.msk vm1, v5;
	v10 =	vadd.f32 $1.000000000e+00, v10;
	v8 =	vadd.f32 $1.000000000e+00, v8  }
0x11c: {  	[tilespmem:v9+s0+$0x0] =	vst.idx.msk vm1, v6  }
0x11d: {  	[tilespmem:v9+s13+$0x0] =	vst.idx.msk vm1, v7;
	v8 =	vmul.f32 v8, v10  }
0x11e: {  	s10 =	simm.s32 $0x7820  }
0x11f: {  	s9 =	simm.s32 $0x8C20;
	v11 =	vld [tilespmem:s10+$0x10]  }
0x120: {  	s7 =	simm.s32 $0xA020;
	v12 =	vld [tilespmem:s9+$0x10]  }
0x121: {  	s8 =	simm.s32 $0xB420;
	v13 =	vld [tilespmem:s7+$0x10]  }
0x122: {  	v14 =	vld [tilespmem:s8+$0x10]  }
0x123: {  	v15 =	vld [tilespmem:s10+$0x0]  }
0x124: {  	v16 =	vld [tilespmem:s9+$0x0]  }
0x125: {  	v17 =	vld [tilespmem:s7+$0x0]  }
0x126: {  	v18 =	vld [tilespmem:s8+$0x0]  }
0x127: {  	v19 =	vld [tilespmem:s10+$0xFFFFFFF0]  }
0x128: {  	v20 =	vld [tilespmem:s9+$0xFFFFFFF0]  }
0x129: {  	v21 =	vld [tilespmem:s7+$0xFFFFFFF0]  }
0x12a: {  	v22 =	vld [tilespmem:s8+$0xFFFFFFF0]  }
0x12b: {  	v23 =	vld [tilespmem:s10+$0xFFFFFFE0]  }
0x12c: {  	v24 =	vld [tilespmem:s9+$0xFFFFFFE0]  }
0x12d: {  	v10 =	vimm.f32 $-1.000000020e+30;
	v25 =	vld [tilespmem:s7+$0xFFFFFFE0];
	v26 =	vsub.f32 v13, v11  }
0x12e: {  	v9 =	vimm.s32 $0x0;
	v28 =	vld [tilespmem:s8+$0xFFFFFFE0];
	v27 =	vsub.f32 v14, v12;
	v29 =	vsub.f32 v17, v15  }
0x12f: {  	v30 =	vsub.f32 v18, v16;
	v11 =	vmax.f32 v4, v11;
	v12 =	vmax.f32 v5, v12  }
0x130: {  	v31 =	vsub.f32 v21, v19;
	v13 =	vmin.f32 v6, v13;
	v14 =	vmin.f32 v7, v14  }
0x131: {  	v32 =	vsub.f32 v22, v20;
	v15 =	vmax.f32 v4, v15;
	v16 =	vmax.f32 v5, v16  }
0x132: {  	v33 =	vsub.f32 v25, v23;
	v17 =	vmin.f32 v6, v17;
	v18 =	vmin.f32 v7, v18  }
0x133: {  	v34 =	vsub.f32 v28, v24;
	v19 =	vmax.f32 v4, v19;
	v20 =	vmax.f32 v5, v20  }
0x134: {  	v23 =	vmax.f32 v4, v23;
	v21 =	vmin.f32 v6, v21;
	v22 =	vmin.f32 v7, v22  }
0x135: {  	v24 =	vmax.f32 v5, v24;
	v35 =	vsub.f32 v13, v11;
	v36 =	vsub.f32 v14, v12  }
0x136: {  	v11 =	vmin.f32 v6, v25;
	v15 =	vsub.f32 v17, v15;
	v16 =	vsub.f32 v18, v16  }
0x137: {  	s6 =	simm.s32 $0x0;
	v12 =	vmin.f32 v7, v28;
	v17 =	vsub.f32 v21, v19;
	v37 =	vsub.f32 v22, v20  }
0x138: {  	s14 =	simm.s32 $0x10;
	v13 =	vor.u32 s6, v1;
	v18 =	vsub.f32 v11, v23;
	v19 =	vsub.f32 v12, v24  }
0x139: {  	s12 =	simm.s32 $0x30;
	v14 =	vor.u32 s14, v1;
	v22 =	vadd.f32 $1.000000000e+00, v26;
	v23 =	vadd.f32 $1.000000000e+00, v27  }
0x13a: {  	s11 =	simm.s32 $0x20;
	v11 =	vor.u32 s12, v1;
	v27 =	vadd.f32 $1.000000000e+00, v29;
	v29 =	vadd.f32 $1.000000000e+00, v30  }
0x13b: {  	v12 =	vor.u32 s11, v1;
	v31 =	vadd.f32 $1.000000000e+00, v31;
	v32 =	vadd.f32 $1.000000000e+00, v32  }
0x13c: {  	p3 =	sgt.s32 s2, $0x4;
	v33 =	vadd.f32 $1.000000000e+00, v33;
	v34 =	vadd.f32 $1.000000000e+00, v34;
	vm3 =	veq.s32 v13, v3  }
.Ltmp16:
0x13d: {  	s5 =	simm.s32 $0x6420;
	vm4 =	veq.s32 v14, v3;
	v24 =	vadd.f32 $1.000000000e+00, v35;
	v21 =	vadd.f32 $1.000000000e+00, v36;
	(pc) =	sbr.rel @!p3 .LBB2_25-.Ltmp16, $4  }
0x13e: {  	vm1 =	veq.s32 v11, v3;
	v25 =	vadd.f32 $1.000000000e+00, v15;
	v20 =	vadd.f32 $1.000000000e+00, v16;
	v15 =	vld [tilespmem:s5+$0x10]  }
0x13f: {  	vm2 =	veq.s32 v12, v3;
	v26 =	vadd.f32 $1.000000000e+00, v17;
	v16 =	vld [tilespmem:s5+$0x0];
	v28 =	vadd.f32 $1.000000000e+00, v18  }
0x140: {  	v17 =	vld [tilespmem:s5+$0xFFFFFFF0];
	v30 =	vadd.f32 $1.000000000e+00, v19;
	v18 =	vmul.f32 v29, v27;
	v22 =	vmul.f32 v23, v22  }
0x141: {  	s10 =	simm.s32 $0x4;
	s11 =	simm.s32 $0x7860;
	v19 =	vld [tilespmem:s5+$0xFFFFFFE0];
	v27 =	vmul.f32 v34, v33;
	v23 =	vmul.f32 v32, v31;
	v29 =	vadd.f32 $1.000000000e+00, v37  }
.LBB2_24:
0x142: {  	v31 =	vld [tilespmem:s11+$0x10];
	v28 =	vmax.f32 v28, $0.0e+00;
	v30 =	vmax.f32 v30, $0.0e+00;
	v24 =	vmax.f32 v24, $0.0e+00;
	s9 =	sadd.s32 $0x40, s9  }
0x143: {  	v25 =	vmax.f32 v25, $0.0e+00;
	v21 =	vmax.f32 v21, $0.0e+00;
	s7 =	sadd.s32 $0x40, s7;
	v32 =	vld [tilespmem:s9+$0x10];
	v28 =	vmul.f32 v30, v28  }
0x144: {  	v26 =	vmax.f32 v26, $0.0e+00;
	v20 =	vmax.f32 v20, $0.0e+00;
	s8 =	sadd.s32 $0x40, s8;
	v29 =	vmax.f32 v29, $0.0e+00;
	v30 =	vld [tilespmem:s7+$0x10]  }
0x145: {  	v27 =	vadd.f32 v27, v8;
	v26 =	vmul.f32 v29, v26;
	v33 =	vld [tilespmem:s8+$0x10];
	v28 =	vmul.f32 $3.000000000e+00, v28  }
0x146: {  	v22 =	vadd.f32 v22, v8;
	v20 =	vmul.f32 v20, v25;
	v21 =	vmul.f32 v21, v24;
	v29 =	vld [tilespmem:s11+$0x0]  }
0x147: {  	v23 =	vadd.f32 v23, v8;
	v25 =	vmul.f32 $3.000000000e+00, v26;
	v24 =	vld [tilespmem:s9+$0x0];
	vm5 =	vgt.f32 v28, v27  }
0x148: {  	v18 =	vadd.f32 v18, v8;
	v20 =	vmul.f32 $3.000000000e+00, v20;
	v26 =	vld [tilespmem:s7+$0x0];
	vm3 =	vmor vm3, vm5  }
0x149: {  	v21 =	vmul.f32 $3.000000000e+00, v21;
	v27 =	vld [tilespmem:s8+$0x0];
	v19 =	vsel vm3, $0xF149F2CA, v19;
	vm3 =	vgt.f32 v25, v23  }
0x14a: {  	v23 =	vld [tilespmem:s11+$0xFFFFFFF0];
	[tilespmem:s5+$0xFFFFFFE0] =	vst v19;
	vm5 =	vgt.f32 v19, v10;
	vm3 =	vmor vm4, vm3;
	vm4 =	vgt.f32 v20, v18  }
0x14b: {  	v18 =	vld [tilespmem:s9+$0xFFFFFFF0];
	v10 =	vsel vm5, v19, v10;
	v9 =	vsel vm5, v13, v9;
	v13 =	vsel vm3, $0xF149F2CA, v17  }
0x14c: {  	vm2 =	vmor vm2, vm4;
	vm4 =	vgt.f32 v21, v22;
	v17 =	vld [tilespmem:s7+$0xFFFFFFF0];
	[tilespmem:s5+$0xFFFFFFF0] =	vst v13;
	vm3 =	vgt.f32 v13, v10  }
0x14d: {  	v19 =	vld [tilespmem:s8+$0xFFFFFFF0];
	v10 =	vsel vm3, v13, v10;
	v9 =	vsel vm3, v14, v9;
	v13 =	vsel vm2, $0xF149F2CA, v16  }
0x14e: {  	vm1 =	vmor vm1, vm4;
	v14 =	vld [tilespmem:s11+$0xFFFFFFE0];
	[tilespmem:s5+$0x0] =	vst v13;
	vm2 =	vgt.f32 v13, v10  }
0x14f: {  	v16 =	vld [tilespmem:s9+$0xFFFFFFE0];
	v10 =	vsel vm2, v13, v10;
	v9 =	vsel vm2, v12, v9;
	v12 =	vsel vm1, $0xF149F2CA, v15  }
0x150: {  	v20 =	vsub.f32 v33, v32;
	v15 =	vsub.f32 v30, v31;
	v13 =	vld [tilespmem:s7+$0xFFFFFFE0];
	[tilespmem:s5+$0x10] =	vst v12;
	vm1 =	vgt.f32 v12, v10  }
0x151: {  	v22 =	vsub.f32 v26, v29;
	v21 =	vld [tilespmem:s8+$0xFFFFFFE0];
	v10 =	vsel vm1, v12, v10;
	v9 =	vsel vm1, v11, v9  }
0x152: {  	v25 =	vmax.f32 v5, v32;
	v12 =	vsub.f32 v27, v24;
	v11 =	vmax.f32 v4, v31  }
0x153: {  	v30 =	vmin.f32 v6, v30;
	v28 =	vsub.f32 v17, v23;
	v31 =	vmin.f32 v7, v33  }
0x154: {  	v29 =	vmax.f32 v4, v29;
	v24 =	vmax.f32 v5, v24;
	v32 =	vsub.f32 v19, v18  }
0x155: {  	v26 =	vmin.f32 v6, v26;
	v27 =	vmin.f32 v7, v27;
	v33 =	vsub.f32 v13, v14  }
0x156: {  	v23 =	vmax.f32 v4, v23;
	v18 =	vmax.f32 v5, v18;
	v34 =	vsub.f32 v21, v16  }
0x157: {  	v17 =	vmin.f32 v6, v17;
	v19 =	vmin.f32 v7, v19;
	v14 =	vmax.f32 v4, v14  }
0x158: {  	v30 =	vsub.f32 v30, v11;
	v25 =	vsub.f32 v31, v25;
	v16 =	vmax.f32 v5, v16  }
0x159: {  	v26 =	vsub.f32 v26, v29;
	v27 =	vsub.f32 v27, v24;
	v11 =	vmin.f32 v6, v13  }
0x15a: {  	s6 =	sadd.s32 $0x40, s6;
	v17 =	vsub.f32 v17, v23;
	v29 =	vsub.f32 v19, v18;
	v13 =	vmin.f32 v7, v21  }
0x15b: {  	s10 =	sadd.s32 $0x4, s10;
	s12 =	sadd.s32 $0x30, s6;
	v18 =	vsub.f32 v11, v14;
	v19 =	vsub.f32 v13, v16;
	v13 =	vor.u32 s6, v1  }
0x15c: {  	s14 =	sadd.s32 $0x20, s6;
	p3 =	slt.s32 s10, s2;
	v23 =	vadd.f32 $1.000000000e+00, v15;
	v31 =	vadd.f32 $1.000000000e+00, v20;
	v11 =	vor.u32 s12, v1  }
0x15d: {  	v22 =	vadd.f32 $1.000000000e+00, v22;
	v35 =	vadd.f32 $1.000000000e+00, v12;
	v12 =	vor.u32 s14, v1;
	s12 =	sadd.s32 $0x10, s6  }
0x15e: {  	v36 =	vadd.f32 $1.000000000e+00, v28;
	v32 =	vadd.f32 $1.000000000e+00, v32;
	v14 =	vor.u32 s12, v1  }
0x15f: {  	v33 =	vadd.f32 $1.000000000e+00, v33;
	v34 =	vadd.f32 $1.000000000e+00, v34;
	vm3 =	veq.s32 v13, v3  }
.Ltmp17:
0x160: {  	s5 =	sadd.s32 $0x40, s5;
	v24 =	vadd.f32 $1.000000000e+00, v30;
	v21 =	vadd.f32 $1.000000000e+00, v25;
	vm1 =	veq.s32 v11, v3;
	(pc) =	sbr.rel @p3 .LBB2_24-.Ltmp17, $4  }
0x161: {  	v20 =	vadd.f32 $1.000000000e+00, v27;
	vm2 =	veq.s32 v12, v3;
	v25 =	vadd.f32 $1.000000000e+00, v26;
	v15 =	vld [tilespmem:s5+$0x10]  }
0x162: {  	v26 =	vadd.f32 $1.000000000e+00, v17;
	v28 =	vadd.f32 $1.000000000e+00, v18;
	vm4 =	veq.s32 v14, v3;
	v16 =	vld [tilespmem:s5+$0x0]  }
0x163: {  	v18 =	vmul.f32 v35, v22;
	v22 =	vmul.f32 v31, v23;
	v30 =	vadd.f32 $1.000000000e+00, v19;
	v17 =	vld [tilespmem:s5+$0xFFFFFFF0]  }
0x164: {  	s11 =	sadd.s32 $0x40, s11;
	v29 =	vadd.f32 $1.000000000e+00, v29;
	v23 =	vmul.f32 v32, v36;
	v27 =	vmul.f32 v34, v33;
	v19 =	vld [tilespmem:s5+$0xFFFFFFE0]  }
.LBB2_25:
0x165: {  	v28 =	vmax.f32 v28, $0.0e+00;
	v30 =	vmax.f32 v30, $0.0e+00  }
0x166: {  	v24 =	vmax.f32 v24, $0.0e+00;
	v25 =	vmax.f32 v25, $0.0e+00;
	v28 =	vmul.f32 v30, v28  }
0x167: {  	v26 =	vmax.f32 v26, $0.0e+00;
	v20 =	vmax.f32 v20, $0.0e+00;
	v29 =	vmax.f32 v29, $0.0e+00  }
0x168: {  	v27 =	vadd.f32 v27, v8;
	v26 =	vmul.f32 v29, v26;
	v28 =	vmul.f32 $3.000000000e+00, v28  }
0x169: {  	v21 =	vmax.f32 v21, $0.0e+00;
	v22 =	vadd.f32 v22, v8;
	v20 =	vmul.f32 v20, v25  }
0x16a: {  	v23 =	vadd.f32 v23, v8;
	v62 =	vmul.f32 $3.000000000e+00, v26;
	vm5 =	vgt.f32 v28, v27  }
0x16b: {  	v18 =	vadd.f32 v18, v8;
	v21 =	vmul.f32 v21, v24;
	vm3 =	vmor vm3, vm5  }
0x16c: {  	v20 =	vmul.f32 $3.000000000e+00, v20;
	v19 =	vsel vm3, $0xF149F2CA, v19;
	vm3 =	vgt.f32 v62, v23  }
0x16d: {  	v21 =	vmul.f32 $3.000000000e+00, v21;
	vm13 =	vgt.f32 v19, v10;
	vm3 =	vmor vm4, vm3  }
0x16e: {  	vm14 =	vgt.f32 v20, v18;
	v10 =	vsel vm13, v19, v10;
	v17 =	vsel vm3, $0xF149F2CA, v17  }
0x16f: {  	vm2 =	vmor vm2, vm14;
	vm3 =	vgt.f32 v17, v10  }
.Ltmp18:
0x170: {  	vm15 =	vgt.f32 v21, v22;
	v16 =	vsel vm2, $0xF149F2CA, v16;
	v10 =	vsel vm3, v17, v10;
	(pc) =	sbr.rel .LBB2_13-.Ltmp18, $4  }
0x171: {  	vm1 =	vmor vm1, vm15;
	[tilespmem:s5+$0xFFFFFFE0] =	vst v19;
	v9 =	vsel vm13, v13, v9;
	vm2 =	vgt.f32 v16, v10  }
0x172: {  	v63 =	vsel vm1, $0xF149F2CA, v15;
	[tilespmem:s5+$0x0] =	vst v16;
	v9 =	vsel vm3, v14, v9;
	v10 =	vsel vm2, v16, v10  }
0x173: {  	[tilespmem:s5+$0x10] =	vst v63;
	v9 =	vsel vm2, v12, v9;
	vm1 =	vgt.f32 v63, v10  }
0x174: {  	[tilespmem:s5+$0xFFFFFFF0] =	vst v17;
	v10 =	vsel vm1, v63, v10;
	v9 =	vsel vm1, v11, v9  }
.LBB2_12:
0x175: {  	v9 =	vimm.s32 $0x0;
	v10 =	vimm.f32 $-1.000000020e+30  }
.LBB2_13:
.Ltmp19:
0x176: {  	(pc) =	sbr.rel @p2 .LBB2_16-.Ltmp19, $1  }
0x177: {  	_ =	sdelay $0x3  }
0x178: {  	s5 =	simm.s32 $0x6400  }
0x179: {  	s6 =	simm.s32 $0x7800;
	s7 =	simm.s32 $0x8C00;
	s8 =	simm.s32 $0xA000  }
0x17a: {  	s9 =	simm.s32 $0xB400;
	s10 =	smov.u32 s3;
	s11 =	smov.u32 s2  }
.LBB2_15:
0x17b: {  	v11 =	vld.idx.msk [tilespmem:v2+s6+$0x0 ss:$0x1], $0xffff  }
0x17c: {  	v12 =	vld.idx.msk [tilespmem:v2+s7+$0x0 ss:$0x1], $0xffff  }
0x17d: {  	v13 =	vld.idx.msk [tilespmem:v2+s8+$0x0 ss:$0x1], $0xffff  }
0x17e: {  	v14 =	vld.idx.msk [tilespmem:v2+s9+$0x0 ss:$0x1], $0xffff;
	_ =	sdelay $0x3  }
0x17f: {  	v15 =	vmax.f32 v4, v11  }
0x180: {  	v16 =	vmax.f32 v5, v12;
	v17 =	vmin.f32 v6, v13;
	v18 =	vmin.f32 v7, v14  }
0x181: {  	v15 =	vsub.f32 v17, v15;
	v16 =	vsub.f32 v18, v16  }
0x182: {  	v11 =	vsub.f32 v13, v11;
	v12 =	vsub.f32 v14, v12  }
0x183: {  	v59 =	vadd.f32 $1.000000000e+00, v15;
	v60 =	vadd.f32 $1.000000000e+00, v16  }
0x184: {  	v11 =	vadd.f32 $1.000000000e+00, v11;
	v12 =	vadd.f32 $1.000000000e+00, v12  }
0x185: {  	v13 =	vmax.f32 v59, $0.0e+00;
	v14 =	vmax.f32 v60, $0.0e+00  }
0x186: {  	v11 =	vmul.f32 v12, v11;
	v61 =	vmul.f32 v14, v13  }
0x187: {  	v62 =	vld.idx.msk [tilespmem:v2+s5+$0x0 ss:$0x1], $0xffff  }
0x188: {  	s11 =	sadd.s32 $0x1, s11;
	v11 =	vadd.f32 v11, v8;
	v12 =	vmul.f32 $3.000000000e+00, v61  }
0x189: {  	v63 =	vor.u32 s10, v1;
	p3 =	slt.s32 s11, s20  }
.Ltmp20:
0x18a: {  	vm2 =	veq.s32 v63, v3;
	vm1 =	vgt.f32 v12, v11;
	(pc) =	sbr.rel @p3 .LBB2_15-.Ltmp20, $4  }
0x18b: {  	vm1 =	vmor vm2, vm1  }
0x18c: {  	v11 =	vsel vm1, $0xF149F2CA, v62  }
0x18d: {  	s6 =	sadd.s32 $0x10, s6;
	s7 =	sadd.s32 $0x10, s7;
	s8 =	sadd.s32 $0x10, s8;
	vm1 =	vgt.f32 v11, v10  }
0x18e: {  	s9 =	sadd.s32 $0x10, s9;
	s10 =	sadd.s32 $0x10, s10;
	[tilespmem:v2+s5+$0x0 ss:$0x1] =	vst.idx.msk $0xffff, v11;
	s5 =	sadd.s32 $0x10, s5;
	v10 =	vsel vm1, v11, v10;
	v9 =	vsel vm1, v63, v9  }
.Ltmp21:
0x18f: {  	_ = 	snop;
	(pc) =	sbr.rel .LBB2_16-.Ltmp21, $1  }
0x190: {  	_ =	sdelay $0x3  }
.LBB2_19:
0x191: {  	_ =	sfence.sel $0x180000  }
0x192: {  	[bflag:$0x0] =	sbarrier.arrive $0xFFFF  }
0x193: {  	_ =	strace $0x90000047  }
0x194: {  	[bflag:$0x2] =	sbarrier.arrive $0xFFFF  }
0x195: {  	s0 =	rddreg [dreg:$0x1]  }
0x196: {  	s0 =	sadd.s32 @!p0 $0x100000, s0  }
0x197: {  	[sflag:s0] =	ssyncadd.tile.s32 @!p0 $0x1;
	_ =	shalt  }
.Lfunc_end2:
_tile_overlayer_lowered:
.L_overlay_start_2:
0x198: {  	(tag) =	ssettag $0x2  }
0x199: {  	s0 =	rddreg [dreg:$0x0];
	s2 =	stileid.u32  }
0x19a: {  	s1 =	rddreg [dreg:$0x1];
	p0 =	sne.s32 s2, $0x0  }
0x19b: {  	s3 =	rddreg [dreg:$0x2];
	[bflag:$0x3] =	sbarrier.arrive $0xFFFF;
	s2 =	simm.s32 @!p0 $0x1C02  }
0x19c: {  	[timem:s3], [sflag:s2] =	dma.local @!p0 [hbm:s0], s1  }
0x19d: {  	s0 =	simm.s32 @!p0 $0x2  }
0x19e: {  	_ =	swait.ge @!p0 [sflag:s0], s1  }
0x19f: {  	s1 =	ssub.s32 @!p0 $0x0, s1;
	[sflag:s0] =	ssyncset.done @!p0 $0x0  }
0x1a0: {  	[sflag:s0] =	ssyncadd.s32 @!p0 s1  }
0x1a1: {  	[bflag:$0x3] =	sbarrier.arrive $0xFFFF  }
0x1a2: {  	_ =	shalt  }

// kernel: kernel.8.cloned.1.call-start
scs
__scs_entry_jumppad:
0x0: {  	(pc) =	sbr.rel $0x88, $3  }
0x1: {  	(tag) =	ssettag $0x0;
	lr =	simm.s32 $0x1  }
0x2: {  	[smem:$0x3F9E] =	sst lr;
	_ =	strace $0xD0000000  }
0x3: {  	_ = 	snop  }
0x4: {  	_ = 	snop  }
0x5: {  	_ = 	snop  }
0x6: {  	_ = 	snop  }
0x7: {  	_ = 	snop  }
__scs_overlays_trampoline_lowered:
0x8: {  	[smem:$0x3FAD] =	sst s0  }
0x9: {  	[smem:$0x3FAE] =	sst s1  }
0xa: {  	[smem:$0x3FAF] =	sst s2  }
0xb: {  	[smem:$0x3FB0] =	sst s3  }
0xc: {  	[smem:$0x3FB1] =	sst s4  }
0xd: {  	[smem:$0x3FB2] =	sst s5  }
0xe: {  	[smem:$0x3FB3] =	sst s6  }
0xf: {  	[smem:$0x3FB4] =	sst s7  }
0x10: {  	[smem:$0x3FB5] =	sst s8  }
0x11: {  	[smem:$0x3FB6] =	sst s9;
	s0 =	simm.s32 @!p0 $0x0  }
0x12: {  	s1 =	sld [smem:$0x3F9C];
	s0 =	simm.s32 @p0 $0x1  }
0x13: {  	[smem:$0x3FB7] =	sst s0;
	s0 =	simm.s32 @!p1 $0x0  }
0x14: {  	s2 =	sld [smem:$0x3F9B];
	s0 =	simm.s32 @p1 $0x1  }
0x15: {  	[smem:$0x3FB8] =	sst s0;
	s0 =	simm.s32 @!p2 $0x0  }
0x16: {  	s3 =	sld [smem:$0x3FDB];
	s0 =	simm.s32 @p2 $0x1  }
0x17: {  	s4 =	simm.s32 $0x1BF5;
	[smem:$0x3FBA] =	sst s0  }
0x18: {  	s0 =	sld [smem:$0x3F9D];
	_ =	swait.ge [sflag:s4], $0x0  }
0x19: {  	s7 =	sld [smem:$0x3F9E]  }
0x1a: {  	s8 =	sadd.s32 $0xFFFFE003, lr  }
0x1b: {  	s9 =	sadd.s32 $0xFFFFFEF7, lr;
	s5 =	simm.s32 $0xFFFFFFFF;
	p2 =	slt.u32 s8, $0xFFFFF086  }
0x1c: {  	p1 =	slt.u32 s9, $0xF7A;
	s5 =	simm.s32 @!p2 $0x0  }
0x1d: {  	s5 =	simm.s32 @p1 $0x1;
	p0 =	seq.s32 s7, s2  }
0x1e: {  	s7 =	smul.u32 @!p0 $0xF7A, s2;
	p2 =	seq.s32 @!p0 s5, $0x0  }
0x1f: {  	s9 =	smul.u32 $0xF7A, s1;
	s8 =	simm.s32 @!p0 $0x1BF5;
	p2 =	por !p2, p0  }
0x20: {  	[sflag:s8] =	ssyncset.s32 @!p0 $0xFFFFF086;
	s6 =	sadd.s32 @!p0 s3, s7;
	s7 =	simm.s32 @!p0 $0x108  }
0x21: {  	s3 =	sadd.s32 s3, s9;
	s6 =	sadd.s32 @!p0 $0x88, s6;
	s7 =	simm.s32 @p2 $0x1082  }
0x22: {  	[simem:s7], [sflag:s8] =	dma.local @!p0 [hbm:s6], $0xF7A  }
0x23: {  	s9 =	sor.u32 $0xD0000000, s2;
	s6 =	simm.s32 $0x108;
	_ =	swait.ge @!p0 [sflag:s8], $0x0  }
0x24: {  	s3 =	sadd.s32 $0x88, s3;
	s6 =	simm.s32 @!p1 $0x1082;
	[sflag:s4] =	ssyncset.s32 $0xFFFFF086  }
0x25: {  	[simem:s6], [sflag:s4] =	dma.local [hbm:s3], $0xF7A  }
0x26: {  	[smem:$0x3F9E] =	sst s1;
	(tag) =	ssettag s2;
	_ =	strace s9  }
0x27: {  	s1 =	sld [smem:$0x3FAE]  }
0x28: {  	s2 =	sld [smem:$0x3FAF]  }
0x29: {  	s4 =	sld [smem:$0x3FB1]  }
0x2a: {  	p0 =	seq.s32 s5, $0x0;
	s5 =	sld [smem:$0x3FB2]  }
0x2b: {  	s6 =	sld [smem:$0x3FB3]  }
0x2c: {  	s7 =	sld [smem:$0x3FB4]  }
0x2d: {  	s3 =	simm.s32 $0x108;
	s8 =	sld [smem:$0x3FB5]  }
0x2e: {  	s3 =	simm.s32 @!p0 $0x1082;
	s9 =	sld [smem:$0x3FB6]  }
0x2f: {  	lr =	sadd.s32 s0, s3;
	s0 =	sld [smem:$0x3FAD]  }
0x30: {  	s3 =	sld [smem:$0x3FB0]  }
0x31: {  	[smem:$0x3FB9] =	sst s10  }
0x32: {  	s10 =	sld [smem:$0x3FB7];
	_ =	sdelay $0x3  }
0x33: {  	p0 =	seq.s32 s10, $0x1;
	s10 =	sld [smem:$0x3FB9];
	_ =	sdelay $0x3  }
0x34: {  	[smem:$0x3FB9] =	sst s10  }
0x35: {  	s10 =	sld [smem:$0x3FB8];
	_ =	sdelay $0x3  }
0x36: {  	p1 =	seq.s32 s10, $0x1;
	s10 =	sld [smem:$0x3FB9];
	_ =	sdelay $0x3  }
0x37: {  	[smem:$0x3FB9] =	sst s10  }
0x38: {  	s10 =	sld [smem:$0x3FBA]  }
0x39: {  	_ = 	snop;
	(pc) =	sbr.ind lr, $3  }
0x3a: {  	_ = 	snop  }
0x3b: {  	_ = 	snop  }
0x3c: {  	p2 =	seq.s32 s10, $0x1;
	s10 =	sld [smem:$0x3FB9]  }
0x3d: {  	_ =	shalt  }
0x3e: {  	_ =	shalt  }
0x3f: {  	_ =	shalt  }
0x40: {  	_ =	shalt  }
0x41: {  	_ =	shalt  }
0x42: {  	_ =	shalt  }
0x43: {  	_ =	shalt  }
0x44: {  	_ =	shalt  }
0x45: {  	_ =	shalt  }
0x46: {  	_ =	shalt  }
0x47: {  	_ =	shalt  }
0x48: {  	_ =	shalt  }
0x49: {  	_ =	shalt  }
0x4a: {  	_ =	shalt  }
0x4b: {  	_ =	shalt  }
0x4c: {  	_ =	shalt  }
0x4d: {  	_ =	shalt  }
0x4e: {  	_ =	shalt  }
0x4f: {  	_ =	shalt  }
0x50: {  	_ =	shalt  }
0x51: {  	_ =	shalt  }
0x52: {  	_ =	shalt  }
0x53: {  	_ =	shalt  }
0x54: {  	_ =	shalt  }
0x55: {  	_ =	shalt  }
0x56: {  	_ =	shalt  }
0x57: {  	_ =	shalt  }
0x58: {  	_ =	shalt  }
0x59: {  	_ =	shalt  }
0x5a: {  	_ =	shalt  }
0x5b: {  	_ =	shalt  }
0x5c: {  	_ =	shalt  }
0x5d: {  	_ =	shalt  }
0x5e: {  	_ =	shalt  }
0x5f: {  	_ =	shalt  }
0x60: {  	_ =	shalt  }
0x61: {  	_ =	shalt  }
0x62: {  	_ =	shalt  }
0x63: {  	_ =	shalt  }
0x64: {  	_ =	shalt  }
0x65: {  	_ =	shalt  }
0x66: {  	_ =	shalt  }
0x67: {  	_ =	shalt  }
0x68: {  	_ =	shalt  }
0x69: {  	_ =	shalt  }
0x6a: {  	_ =	shalt  }
0x6b: {  	_ =	shalt  }
0x6c: {  	_ =	shalt  }
0x6d: {  	_ =	shalt  }
0x6e: {  	_ =	shalt  }
0x6f: {  	_ =	shalt  }
0x70: {  	_ =	shalt  }
0x71: {  	_ =	shalt  }
0x72: {  	_ =	shalt  }
0x73: {  	_ =	shalt  }
0x74: {  	_ =	shalt  }
0x75: {  	_ =	shalt  }
0x76: {  	_ =	shalt  }
0x77: {  	_ =	shalt  }
0x78: {  	_ =	shalt  }
0x79: {  	_ =	shalt  }
0x7a: {  	_ =	shalt  }
0x7b: {  	_ =	shalt  }
0x7c: {  	_ =	shalt  }
0x7d: {  	_ =	shalt  }
0x7e: {  	_ =	shalt  }
0x7f: {  	_ =	shalt  }
0x80: {  	_ =	shalt  }
0x81: {  	_ =	shalt  }
0x82: {  	_ =	shalt  }
0x83: {  	_ =	shalt  }
0x84: {  	_ =	shalt  }
0x85: {  	_ =	shalt  }
0x86: {  	_ =	shalt  }
0x87: {  	_ =	shalt  }
.Lfunc_end0:
.L_simem_size_0:
called_computation.1_lowered:
.L_overlay_start_0:
0x88: {  	s2 =	sld [smem:$0x3FD9]  }
0x89: {  	s3 =	sld [smem:$0x3FFE];
	_ =	sdelay $0x1  }
0x8a: {  	s1 =	srdreg.scid  }
0x8b: {  	s0 =	sand.u32 $0x1, s1  }
0x8c: {  	s14 =	sshll.u32 s0, $0xA;
	s2 =	sadd.s32 s3, s2  }
0x8d: {  	s2 =	sadd.s32 s2, s14  }
0x8e: {  	[smem:$0x3FC5] =	sst s2  }
0x8f: {  	_ = 	snop  }
0x90: {  	s2 =	sld [smem:$0x3FD0];
	_ =	sdelay $0x2  }
0x91: {  	s15 =	simm.s32 $0xA;
	s4 =	simm.s32 $0x10  }
0x92: {  	[smem:s4], [sflag:s15] =	dma.local [hbm:s2], $0x1  }
0x93: {  	_ =	swait.eq [sflag:s15], $0x1  }
0x94: {  	s16 =	sld [smem:$0x10];
	[sflag:s15] =	ssyncset.done $0x0  }
0x95: {  	s17 =	sld [smem:$0x11];
	[sflag:s15] =	ssyncadd.s32 $0xFFFFFFFF  }
0x96: {  	s18 =	sld [smem:$0x12];
	(tm) =	ssettm $0x1  }
0x97: {  	s5 =	sld [smem:$0x3FFB];
	_ =	sdelay $0x3  }
0x98: {  	_ =	strace s5  }
0x99: {  	s5 =	sld [smem:$0x3FFC];
	_ =	sdelay $0x3  }
0x9a: {  	_ =	strace s5  }
0x9b: {  	s5 =	sld [smem:$0x3FFD];
	_ =	sdelay $0x3  }
0x9c: {  	_ =	strace s5  }
0x9d: {  	_ =	strace $0x8FFFFFFF  }
0x9e: {  	s19 =	sld [smem:$0x3FDB];
	_ =	sdelay $0x1  }
0x9f: {  	s6 =	simm.s32 $_scs_section_size  }
0xa0: {  	s7 =	simm.s32 $_size__tile_overlayer_lowered;
	s8 =	simm.s32 $_tile_overlayer_lowered  }
0xa1: {  	s22 =	simm.s32 $0x1BFF;
	s21 =	sshll.u32 s8, $0x1;
	s5 =	sadd.s32 s6, s19  }
0xa2: {  	s9 =	simm.s32 $0x0;
	s20 =	sshll.u32 s7, $0x1;
	s7 =	sadd.s32 s21, s5  }
0xa3: {  	[timem:s9], [sflag:s22] =	dma.local [hbm:s7], s20  }
0xa4: {  	_ =	swait.ge [sflag:s22], s20  }
0xa5: {  	s6 =	ssub.s32 $0x0, s20;
	[sflag:s22] =	ssyncset.done $0x0  }
0xa6: {  	[sflag:s22] =	ssyncadd.s32 s6;
	_ =	sdelay $0x1  }
0xa7: {  	s23 =	simm.s32 $0x1B8B  }
0xa8: {  	_ =	swait.ge [sflag:s23], $0x1  }
0xa9: {  	[sflag:s23] =	ssyncset.done $0x0  }
0xaa: {  	s25 =	simm.s32 $0x1B8E;
	s24 =	sld [smem:$0x3FFE];
	[sflag:s23] =	ssyncadd.s32 $0xFFFFFFFF  }
0xab: {  	s26 =	simm.s32 $execute0_lowered;
	[smem:$0x3FD2] =	sst s25  }
0xac: {  	s7 =	sshll.u32 s26, $0x1;
	_ =	strace $0x80000049;
	[dreg:$0x1] =	wrdreg $0xFFFFFFFF  }
0xad: {  	s28 =	simm.s32 $_size_execute0_lowered;
	s5 =	sadd.s32 s5, s7;
	[dreg:$0x0] =	wrdreg $0x0  }
0xae: {  	s7 =	sshll.u32 s28, $0x1;
	[dreg:$0x2] =	wrdreg s5  }
0xaf: {  	[dreg:$0x3] =	wrdreg s7  }
0xb0: {  	[dreg:$0x4] =	wrdreg $0xC0  }
0xb1: {  	_ =	task [dreg:s9], $0x5FFFF  }
0xb2: {  	[dreg:$0x1] =	wrdreg $0xFFFFFFFF  }
0xb3: {  	[dreg:$0x0] =	wrdreg $0x60  }
0xb4: {  	[dreg:$0x2] =	wrdreg s24  }
0xb5: {  	[dreg:$0x3] =	wrdreg s16  }
0xb6: {  	[dreg:$0x4] =	wrdreg s17  }
0xb7: {  	[dreg:$0x5] =	wrdreg s18  }
0xb8: {  	[dreg:$0x6] =	wrdreg $0x9  }
0xb9: {  	_ =	task.clear_ibuf [dreg:s9], $0x7FFFF;
	_ =	strace $0x90000049  }
0xba: {  	s29 =	simm.s32 $0x9;
	_ =	strace $0x8000004B  }
0xbb: {  	_ =	swait.ge [sflag:s29], $0x1  }
0xbc: {  	[sflag:s29] =	ssyncadd.s32 $0xFFFFFFFF  }
0xbd: {  	_ =	strace $0x9000004B  }
0xbe: {  	_ =	sfence  }
0xbf: {  	s30 =	sld [smem:$0x0];
	_ =	sdelay $0x2  }
0xc0: {  	s31 =	sshll.u32 s1, $0xD;
	s1 =	sshrl.u32 s1, $0x2  }
0xc1: {  	s3 =	sand.u32 $0x4000, s31;
	s1 =	sadd.s32 s1, s30  }
0xc2: {  	s0 =	sor.u32 s3, s0;
	s1 =	sshll.u32 s1, $0x11  }
0xc3: {  	s0 =	sor.u32 s1, s0  }
0xc4: {  	s0 =	sadd.s32 $0x8F2B, s0  }
0xc5: {  	[sflag:s0] =	ssyncadd.remote.s32 $0x1  }
0xc6: {  	_ =	sfence.sel $0xFFFF  }
0xc7: {  	[dreg:$0x0] =	wrdreg $0xFFFFFFFF;
	(pc) =	sbr.abs _section_cstart, $3  }
0xc8: {  	[dreg:$0x1] =	wrdreg $0xFFFFFFFF  }
0xc9: {  	_ =	task.clear_ibuf [dreg:s9], $0x2FFFF;
	_ =	strace $0x9FFFFFFF  }
0xca: {  	(tm) =	ssettm $0x7FFFFFFF  }
0xcb: {  	_ =	shalt  }
tec
execute0_lowered:
.L_overlay_start_1:
0x0: {  	(tag) =	ssettag $0x1  }
0x1: {  	s3 =	srdreg.scid  }
0x2: {  	s12 =	sand.u32 $0x1, s3;
	s3 =	stileid.u32  }
0x3: {  	s6 =	sshll.u32 s3, $0x1;
	s7 =	ssub.s32 $0x0, s12  }
0x4: {  	s15 =	rddreg [dreg:$0x0];
	p0 =	sne.s32 s6, s7  }
.Ltmp0:
0x5: {  	s1 =	rddreg [dreg:$0x1];
	(pc) =	sbr.rel @p0 .LBB2_5-.Ltmp0, $4  }
0x6: {  	s2 =	rddreg [dreg:$0x2]  }
0x7: {  	s4 =	rddreg [dreg:$0x3];
	s5 =	simm.s32 $0x0  }
0x8: {  	[smem:$0x7FF] =	sst s5  }
0x9: {  	s0 =	rddreg [dreg:$0x4];
	_ =	strace $0x8000004A  }
0xa: {  	s6 =	sadd.s32 $0x40600, s15  }
0xb: {  	s7 =	sadd.s32 $0x40C00, s15;
	s8 =	sadd.s32 $0x41200, s15;
	s9 =	sadd.s32 $0x41800, s15  }
0xc: {  	s10 =	sadd.s32 $0x41E00, s15;
	s11 =	sadd.s32 $0x1E00, s15;
	s16 =	ssub.s32 $0x2, s12  }
0xd: {  	s12 =	sadd.s32 $0xE600, s15;
	s13 =	sadd.s32 $0x1AE00, s15;
	s14 =	sadd.s32 $0x27600, s15  }
0xe: {  	v0 =	vlaneseq.u32;
	s15 =	sadd.s32 $0x33E00, s15;
	s18 =	simm.s32 $0x2800;
	s19 =	simm.s32 $0x5000  }
0xf: {  	s20 =	simm.s32 $0x7800;
	s21 =	simm.s32 $0xA000;
	s22 =	simm.s32 $0xC880;
	v1 =	vmul.u32 $0x80, v0  }
0x10: {  	v2 =	vimm.s32 $0x0;
	s23 =	simm.s32 $0xC800;
	s24 =	simm.s32 $0xCB80;
	vm0 =	vmmov $0x1;
	s17 =	sshrl.u32 s16, $0x1  }
0x11: {  	s25 =	simm.s32 $0xCC00;
	vm1 =	vcmask $0x3F0C;
	vm2 =	vcmask $0x3F08;
	s26 =	simm.s32 $0xC980;
	s16 =	ssub.s32 s16, s17;
	v3 =	vor.u32 $0x800, v1  }
0x12: {  	s28 =	simm.s32 $0x0;
	s17 =	simm.s32 $0x1;
	s16 =	smax.u32 s16, $0x1;
	v4 =	vor.u32 $0x1000, v1;
	v5 =	vor.u32 $0x1800, v1;
	v6 =	vor.u32 $0x2000, v1  }
.LBB2_2:
0x13: {  	s29 =	simm.s32 $0x0  }
0x14: {  	[tilespmem:s29], [sflag:$0x1] =	stream.linear.gather [hbm4b:s6+s29], $0x2800, $0x38;
	[tilespmem:$0xCC80] =	vst v63  }
0x15: {  	_ =	swait.ge [sflag:s17], $0x2800  }
0x16: {  	[sflag:s17] =	ssyncset.done $0x0  }
0x17: {  	[sflag:s17] =	ssyncadd.s32 $0xFFFFD800  }
0x18: {  	[tilespmem:s18], [sflag:$0x1] =	stream.linear.gather [hbm4b:s7+s29], $0x2800, $0x38;
	[tilespmem:$0xCC80] =	vst v63  }
0x19: {  	_ =	swait.ge [sflag:s17], $0x2800  }
0x1a: {  	[sflag:s17] =	ssyncset.done $0x0  }
0x1b: {  	[sflag:s17] =	ssyncadd.s32 $0xFFFFD800  }
0x1c: {  	[tilespmem:s19], [sflag:$0x1] =	stream.linear.gather [hbm4b:s8+s29], $0x2800, $0x38;
	[tilespmem:$0xCC80] =	vst v63  }
0x1d: {  	_ =	swait.ge [sflag:s17], $0x2800  }
0x1e: {  	[sflag:s17] =	ssyncset.done $0x0  }
0x1f: {  	[sflag:s17] =	ssyncadd.s32 $0xFFFFD800  }
0x20: {  	[tilespmem:s20], [sflag:$0x1] =	stream.linear.gather [hbm4b:s9+s29], $0x2800, $0x38;
	[tilespmem:$0xCC80] =	vst v63  }
0x21: {  	_ =	swait.ge [sflag:s17], $0x2800  }
0x22: {  	[sflag:s17] =	ssyncset.done $0x0  }
0x23: {  	[sflag:s17] =	ssyncadd.s32 $0xFFFFD800  }
0x24: {  	[tilespmem:s21], [sflag:$0x1] =	stream.linear.gather [hbm4b:s10+s29], $0x2800, $0x38;
	[tilespmem:$0xCC80] =	vst v63  }
0x25: {  	_ =	swait.ge [sflag:s17], $0x2800  }
0x26: {  	[sflag:s17] =	ssyncset.done $0x0  }
0x27: {  	[sflag:s17] =	ssyncadd.s32 $0xFFFFD800  }
0x28: {  	[tilespmem:s22], [sflag:$0x1] =	stream.linear.gather [hbm4b:s11+s29], $0x10, $0x38;
	[tilespmem:$0xCC80] =	vst v63  }
0x29: {  	_ =	swait.ge [sflag:s17], $0x10  }
0x2a: {  	[sflag:s17] =	ssyncset.done $0x0  }
0x2b: {  	[sflag:s17] =	ssyncadd.s32 $0xFFFFFFF0  }
0x2c: {  	v7 =	vld.msk [tilespmem:s22+$0x0], $0xffff;
	[tilespmem:s22], [sflag:$0x1] =	stream.linear.gather [hbm4b:s12+s29], $0x10, $0x38  }
0x2d: {  	_ =	swait.ge [sflag:s17], $0x10  }
0x2e: {  	[sflag:s17] =	ssyncset.done $0x0  }
0x2f: {  	[sflag:s17] =	ssyncadd.s32 $0xFFFFFFF0  }
0x30: {  	v8 =	vld.msk [tilespmem:s22+$0x0], $0xffff;
	[tilespmem:s22], [sflag:$0x1] =	stream.linear.gather [hbm4b:s13+s29], $0x10, $0x38  }
0x31: {  	_ =	swait.ge [sflag:s17], $0x10  }
0x32: {  	[sflag:s17] =	ssyncset.done $0x0  }
0x33: {  	[sflag:s17] =	ssyncadd.s32 $0xFFFFFFF0  }
0x34: {  	v9 =	vld.msk [tilespmem:s22+$0x0], $0xffff;
	[tilespmem:s22], [sflag:$0x1] =	stream.linear.gather [hbm4b:s14+s29], $0x10, $0x38  }
0x35: {  	_ =	swait.ge [sflag:s17], $0x10  }
0x36: {  	[sflag:s17] =	ssyncset.done $0x0  }
0x37: {  	[sflag:s17] =	ssyncadd.s32 $0xFFFFFFF0  }
0x38: {  	v10 =	vld.msk [tilespmem:s22+$0x0], $0xffff;
	[tilespmem:s22], [sflag:$0x1] =	stream.linear.gather [hbm4b:s15+s29], $0x10, $0x38  }
0x39: {  	_ =	swait.ge [sflag:s17], $0x10  }
0x3a: {  	[sflag:s17] =	ssyncset.done $0x0  }
0x3b: {  	[sflag:s17] =	ssyncadd.s32 $0xFFFFFFF0  }
0x3c: {  	v11 =	vld.idx.msk [tilespmem:v1+s29+$0x0], $0xffff;
	_ =	sdelay $0x4  }
0x3d: {  	v12 =	vld.msk [tilespmem:s22+$0x0], $0xffff;
	[tilespmem:$0xC900] =	vst v11  }
0x3e: {  	v13 =	vld.idx.msk [tilespmem:v3+s29+$0x0], $0xffff;
	_ =	sdelay $0x4  }
0x3f: {  	[tilespmem:$0xC910] =	vst v13  }
0x40: {  	v14 =	vld.idx.msk [tilespmem:v4+s29+$0x0], $0xffff;
	_ =	sdelay $0x4  }
0x41: {  	[tilespmem:$0xC920] =	vst v14  }
0x42: {  	v15 =	vld.idx.msk [tilespmem:v5+s29+$0x0], $0xffff;
	_ =	sdelay $0x4  }
0x43: {  	[tilespmem:$0xC930] =	vst v15  }
0x44: {  	v16 =	vld.idx.msk [tilespmem:v6+s29+$0x0], $0xffff;
	[tilespmem:$0xC800] =	vst v2  }
0x45: {  	[tilespmem:$0xC810] =	vst v2  }
0x46: {  	[tilespmem:$0xC820] =	vst v2  }
0x47: {  	[tilespmem:$0xC830] =	vst v2  }
0x48: {  	[tilespmem:$0xC840] =	vst v2  }
0x49: {  	[tilespmem:$0xC850] =	vst v2  }
0x4a: {  	[tilespmem:$0xC860] =	vst v2  }
0x4b: {  	v17 =	vimm.s32 $0x1;
	s30 =	simm.s32 $0x0;
	[tilespmem:$0xC940] =	vst v16  }
.LBB2_3:
0x4c: {  	v18 =	vmax.f32 v11, v13;
	v19 =	vmax.f32 v14, v15  }
0x4d: {  	v18 =	vmax.f32 v18, v19  }
0x4e: {  	v18 =	vmax.f32 v18, v16  }
0x4f: {  	(xrf0) =	vmax.scan.msk.f32 $0xffff, v18;
	_ =	sdelay $0x5  }
0x50: {  	v18, _, _ =	vpop (xrf0)  }
0x51: {  	v18 =	vbroadcast v18, $0xF;
	_ =	sdelay $0x1  }
0x52: {  	vm3 =	veq.f32 v11, v18;
	vm4 =	veq.f32 v15, v18  }
0x53: {  	vm5 =	veq.f32 v16, v18;
	vm6 =	veq.f32 v14, v18;
	v19 =	vmctz.xlane vm3  }
0x54: {  	vm3 =	veq.f32 v13, v18;
	v20 =	vmctz.xlane vm4;
	v21 =	vmctz.xlane vm5  }
0x55: {  	v23 =	vmctz.xlane vm6;
	v22 =	vmctz.xlane vm3  }
0x56: {  	vm3 =	vlt.s32 v20, $0x10;
	v20 =	vadd.s32 $0x30, v20;
	v21 =	vadd.s32 $0x40, v21  }
0x57: {  	vm12 =	vlt.s32 v23, $0x10;
	v23 =	vadd.s32 $0x20, v23;
	v20 =	vsel vm3, v20, v21  }
0x58: {  	vm3 =	vlt.s32 v22, $0x10;
	v54 =	vadd.s32 $0x10, v22;
	v20 =	vsel vm12, v23, v20  }
0x59: {  	vm13 =	vlt.s32 v19, $0x10;
	v20 =	vsel vm3, v54, v20  }
0x5a: {  	vm3 =	vle.f32 v18, $-1.000000020e+29;
	v19 =	vsel vm13, v19, v20  }
0x5b: {  	v20 =	vsel vm3, $0x0, v19;
	_ =	sdelay $0x4  }
0x5c: {  	v55 =	vld.idx.msk [tilespmem:v20+s23+$0x0], $0xffff;
	_ =	sdelay $0x4  }
0x5d: {  	v57 =	vshll.u32 v20, $0x7;
	v26 =	vand.u32 $0xFFFFFF80, v55  }
0x5e: {  	v21 =	vand.u32 $0x7F, v55;
	v23 =	vadd.s32 v26, v57  }
0x5f: {  	v56 =	vadd.s32 $0x1, v55;
	v21 =	vor.u32 v21, v23  }
0x60: {  	vm14 =	vlt.s32 v56, $0x6F  }
0x61: {  	v22 =	vnsel vm14, $0x6F, v56  }
0x62: {  	v58 =	vshra.s32 v20, $0x1F;
	v59 =	vand.u32 $0xF, v20;
	v24 =	vand.u32 $0xFFFFFF80, v22  }
0x63: {  	vm15 =	vlt.s32 v20, $0x1;
	v25 =	vand.u32 $0x7F, v22;
	v24 =	vadd.s32 v24, v57  }
0x64: {  	vm8 =	vne.s32 v59, $0x0;
	v24 =	vor.u32 v25, v24;
	v25 =	vshrl.u32 v58, $0x1C;
	v62 =	vld.idx.msk [tilespmem:v21+s20+$0x0], $0xffff  }
0x65: {  	v28 =	vmov s30;
	vm4 =	vmand vm15, vm8;
	v60 =	vadd.s32 v25, v20;
	v63 =	vld.idx.msk [tilespmem:v21+s21+$0x0], $0xffff  }
0x66: {  	v19 =	vadd.s32 $0x1, v19;
	v61 =	vsel vm4, $0xFFFFFFFF, v2;
	v23 =	vshra.s32 v60, $0x4;
	v27 =	vld.idx.msk [tilespmem:v21+s19+$0x0], $0xffff  }
0x67: {  	v7 =	vsel vm3, v7, v18;
	v17 =	vsel vm3, v17, v19;
	v21 =	vld.idx.msk [tilespmem:v21+s18+$0x0], $0xffff;
	v23 =	vadd.s32 v61, v23  }
0x68: {  	v19 =	vadd.s32 s29, v0;
	v25 =	vshll.u32 v23, $0x4;
	vm10 =	veq.s32 v23, $0x0  }
0x69: {  	vm11 =	veq.s32 v23, $0x1;
	vm12 =	veq.s32 v23, $0x2;
	v24 =	vld.idx.msk [tilespmem:v24+s5+$0x0], $0xffff;
	v25 =	vsub.s32 v20, v25  }
0x6a: {  	vm14 =	veq.s32 v23, $0x3;
	vm15 =	veq.s32 v23, $0x4;
	vm9 =	veq.s32 v25, v0  }
0x6b: {  	p0 =	sne.s32 s30, $0x63;
	[tilespmem:v20+s23+$0x0] =	vst.idx.msk $0x1, v22;
	vm5 =	vmand vm10, vm9;
	vm13 =	vmand vm12, vm9;
	v10 =	vsel vm3, v10, v62  }
.Ltmp1:
0x6c: {  	v12 =	vsel vm3, v12, v63;
	v9 =	vsel vm3, v9, v27;
	v8 =	vsel vm3, v8, v21;
	(pc) =	sbr.rel @p0 .LBB2_3-.Ltmp1, $4  }
0x6d: {  	[tilespmem:v28+s24+$0x0] =	vst.idx.msk $0x1, v7;
	vm3 =	vmand vm14, vm9;
	vm4 =	vmand vm15, vm9;
	v18 =	vsel vm1, v12, v10  }
0x6e: {  	[tilespmem:v28+s25+$0x0] =	vst.idx.msk $0x1, v17;
	v18 =	vsel vm2, v18, v9;
	v11 =	vsel vm5, v24, v11;
	vm5 =	vmand vm11, vm9  }
0x6f: {  	v14 =	vsel vm13, v24, v14;
	v18 =	vsel vm0, v8, v18;
	v15 =	vsel vm3, v24, v15  }
0x70: {  	s30 =	sadd.s32 $0x1, s30;
	s29 =	sadd.s32 $0x4, s29;
	v16 =	vsel vm4, v24, v16;
	v13 =	vsel vm5, v24, v13;
	[tilespmem:v19+s26+$0x0] =	vst.idx.msk $0xf, v18  }
0x71: {  	[hbm4b:s1+s5] =	stream.linear.scatter [tilespmem:s26], [sflag:$0x1], $0x200, $0x38;
	[tilespmem:$0xCC80] =	vst v63  }
0x72: {  	_ =	swait.ge [sflag:s17], $0x200  }
0x73: {  	[sflag:s17] =	ssyncset.done $0x0  }
0x74: {  	[sflag:s17] =	ssyncadd.s32 $0xFFFFFE00  }
0x75: {  	[hbm4b:s2+s5] =	stream.linear.scatter [tilespmem:s24], [sflag:$0x1], $0x80, $0x38;
	[tilespmem:$0xCC80] =	vst v63  }
0x76: {  	s28 =	sadd.s32 $0x1, s28;
	_ =	swait.ge [sflag:s17], $0x80  }
0x77: {  	p0 =	sne.s32 s28, s16;
	[sflag:s17] =	ssyncset.done $0x0  }
.Ltmp2:
0x78: {  	[sflag:s17] =	ssyncadd.s32 $0xFFFFFF80;
	(pc) =	sbr.rel @p0 .LBB2_2-.Ltmp2, $4  }
0x79: {  	[hbm4b:s4+s5] =	stream.linear.scatter [tilespmem:s25], [sflag:$0x1], $0x80, $0x38;
	[tilespmem:$0xCC80] =	vst v63  }
0x7a: {  	_ =	swait.ge [sflag:s17], $0x80  }
0x7b: {  	[sflag:s17] =	ssyncset.done $0x0  }
0x7c: {  	[sflag:s17] =	ssyncadd.s32 $0xFFFFFF80  }
.LBB2_5:
0x7d: {  	_ =	sfence.sel $0x180000  }
0x7e: {  	[bflag:$0x0] =	sbarrier.arrive $0xFFFF  }
0x7f: {  	p0 =	sne.s32 s3, $0x0;
	_ =	strace $0x9000004A  }
0x80: {  	s0 =	sadd.s32 @!p0 $0x100000, s0;
	[bflag:$0x2] =	sbarrier.arrive $0xFFFF  }
0x81: {  	[sflag:s0] =	ssyncadd.tile.s32 @!p0 $0x1;
	_ =	shalt  }
.Lfunc_end2:
_tile_overlayer_lowered:
.L_overlay_start_2:
0x82: {  	(tag) =	ssettag $0x2  }
0x83: {  	s0 =	rddreg [dreg:$0x0];
	s2 =	stileid.u32  }
0x84: {  	s1 =	rddreg [dreg:$0x1];
	p0 =	sne.s32 s2, $0x0  }
0x85: {  	s3 =	rddreg [dreg:$0x2];
	[bflag:$0x3] =	sbarrier.arrive $0xFFFF;
	s2 =	simm.s32 @!p0 $0x1C01  }
0x86: {  	[timem:s3], [sflag:s2] =	dma.local @!p0 [hbm:s0], s1  }
0x87: {  	s0 =	simm.s32 @!p0 $0x1  }
0x88: {  	_ =	swait.ge @!p0 [sflag:s0], s1  }
0x89: {  	s1 =	ssub.s32 @!p0 $0x0, s1;
	[sflag:s0] =	ssyncset.done @!p0 $0x0  }
0x8a: {  	[sflag:s0] =	ssyncadd.s32 @!p0 s1  }
0x8b: {  	[bflag:$0x3] =	sbarrier.arrive $0xFFFF  }
0x8c: {  	_ =	shalt  }

</sc_bundles>
